<compile_context>
chip_gen: v7x
topology: tpu7x:2x2x1
jax: 0.10.2.dev20260603
libtpu: 0.0.44.dev20260713+nightly
codegen_flags: <defaults>
</compile_context>

<pallas_src>
import jax
import jax.numpy as jnp
from jax import lax
from jax.experimental import pallas as pl
from jax.experimental.pallas import tpu as pltpu
from jax.experimental.pallas import tpu_sc as plsc

N_NODES = 10000
N_EDGES = 320000
D = 128

NC = 2
NS = 16
NW = NC * NS

EB = N_EDGES // NW
CHUNK = 125
NCHUNK = EB // CHUNK
HALF = NCHUNK // 2
J = 10
DEG_PAD = NC * NS * 320
ACC_PAD = 10240
ROWS_PER_TILE = ACC_PAD // NS



def _deg_body(edge_hbm, deg_out, dst_v, ones_v, zero_v, deg_sh):
    c = lax.axis_index("c")
    s = lax.axis_index("s")
    w = c * NS + s

    pltpu.sync_copy(edge_hbm.at[1, w], dst_v)

    z = jnp.zeros((16,), jnp.float32)
    for j in range(8):
        ones_v[pl.ds(j * 16, 16)] = z + 1.0
    for j in range(640 // 16):
        zero_v[pl.ds(j * 16, 16)] = z
    pltpu.sync_copy(zero_v, deg_sh.at[pl.ds(s * 640, 640)])
    plsc.subcore_barrier()

    def chunk(i, carry):
        pltpu.sync_copy(
            ones_v.at[pl.ds(0, CHUNK)], deg_sh.at[dst_v.at[i]], add=True
        )
        return carry

    lax.fori_loop(0, NCHUNK, chunk, 0)
    plsc.subcore_barrier()

    pltpu.sync_copy(
        deg_sh.at[pl.ds(s * 640, 640)],
        deg_out.at[c, pl.ds(s * 640, 640)],
    )


def _deg_partials(edge_r):
    mesh = plsc.VectorSubcoreMesh(
        core_axis_name="c", subcore_axis_name="s", num_cores=NC, num_subcores=NS
    )
    f = pl.kernel(
        _deg_body,
        out_type=jax.ShapeDtypeStruct((NC, DEG_PAD), jnp.float32),
        mesh=mesh,
        scratch_types=[
            pltpu.VMEM((NCHUNK, CHUNK), jnp.int32),
            pltpu.VMEM((128,), jnp.float32),
            pltpu.VMEM((640,), jnp.float32),
            pltpu.VMEM_SHARED((DEG_PAD,), jnp.float32),
        ],
    )
    return f(edge_r)



def _msg_body(h2_hbm, edge_hbm, acc_out, src_v, dst_v, rows0, rows1,
              acc_sh, gsem):
    c = lax.axis_index("c")
    s = lax.axis_index("s")
    w = c * NS + s
    bufs = (rows0, rows1)
    row0 = s * ROWS_PER_TILE

    pltpu.sync_copy(edge_hbm.at[0, w], src_v)

    z = jnp.zeros((16,), jnp.float32)

    def zrow(i, carry):
        for j in range(D // 16):
            rows0[i, pl.ds(j * 16, 16)] = z
        return carry

    lax.fori_loop(0, 128, zrow, 0)
    for r in range(ROWS_PER_TILE // 128):
        pltpu.sync_copy(
            rows0.at[pl.ds(0, 128)],
            acc_sh.at[pl.ds(row0 + r * 128, 128)],
        )

    plsc.subcore_barrier()

    for h in range(2):
        pltpu.sync_copy(edge_hbm.at[1, w, pl.ds(h * HALF, HALF)], dst_v)
        hbase = h * HALF

        def outer(k, carry):
            base = hbase + k * J
            lbase = k * J
            g_prev = pltpu.async_copy(
                h2_hbm.at[src_v.at[base]], bufs[0], gsem.at[0]
            )
            for j in range(J):
                b = j % 2
                nb = (j + 1) % 2
                if j + 1 < J:
                    g_next = pltpu.async_copy(
                        h2_hbm.at[src_v.at[base + j + 1]], bufs[nb],
                        gsem.at[nb],
                    )
                g_prev.wait()
                pltpu.sync_copy(
                    bufs[b], acc_sh.at[dst_v.at[lbase + j]], add=True
                )
                if j + 1 < J:
                    g_prev = g_next
            return carry

        lax.fori_loop(0, HALF // J, outer, 0)
    plsc.subcore_barrier()

    pltpu.sync_copy(
        acc_sh.at[pl.ds(row0, ROWS_PER_TILE)],
        acc_out.at[c, pl.ds(row0, ROWS_PER_TILE)],
    )


def _msg_partials(h2, edge_r):
    mesh = plsc.VectorSubcoreMesh(
        core_axis_name="c", subcore_axis_name="s", num_cores=NC, num_subcores=NS
    )
    f = pl.kernel(
        _msg_body,
        out_type=jax.ShapeDtypeStruct((NC, ACC_PAD, D), jnp.float32),
        mesh=mesh,
        scratch_types=[
            pltpu.VMEM((NCHUNK, CHUNK), jnp.int32),
            pltpu.VMEM((HALF, CHUNK), jnp.int32),
            pltpu.VMEM((CHUNK, D), jnp.float32),
            pltpu.VMEM((CHUNK, D), jnp.float32),
            pltpu.VMEM_SHARED((ACC_PAD, D), jnp.float32),
            pltpu.SemaphoreType.DMA((2,)),
        ],
    )
    return f(h2, edge_r)



def _mm_body(emb_ref, w_ref, out_ref):
    out_ref[...] = jnp.dot(
        emb_ref[...], w_ref[...], preferred_element_type=jnp.float32
    )


def _mm(embedding, W):
    bm = 2000
    return pl.pallas_call(
        _mm_body,
        grid=(N_NODES // bm,),
        in_specs=[
            pl.BlockSpec((bm, D), lambda i: (i, 0)),
            pl.BlockSpec((D, D), lambda i: (0, 0)),
        ],
        out_specs=pl.BlockSpec((bm, D), lambda i: (i, 0)),
        out_shape=jax.ShapeDtypeStruct((N_NODES, D), jnp.float32),
    )(embedding, W)


def _scale_body(h_ref, deg_ref, out_ref, dis_ref):
    deg = deg_ref[0, :N_NODES] + deg_ref[1, :N_NODES] + 1.0
    dis = lax.rsqrt(deg)[:, None]
    out_ref[...] = h_ref[...] * dis
    dis_ref[...] = dis


def _scale(h, deg):
    return pl.pallas_call(
        _scale_body,
        out_shape=[
            jax.ShapeDtypeStruct((N_NODES, D), jnp.float32),
            jax.ShapeDtypeStruct((N_NODES, 1), jnp.float32),
        ],
    )(h, deg)



def _final_body(acc_ref, h2_ref, dis_ref, b_ref, out_ref):
    tot = acc_ref[0] + acc_ref[1] + h2_ref[...]
    out_ref[...] = tot * dis_ref[...] + b_ref[...]


def _final(acc, h2, dis, b2d):
    bm = 2000
    grid = N_NODES // bm
    return pl.pallas_call(
        _final_body,
        grid=(grid,),
        in_specs=[
            pl.BlockSpec((NC, bm, D), lambda i: (0, i, 0)),
            pl.BlockSpec((bm, D), lambda i: (i, 0)),
            pl.BlockSpec((bm, 1), lambda i: (i, 0)),
            pl.BlockSpec((1, D), lambda i: (0, 0)),
        ],
        out_specs=pl.BlockSpec((bm, D), lambda i: (i, 0)),
        out_shape=jax.ShapeDtypeStruct((N_NODES, D), jnp.float32),
    )(acc, h2, dis, b2d)



@jax.jit
def kernel(embedding, top_to_bottom_edge_index, W, b):
    edge_r = top_to_bottom_edge_index.astype(jnp.int32).reshape(
        2, NW, NCHUNK, CHUNK
    )
    h = _mm(embedding, W)
    deg = _deg_partials(edge_r)
    h2, dis = _scale(h, deg)
    acc = _msg_partials(h2, edge_r)
    return _final(acc, h2, dis, b.reshape(1, D))

# --- scband reference (transcript-rebuilt; emitter-appended) ---
"""Pipeline reference for scband-top-to-bottom-layer-15590731285068 (READ-ONLY COPY).

The authoritative reference and input builder live on the scoring server;
editing this copy changes nothing except your own understanding.
"""

import jax, jax.numpy as jnp
import numpy as np

N_NODES = 10000
N_EDGES = 320000
D_IN = 128
D_OUT = 128


def setup_inputs(seed: int = 0) -> dict:
    key = jax.random.key(seed)
    k1, k2, k3, k4 = jax.random.split(key, 4)
    embedding = jax.random.normal(k1, (N_NODES, D_IN), dtype=jnp.float32)
    edge_index = jax.random.randint(k2, (2, N_EDGES), 0, N_NODES, dtype=jnp.int64)
    # GCNConv learned parameters (glorot-style init)
    W = jax.random.normal(k3, (D_IN, D_OUT), dtype=jnp.float32) * (1.0 / np.sqrt(D_IN))
    b = jnp.zeros((D_OUT,), dtype=jnp.float32)
    return {"embedding": embedding, "top_to_bottom_edge_index": edge_index, "W": W, "b": b}


def reference(embedding, top_to_bottom_edge_index, W, b):
    # Faithful GCNConv (PyG semantics): add self-loops, symmetric normalization,
    # linear transform, scatter-add aggregation, bias.
    N = embedding.shape[0]
    src = top_to_bottom_edge_index[0]
    dst = top_to_bottom_edge_index[1]
    loop = jnp.arange(N, dtype=src.dtype)
    src = jnp.concatenate([src, loop], axis=0)
    dst = jnp.concatenate([dst, loop], axis=0)
    # linear transform first (PyG applies lin before propagate)
    h = embedding @ W
    # degree of destination nodes (with self-loops)
    ones = jnp.ones(src.shape[0], dtype=h.dtype)
    deg = jnp.zeros((N,), dtype=h.dtype).at[dst].add(ones)
    deg_inv_sqrt = jnp.where(deg > 0, jax.lax.rsqrt(deg), 0.0)
    norm = deg_inv_sqrt[src] * deg_inv_sqrt[dst]
    # gather messages from source nodes, scale, scatter-add to destinations
    msg = h[src] * norm[:, None]
    out = jnp.zeros((N, h.shape[1]), dtype=h.dtype).at[dst].add(msg)
    return out + b

if __name__ == "__main__":
    import jax
    _d = setup_inputs()
    print(jax.jit(kernel)(*tuple(_d.values())))

</pallas_src>

<mosaic_0001>
#map = affine_map<(d0, d1) -> (0, 0, 0, 0)>
#map1 = affine_map<(d0, d1) -> (0, 0)>
module attributes {stable_mosaic.version = 14 : i64} {
  func.func @_deg_body(%arg0: i32, %arg1: i32, %arg2: memref<2x32x80x125xi32, #tpu.memory_space<hbm>>, %arg3: memref<2x10240xf32, #tpu.memory_space<hbm>>, %arg4: memref<80x125xi32, #tpu.memory_space<vmem>>, %arg5: memref<128xf32, #tpu.memory_space<vmem>>, %arg6: memref<640xf32, #tpu.memory_space<vmem>>, %arg7: memref<10240xf32, #tpu.memory_space<vmem_shared>>) attributes {dimension_semantics = [#tpu.dimension_semantics<core_parallel>, #tpu.dimension_semantics<subcore_parallel>], iteration_bounds = array<i64: 2, 16>, scalar_prefetch = 0 : i64, scratch_operands = 4 : i64, tpu.core_type = #tpu.core_type<sc_vector_subcore>, window_params = [{transform_indices = #map}, {transform_indices = #map1}]} {
    %mul3A = arith.constant 16 : i32
    %mul3A_0 = arith.muli %arg0, %mul3A : i32
    %add3A = arith.addi %mul3A_0, %arg1 : i32
    %run_scoped3A = arith.constant 1 : i32
    "tpu.region"() ({
      %run_scoped3A_229 = tpu.sem_alloc : memref<!tpu.dma_semaphore, #tpu.memory_space<semaphore_mem>>
      %dma_start3A = arith.constant 0 : i32
      %dma_start3A_230 = arith.constant 0 : i32
      %dma_start3A_231 = tpu.memref_slice %arg2[%run_scoped3A, %add3A, %dma_start3A, %dma_start3A_230] : memref<2x32x80x125xi32, #tpu.memory_space<hbm>> -> memref<1x1x80x125xi32, #tpu.memory_space<hbm>>
      %dma_start3A_232 = tpu.memref_squeeze %dma_start3A_231 : memref<1x1x80x125xi32, #tpu.memory_space<hbm>> -> memref<80x125xi32, #tpu.memory_space<hbm>>
      %dma_start3A_233 = arith.constant 0 : i32
      %dma_start3A_234 = arith.constant 0 : i32
      %dma_start3A_235 = tpu.memref_slice %arg2[%run_scoped3A, %add3A, %dma_start3A_233, %dma_start3A_234] : memref<2x32x80x125xi32, #tpu.memory_space<hbm>> -> memref<1x1x80x125xi32, #tpu.memory_space<hbm>>
      %dma_start3A_236 = tpu.memref_squeeze %dma_start3A_235 : memref<1x1x80x125xi32, #tpu.memory_space<hbm>> -> memref<80x125xi32, #tpu.memory_space<hbm>>
      tpu.enqueue_dma source(%dma_start3A_236 : memref<80x125xi32, #tpu.memory_space<hbm>>) target(%arg4 : memref<80x125xi32, #tpu.memory_space<vmem>>) target_semaphore(%run_scoped3A_229 : memref<!tpu.dma_semaphore, #tpu.memory_space<semaphore_mem>>)
      %dma_wait3A = arith.constant 0 : i32
      %dma_wait3A_237 = arith.constant 0 : i32
      %dma_wait3A_238 = tpu.memref_slice %arg2[%run_scoped3A, %add3A, %dma_wait3A, %dma_wait3A_237] : memref<2x32x80x125xi32, #tpu.memory_space<hbm>> -> memref<1x1x80x125xi32, #tpu.memory_space<hbm>>
      %dma_wait3A_239 = tpu.memref_squeeze %dma_wait3A_238 : memref<1x1x80x125xi32, #tpu.memory_space<hbm>> -> memref<80x125xi32, #tpu.memory_space<hbm>>
      %dma_wait3A_240 = arith.constant 0 : i32
      %dma_wait3A_241 = arith.constant 0 : i32
      %dma_wait3A_242 = tpu.memref_slice %arg2[%run_scoped3A, %add3A, %dma_wait3A_240, %dma_wait3A_241] : memref<2x32x80x125xi32, #tpu.memory_space<hbm>> -> memref<1x1x80x125xi32, #tpu.memory_space<hbm>>
      %dma_wait3A_243 = tpu.memref_squeeze %dma_wait3A_242 : memref<1x1x80x125xi32, #tpu.memory_space<hbm>> -> memref<80x125xi32, #tpu.memory_space<hbm>>
      tpu.wait_dma2 semaphore(%run_scoped3A_229 : memref<!tpu.dma_semaphore, #tpu.memory_space<semaphore_mem>>) src(%dma_wait3A_243 : memref<80x125xi32, #tpu.memory_space<hbm>>) dst(%arg4 : memref<80x125xi32, #tpu.memory_space<vmem>>)
      tpu.yield
    }) : () -> ()
    %broadcast_in_dim3A = arith.constant 0.000000e+00 : f32
    %broadcast_in_dim3A_1 = vector.broadcast %broadcast_in_dim3A : f32 to vector<16xf32>
    %add3A_2 = arith.constant 1.000000e+00 : f32
    %add3A_3 = vector.broadcast %add3A_2 : f32 to vector<16xf32>
    %add3A_4 = arith.addf %broadcast_in_dim3A_1, %add3A_3 : vector<16xf32>
    %swap3A = arith.constant 0 : index
    %swap3A_5 = tpu.vector_load %arg5[%swap3A] {strides = array<i32>} : memref<128xf32, #tpu.memory_space<vmem>>, vector<16xf32>,
    %swap3A_6 = vector.shape_cast %swap3A_5 : vector<16xf32> to vector<16xf32>
    %swap3A_7 = vector.shape_cast %add3A_4 : vector<16xf32> to vector<16xf32>
    tpu.vector_store %arg5[%swap3A], %swap3A_7 {strides = array<i32>} : memref<128xf32, #tpu.memory_space<vmem>>, vector<16xf32>,
    %add3A_8 = arith.constant 1.000000e+00 : f32
    %add3A_9 = vector.broadcast %add3A_8 : f32 to vector<16xf32>
    %add3A_10 = arith.addf %broadcast_in_dim3A_1, %add3A_9 : vector<16xf32>
    %swap3A_11 = arith.constant 16 : index
    %swap3A_12 = tpu.vector_load %arg5[%swap3A_11] {strides = array<i32>} : memref<128xf32, #tpu.memory_space<vmem>>, vector<16xf32>,
    %swap3A_13 = vector.shape_cast %swap3A_12 : vector<16xf32> to vector<16xf32>
    %swap3A_14 = vector.shape_cast %add3A_10 : vector<16xf32> to vector<16xf32>
    tpu.vector_store %arg5[%swap3A_11], %swap3A_14 {strides = array<i32>} : memref<128xf32, #tpu.memory_space<vmem>>, vector<16xf32>,
    %add3A_15 = arith.constant 1.000000e+00 : f32
    %add3A_16 = vector.broadcast %add3A_15 : f32 to vector<16xf32>
    %add3A_17 = arith.addf %broadcast_in_dim3A_1, %add3A_16 : vector<16xf32>
    %swap3A_18 = arith.constant 32 : index
    %swap3A_19 = tpu.vector_load %arg5[%swap3A_18] {strides = array<i32>} : memref<128xf32, #tpu.memory_space<vmem>>, vector<16xf32>,
    %swap3A_20 = vector.shape_cast %swap3A_19 : vector<16xf32> to vector<16xf32>
    %swap3A_21 = vector.shape_cast %add3A_17 : vector<16xf32> to vector<16xf32>
    tpu.vector_store %arg5[%swap3A_18], %swap3A_21 {strides = array<i32>} : memref<128xf32, #tpu.memory_space<vmem>>, vector<16xf32>,
    %add3A_22 = arith.constant 1.000000e+00 : f32
    %add3A_23 = vector.broadcast %add3A_22 : f32 to vector<16xf32>
    %add3A_24 = arith.addf %broadcast_in_dim3A_1, %add3A_23 : vector<16xf32>
    %swap3A_25 = arith.constant 48 : index
    %swap3A_26 = tpu.vector_load %arg5[%swap3A_25] {strides = array<i32>} : memref<128xf32, #tpu.memory_space<vmem>>, vector<16xf32>,
    %swap3A_27 = vector.shape_cast %swap3A_26 : vector<16xf32> to vector<16xf32>
    %swap3A_28 = vector.shape_cast %add3A_24 : vector<16xf32> to vector<16xf32>
    tpu.vector_store %arg5[%swap3A_25], %swap3A_28 {strides = array<i32>} : memref<128xf32, #tpu.memory_space<vmem>>, vector<16xf32>,
    %add3A_29 = arith.constant 1.000000e+00 : f32
    %add3A_30 = vector.broadcast %add3A_29 : f32 to vector<16xf32>
    %add3A_31 = arith.addf %broadcast_in_dim3A_1, %add3A_30 : vector<16xf32>
    %swap3A_32 = arith.constant 64 : index
    %swap3A_33 = tpu.vector_load %arg5[%swap3A_32] {strides = array<i32>} : memref<128xf32, #tpu.memory_space<vmem>>, vector<16xf32>,
    %swap3A_34 = vector.shape_cast %swap3A_33 : vector<16xf32> to vector<16xf32>
    %swap3A_35 = vector.shape_cast %add3A_31 : vector<16xf32> to vector<16xf32>
    tpu.vector_store %arg5[%swap3A_32], %swap3A_35 {strides = array<i32>} : memref<128xf32, #tpu.memory_space<vmem>>, vector<16xf32>,
    %add3A_36 = arith.constant 1.000000e+00 : f32
    %add3A_37 = vector.broadcast %add3A_36 : f32 to vector<16xf32>
    %add3A_38 = arith.addf %broadcast_in_dim3A_1, %add3A_37 : vector<16xf32>
    %swap3A_39 = arith.constant 80 : index
    %swap3A_40 = tpu.vector_load %arg5[%swap3A_39] {strides = array<i32>} : memref<128xf32, #tpu.memory_space<vmem>>, vector<16xf32>,
    %swap3A_41 = vector.shape_cast %swap3A_40 : vector<16xf32> to vector<16xf32>
    %swap3A_42 = vector.shape_cast %add3A_38 : vector<16xf32> to vector<16xf32>
    tpu.vector_store %arg5[%swap3A_39], %swap3A_42 {strides = array<i32>} : memref<128xf32, #tpu.memory_space<vmem>>, vector<16xf32>,
    %add3A_43 = arith.constant 1.000000e+00 : f32
    %add3A_44 = vector.broadcast %add3A_43 : f32 to vector<16xf32>
    %add3A_45 = arith.addf %broadcast_in_dim3A_1, %add3A_44 : vector<16xf32>
    %swap3A_46 = arith.constant 96 : index
    %swap3A_47 = tpu.vector_load %arg5[%swap3A_46] {strides = array<i32>} : memref<128xf32, #tpu.memory_space<vmem>>, vector<16xf32>,
    %swap3A_48 = vector.shape_cast %swap3A_47 : vector<16xf32> to vector<16xf32>
    %swap3A_49 = vector.shape_cast %add3A_45 : vector<16xf32> to vector<16xf32>
    tpu.vector_store %arg5[%swap3A_46], %swap3A_49 {strides = array<i32>} : memref<128xf32, #tpu.memory_space<vmem>>, vector<16xf32>,
    %add3A_50 = arith.constant 1.000000e+00 : f32
    %add3A_51 = vector.broadcast %add3A_50 : f32 to vector<16xf32>
    %add3A_52 = arith.addf %broadcast_in_dim3A_1, %add3A_51 : vector<16xf32>
    %swap3A_53 = arith.constant 112 : index
    %swap3A_54 = tpu.vector_load %arg5[%swap3A_53] {strides = array<i32>} : memref<128xf32, #tpu.memory_space<vmem>>, vector<16xf32>,
    %swap3A_55 = vector.shape_cast %swap3A_54 : vector<16xf32> to vector<16xf32>
    %swap3A_56 = vector.shape_cast %add3A_52 : vector<16xf32> to vector<16xf32>
    tpu.vector_store %arg5[%swap3A_53], %swap3A_56 {strides = array<i32>} : memref<128xf32, #tpu.memory_space<vmem>>, vector<16xf32>,
    %swap3A_57 = arith.constant 0 : index
    %swap3A_58 = tpu.vector_load %arg6[%swap3A_57] {strides = array<i32>} : memref<640xf32, #tpu.memory_space<vmem>>, vector<16xf32>,
    %swap3A_59 = vector.shape_cast %swap3A_58 : vector<16xf32> to vector<16xf32>
    %swap3A_60 = vector.shape_cast %broadcast_in_dim3A_1 : vector<16xf32> to vector<16xf32>
    tpu.vector_store %arg6[%swap3A_57], %swap3A_60 {strides = array<i32>} : memref<640xf32, #tpu.memory_space<vmem>>, vector<16xf32>,
    %swap3A_61 = arith.constant 16 : index
    %swap3A_62 = tpu.vector_load %arg6[%swap3A_61] {strides = array<i32>} : memref<640xf32, #tpu.memory_space<vmem>>, vector<16xf32>,
    %swap3A_63 = vector.shape_cast %swap3A_62 : vector<16xf32> to vector<16xf32>
    %swap3A_64 = vector.shape_cast %broadcast_in_dim3A_1 : vector<16xf32> to vector<16xf32>
    tpu.vector_store %arg6[%swap3A_61], %swap3A_64 {strides = array<i32>} : memref<640xf32, #tpu.memory_space<vmem>>, vector<16xf32>,
    %swap3A_65 = arith.constant 32 : index
    %swap3A_66 = tpu.vector_load %arg6[%swap3A_65] {strides = array<i32>} : memref<640xf32, #tpu.memory_space<vmem>>, vector<16xf32>,
    %swap3A_67 = vector.shape_cast %swap3A_66 : vector<16xf32> to vector<16xf32>
    %swap3A_68 = vector.shape_cast %broadcast_in_dim3A_1 : vector<16xf32> to vector<16xf32>
    tpu.vector_store %arg6[%swap3A_65], %swap3A_68 {strides = array<i32>} : memref<640xf32, #tpu.memory_space<vmem>>, vector<16xf32>,
    %swap3A_69 = arith.constant 48 : index
    %swap3A_70 = tpu.vector_load %arg6[%swap3A_69] {strides = array<i32>} : memref<640xf32, #tpu.memory_space<vmem>>, vector<16xf32>,
    %swap3A_71 = vector.shape_cast %swap3A_70 : vector<16xf32> to vector<16xf32>
    %swap3A_72 = vector.shape_cast %broadcast_in_dim3A_1 : vector<16xf32> to vector<16xf32>
    tpu.vector_store %arg6[%swap3A_69], %swap3A_72 {strides = array<i32>} : memref<640xf32, #tpu.memory_space<vmem>>, vector<16xf32>,
    %swap3A_73 = arith.constant 64 : index
    %swap3A_74 = tpu.vector_load %arg6[%swap3A_73] {strides = array<i32>} : memref<640xf32, #tpu.memory_space<vmem>>, vector<16xf32>,
    %swap3A_75 = vector.shape_cast %swap3A_74 : vector<16xf32> to vector<16xf32>
    %swap3A_76 = vector.shape_cast %broadcast_in_dim3A_1 : vector<16xf32> to vector<16xf32>
    tpu.vector_store %arg6[%swap3A_73], %swap3A_76 {strides = array<i32>} : memref<640xf32, #tpu.memory_space<vmem>>, vector<16xf32>,
    %swap3A_77 = arith.constant 80 : index
    %swap3A_78 = tpu.vector_load %arg6[%swap3A_77] {strides = array<i32>} : memref<640xf32, #tpu.memory_space<vmem>>, vector<16xf32>,
    %swap3A_79 = vector.shape_cast %swap3A_78 : vector<16xf32> to vector<16xf32>
    %swap3A_80 = vector.shape_cast %broadcast_in_dim3A_1 : vector<16xf32> to vector<16xf32>
    tpu.vector_store %arg6[%swap3A_77], %swap3A_80 {strides = array<i32>} : memref<640xf32, #tpu.memory_space<vmem>>, vector<16xf32>,
    %swap3A_81 = arith.constant 96 : index
    %swap3A_82 = tpu.vector_load %arg6[%swap3A_81] {strides = array<i32>} : memref<640xf32, #tpu.memory_space<vmem>>, vector<16xf32>,
    %swap3A_83 = vector.shape_cast %swap3A_82 : vector<16xf32> to vector<16xf32>
    %swap3A_84 = vector.shape_cast %broadcast_in_dim3A_1 : vector<16xf32> to vector<16xf32>
    tpu.vector_store %arg6[%swap3A_81], %swap3A_84 {strides = array<i32>} : memref<640xf32, #tpu.memory_space<vmem>>, vector<16xf32>,
    %swap3A_85 = arith.constant 112 : index
    %swap3A_86 = tpu.vector_load %arg6[%swap3A_85] {strides = array<i32>} : memref<640xf32, #tpu.memory_space<vmem>>, vector<16xf32>,
    %swap3A_87 = vector.shape_cast %swap3A_86 : vector<16xf32> to vector<16xf32>
    %swap3A_88 = vector.shape_cast %broadcast_in_dim3A_1 : vector<16xf32> to vector<16xf32>
    tpu.vector_store %arg6[%swap3A_85], %swap3A_88 {strides = array<i32>} : memref<640xf32, #tpu.memory_space<vmem>>, vector<16xf32>,
    %swap3A_89 = arith.constant 128 : index
    %swap3A_90 = tpu.vector_load %arg6[%swap3A_89] {strides = array<i32>} : memref<640xf32, #tpu.memory_space<vmem>>, vector<16xf32>,
    %swap3A_91 = vector.shape_cast %swap3A_90 : vector<16xf32> to vector<16xf32>
    %swap3A_92 = vector.shape_cast %broadcast_in_dim3A_1 : vector<16xf32> to vector<16xf32>
    tpu.vector_store %arg6[%swap3A_89], %swap3A_92 {strides = array<i32>} : memref<640xf32, #tpu.memory_space<vmem>>, vector<16xf32>,
    %swap3A_93 = arith.constant 144 : index
    %swap3A_94 = tpu.vector_load %arg6[%swap3A_93] {strides = array<i32>} : memref<640xf32, #tpu.memory_space<vmem>>, vector<16xf32>,
    %swap3A_95 = vector.shape_cast %swap3A_94 : vector<16xf32> to vector<16xf32>
    %swap3A_96 = vector.shape_cast %broadcast_in_dim3A_1 : vector<16xf32> to vector<16xf32>
    tpu.vector_store %arg6[%swap3A_93], %swap3A_96 {strides = array<i32>} : memref<640xf32, #tpu.memory_space<vmem>>, vector<16xf32>,
    %swap3A_97 = arith.constant 160 : index
    %swap3A_98 = tpu.vector_load %arg6[%swap3A_97] {strides = array<i32>} : memref<640xf32, #tpu.memory_space<vmem>>, vector<16xf32>,
    %swap3A_99 = vector.shape_cast %swap3A_98 : vector<16xf32> to vector<16xf32>
    %swap3A_100 = vector.shape_cast %broadcast_in_dim3A_1 : vector<16xf32> to vector<16xf32>
    tpu.vector_store %arg6[%swap3A_97], %swap3A_100 {strides = array<i32>} : memref<640xf32, #tpu.memory_space<vmem>>, vector<16xf32>,
    %swap3A_101 = arith.constant 176 : index
    %swap3A_102 = tpu.vector_load %arg6[%swap3A_101] {strides = array<i32>} : memref<640xf32, #tpu.memory_space<vmem>>, vector<16xf32>,
    %swap3A_103 = vector.shape_cast %swap3A_102 : vector<16xf32> to vector<16xf32>
    %swap3A_104 = vector.shape_cast %broadcast_in_dim3A_1 : vector<16xf32> to vector<16xf32>
    tpu.vector_store %arg6[%swap3A_101], %swap3A_104 {strides = array<i32>} : memref<640xf32, #tpu.memory_space<vmem>>, vector<16xf32>,
    %swap3A_105 = arith.constant 192 : index
    %swap3A_106 = tpu.vector_load %arg6[%swap3A_105] {strides = array<i32>} : memref<640xf32, #tpu.memory_space<vmem>>, vector<16xf32>,
    %swap3A_107 = vector.shape_cast %swap3A_106 : vector<16xf32> to vector<16xf32>
    %swap3A_108 = vector.shape_cast %broadcast_in_dim3A_1 : vector<16xf32> to vector<16xf32>
    tpu.vector_store %arg6[%swap3A_105], %swap3A_108 {strides = array<i32>} : memref<640xf32, #tpu.memory_space<vmem>>, vector<16xf32>,
    %swap3A_109 = arith.constant 208 : index
    %swap3A_110 = tpu.vector_load %arg6[%swap3A_109] {strides = array<i32>} : memref<640xf32, #tpu.memory_space<vmem>>, vector<16xf32>,
    %swap3A_111 = vector.shape_cast %swap3A_110 : vector<16xf32> to vector<16xf32>
    %swap3A_112 = vector.shape_cast %broadcast_in_dim3A_1 : vector<16xf32> to vector<16xf32>
    tpu.vector_store %arg6[%swap3A_109], %swap3A_112 {strides = array<i32>} : memref<640xf32, #tpu.memory_space<vmem>>, vector<16xf32>,
    %swap3A_113 = arith.constant 224 : index
    %swap3A_114 = tpu.vector_load %arg6[%swap3A_113] {strides = array<i32>} : memref<640xf32, #tpu.memory_space<vmem>>, vector<16xf32>,
    %swap3A_115 = vector.shape_cast %swap3A_114 : vector<16xf32> to vector<16xf32>
    %swap3A_116 = vector.shape_cast %broadcast_in_dim3A_1 : vector<16xf32> to vector<16xf32>
    tpu.vector_store %arg6[%swap3A_113], %swap3A_116 {strides = array<i32>} : memref<640xf32, #tpu.memory_space<vmem>>, vector<16xf32>,
    %swap3A_117 = arith.constant 240 : index
    %swap3A_118 = tpu.vector_load %arg6[%swap3A_117] {strides = array<i32>} : memref<640xf32, #tpu.memory_space<vmem>>, vector<16xf32>,
    %swap3A_119 = vector.shape_cast %swap3A_118 : vector<16xf32> to vector<16xf32>
    %swap3A_120 = vector.shape_cast %broadcast_in_dim3A_1 : vector<16xf32> to vector<16xf32>
    tpu.vector_store %arg6[%swap3A_117], %swap3A_120 {strides = array<i32>} : memref<640xf32, #tpu.memory_space<vmem>>, vector<16xf32>,
    %swap3A_121 = arith.constant 256 : index
    %swap3A_122 = tpu.vector_load %arg6[%swap3A_121] {strides = array<i32>} : memref<640xf32, #tpu.memory_space<vmem>>, vector<16xf32>,
    %swap3A_123 = vector.shape_cast %swap3A_122 : vector<16xf32> to vector<16xf32>
    %swap3A_124 = vector.shape_cast %broadcast_in_dim3A_1 : vector<16xf32> to vector<16xf32>
    tpu.vector_store %arg6[%swap3A_121], %swap3A_124 {strides = array<i32>} : memref<640xf32, #tpu.memory_space<vmem>>, vector<16xf32>,
    %swap3A_125 = arith.constant 272 : index
    %swap3A_126 = tpu.vector_load %arg6[%swap3A_125] {strides = array<i32>} : memref<640xf32, #tpu.memory_space<vmem>>, vector<16xf32>,
    %swap3A_127 = vector.shape_cast %swap3A_126 : vector<16xf32> to vector<16xf32>
    %swap3A_128 = vector.shape_cast %broadcast_in_dim3A_1 : vector<16xf32> to vector<16xf32>
    tpu.vector_store %arg6[%swap3A_125], %swap3A_128 {strides = array<i32>} : memref<640xf32, #tpu.memory_space<vmem>>, vector<16xf32>,
    %swap3A_129 = arith.constant 288 : index
    %swap3A_130 = tpu.vector_load %arg6[%swap3A_129] {strides = array<i32>} : memref<640xf32, #tpu.memory_space<vmem>>, vector<16xf32>,
    %swap3A_131 = vector.shape_cast %swap3A_130 : vector<16xf32> to vector<16xf32>
    %swap3A_132 = vector.shape_cast %broadcast_in_dim3A_1 : vector<16xf32> to vector<16xf32>
    tpu.vector_store %arg6[%swap3A_129], %swap3A_132 {strides = array<i32>} : memref<640xf32, #tpu.memory_space<vmem>>, vector<16xf32>,
    %swap3A_133 = arith.constant 304 : index
    %swap3A_134 = tpu.vector_load %arg6[%swap3A_133] {strides = array<i32>} : memref<640xf32, #tpu.memory_space<vmem>>, vector<16xf32>,
    %swap3A_135 = vector.shape_cast %swap3A_134 : vector<16xf32> to vector<16xf32>
    %swap3A_136 = vector.shape_cast %broadcast_in_dim3A_1 : vector<16xf32> to vector<16xf32>
    tpu.vector_store %arg6[%swap3A_133], %swap3A_136 {strides = array<i32>} : memref<640xf32, #tpu.memory_space<vmem>>, vector<16xf32>,
    %swap3A_137 = arith.constant 320 : index
    %swap3A_138 = tpu.vector_load %arg6[%swap3A_137] {strides = array<i32>} : memref<640xf32, #tpu.memory_space<vmem>>, vector<16xf32>,
    %swap3A_139 = vector.shape_cast %swap3A_138 : vector<16xf32> to vector<16xf32>
    %swap3A_140 = vector.shape_cast %broadcast_in_dim3A_1 : vector<16xf32> to vector<16xf32>
    tpu.vector_store %arg6[%swap3A_137], %swap3A_140 {strides = array<i32>} : memref<640xf32, #tpu.memory_space<vmem>>, vector<16xf32>,
    %swap3A_141 = arith.constant 336 : index
    %swap3A_142 = tpu.vector_load %arg6[%swap3A_141] {strides = array<i32>} : memref<640xf32, #tpu.memory_space<vmem>>, vector<16xf32>,
    %swap3A_143 = vector.shape_cast %swap3A_142 : vector<16xf32> to vector<16xf32>
    %swap3A_144 = vector.shape_cast %broadcast_in_dim3A_1 : vector<16xf32> to vector<16xf32>
    tpu.vector_store %arg6[%swap3A_141], %swap3A_144 {strides = array<i32>} : memref<640xf32, #tpu.memory_space<vmem>>, vector<16xf32>,
    %swap3A_145 = arith.constant 352 : index
    %swap3A_146 = tpu.vector_load %arg6[%swap3A_145] {strides = array<i32>} : memref<640xf32, #tpu.memory_space<vmem>>, vector<16xf32>,
    %swap3A_147 = vector.shape_cast %swap3A_146 : vector<16xf32> to vector<16xf32>
    %swap3A_148 = vector.shape_cast %broadcast_in_dim3A_1 : vector<16xf32> to vector<16xf32>
    tpu.vector_store %arg6[%swap3A_145], %swap3A_148 {strides = array<i32>} : memref<640xf32, #tpu.memory_space<vmem>>, vector<16xf32>,
    %swap3A_149 = arith.constant 368 : index
    %swap3A_150 = tpu.vector_load %arg6[%swap3A_149] {strides = array<i32>} : memref<640xf32, #tpu.memory_space<vmem>>, vector<16xf32>,
    %swap3A_151 = vector.shape_cast %swap3A_150 : vector<16xf32> to vector<16xf32>
    %swap3A_152 = vector.shape_cast %broadcast_in_dim3A_1 : vector<16xf32> to vector<16xf32>
    tpu.vector_store %arg6[%swap3A_149], %swap3A_152 {strides = array<i32>} : memref<640xf32, #tpu.memory_space<vmem>>, vector<16xf32>,
    %swap3A_153 = arith.constant 384 : index
    %swap3A_154 = tpu.vector_load %arg6[%swap3A_153] {strides = array<i32>} : memref<640xf32, #tpu.memory_space<vmem>>, vector<16xf32>,
    %swap3A_155 = vector.shape_cast %swap3A_154 : vector<16xf32> to vector<16xf32>
    %swap3A_156 = vector.shape_cast %broadcast_in_dim3A_1 : vector<16xf32> to vector<16xf32>
    tpu.vector_store %arg6[%swap3A_153], %swap3A_156 {strides = array<i32>} : memref<640xf32, #tpu.memory_space<vmem>>, vector<16xf32>,
    %swap3A_157 = arith.constant 400 : index
    %swap3A_158 = tpu.vector_load %arg6[%swap3A_157] {strides = array<i32>} : memref<640xf32, #tpu.memory_space<vmem>>, vector<16xf32>,
    %swap3A_159 = vector.shape_cast %swap3A_158 : vector<16xf32> to vector<16xf32>
    %swap3A_160 = vector.shape_cast %broadcast_in_dim3A_1 : vector<16xf32> to vector<16xf32>
    tpu.vector_store %arg6[%swap3A_157], %swap3A_160 {strides = array<i32>} : memref<640xf32, #tpu.memory_space<vmem>>, vector<16xf32>,
    %swap3A_161 = arith.constant 416 : index
    %swap3A_162 = tpu.vector_load %arg6[%swap3A_161] {strides = array<i32>} : memref<640xf32, #tpu.memory_space<vmem>>, vector<16xf32>,
    %swap3A_163 = vector.shape_cast %swap3A_162 : vector<16xf32> to vector<16xf32>
    %swap3A_164 = vector.shape_cast %broadcast_in_dim3A_1 : vector<16xf32> to vector<16xf32>
    tpu.vector_store %arg6[%swap3A_161], %swap3A_164 {strides = array<i32>} : memref<640xf32, #tpu.memory_space<vmem>>, vector<16xf32>,
    %swap3A_165 = arith.constant 432 : index
    %swap3A_166 = tpu.vector_load %arg6[%swap3A_165] {strides = array<i32>} : memref<640xf32, #tpu.memory_space<vmem>>, vector<16xf32>,
    %swap3A_167 = vector.shape_cast %swap3A_166 : vector<16xf32> to vector<16xf32>
    %swap3A_168 = vector.shape_cast %broadcast_in_dim3A_1 : vector<16xf32> to vector<16xf32>
    tpu.vector_store %arg6[%swap3A_165], %swap3A_168 {strides = array<i32>} : memref<640xf32, #tpu.memory_space<vmem>>, vector<16xf32>,
    %swap3A_169 = arith.constant 448 : index
    %swap3A_170 = tpu.vector_load %arg6[%swap3A_169] {strides = array<i32>} : memref<640xf32, #tpu.memory_space<vmem>>, vector<16xf32>,
    %swap3A_171 = vector.shape_cast %swap3A_170 : vector<16xf32> to vector<16xf32>
    %swap3A_172 = vector.shape_cast %broadcast_in_dim3A_1 : vector<16xf32> to vector<16xf32>
    tpu.vector_store %arg6[%swap3A_169], %swap3A_172 {strides = array<i32>} : memref<640xf32, #tpu.memory_space<vmem>>, vector<16xf32>,
    %swap3A_173 = arith.constant 464 : index
    %swap3A_174 = tpu.vector_load %arg6[%swap3A_173] {strides = array<i32>} : memref<640xf32, #tpu.memory_space<vmem>>, vector<16xf32>,
    %swap3A_175 = vector.shape_cast %swap3A_174 : vector<16xf32> to vector<16xf32>
    %swap3A_176 = vector.shape_cast %broadcast_in_dim3A_1 : vector<16xf32> to vector<16xf32>
    tpu.vector_store %arg6[%swap3A_173], %swap3A_176 {strides = array<i32>} : memref<640xf32, #tpu.memory_space<vmem>>, vector<16xf32>,
    %swap3A_177 = arith.constant 480 : index
    %swap3A_178 = tpu.vector_load %arg6[%swap3A_177] {strides = array<i32>} : memref<640xf32, #tpu.memory_space<vmem>>, vector<16xf32>,
    %swap3A_179 = vector.shape_cast %swap3A_178 : vector<16xf32> to vector<16xf32>
    %swap3A_180 = vector.shape_cast %broadcast_in_dim3A_1 : vector<16xf32> to vector<16xf32>
    tpu.vector_store %arg6[%swap3A_177], %swap3A_180 {strides = array<i32>} : memref<640xf32, #tpu.memory_space<vmem>>, vector<16xf32>,
    %swap3A_181 = arith.constant 496 : index
    %swap3A_182 = tpu.vector_load %arg6[%swap3A_181] {strides = array<i32>} : memref<640xf32, #tpu.memory_space<vmem>>, vector<16xf32>,
    %swap3A_183 = vector.shape_cast %swap3A_182 : vector<16xf32> to vector<16xf32>
    %swap3A_184 = vector.shape_cast %broadcast_in_dim3A_1 : vector<16xf32> to vector<16xf32>
    tpu.vector_store %arg6[%swap3A_181], %swap3A_184 {strides = array<i32>} : memref<640xf32, #tpu.memory_space<vmem>>, vector<16xf32>,
    %swap3A_185 = arith.constant 512 : index
    %swap3A_186 = tpu.vector_load %arg6[%swap3A_185] {strides = array<i32>} : memref<640xf32, #tpu.memory_space<vmem>>, vector<16xf32>,
    %swap3A_187 = vector.shape_cast %swap3A_186 : vector<16xf32> to vector<16xf32>
    %swap3A_188 = vector.shape_cast %broadcast_in_dim3A_1 : vector<16xf32> to vector<16xf32>
    tpu.vector_store %arg6[%swap3A_185], %swap3A_188 {strides = array<i32>} : memref<640xf32, #tpu.memory_space<vmem>>, vector<16xf32>,
    %swap3A_189 = arith.constant 528 : index
    %swap3A_190 = tpu.vector_load %arg6[%swap3A_189] {strides = array<i32>} : memref<640xf32, #tpu.memory_space<vmem>>, vector<16xf32>,
    %swap3A_191 = vector.shape_cast %swap3A_190 : vector<16xf32> to vector<16xf32>
    %swap3A_192 = vector.shape_cast %broadcast_in_dim3A_1 : vector<16xf32> to vector<16xf32>
    tpu.vector_store %arg6[%swap3A_189], %swap3A_192 {strides = array<i32>} : memref<640xf32, #tpu.memory_space<vmem>>, vector<16xf32>,
    %swap3A_193 = arith.constant 544 : index
    %swap3A_194 = tpu.vector_load %arg6[%swap3A_193] {strides = array<i32>} : memref<640xf32, #tpu.memory_space<vmem>>, vector<16xf32>,
    %swap3A_195 = vector.shape_cast %swap3A_194 : vector<16xf32> to vector<16xf32>
    %swap3A_196 = vector.shape_cast %broadcast_in_dim3A_1 : vector<16xf32> to vector<16xf32>
    tpu.vector_store %arg6[%swap3A_193], %swap3A_196 {strides = array<i32>} : memref<640xf32, #tpu.memory_space<vmem>>, vector<16xf32>,
    %swap3A_197 = arith.constant 560 : index
    %swap3A_198 = tpu.vector_load %arg6[%swap3A_197] {strides = array<i32>} : memref<640xf32, #tpu.memory_space<vmem>>, vector<16xf32>,
    %swap3A_199 = vector.shape_cast %swap3A_198 : vector<16xf32> to vector<16xf32>
    %swap3A_200 = vector.shape_cast %broadcast_in_dim3A_1 : vector<16xf32> to vector<16xf32>
    tpu.vector_store %arg6[%swap3A_197], %swap3A_200 {strides = array<i32>} : memref<640xf32, #tpu.memory_space<vmem>>, vector<16xf32>,
    %swap3A_201 = arith.constant 576 : index
    %swap3A_202 = tpu.vector_load %arg6[%swap3A_201] {strides = array<i32>} : memref<640xf32, #tpu.memory_space<vmem>>, vector<16xf32>,
    %swap3A_203 = vector.shape_cast %swap3A_202 : vector<16xf32> to vector<16xf32>
    %swap3A_204 = vector.shape_cast %broadcast_in_dim3A_1 : vector<16xf32> to vector<16xf32>
    tpu.vector_store %arg6[%swap3A_201], %swap3A_204 {strides = array<i32>} : memref<640xf32, #tpu.memory_space<vmem>>, vector<16xf32>,
    %swap3A_205 = arith.constant 592 : index
    %swap3A_206 = tpu.vector_load %arg6[%swap3A_205] {strides = array<i32>} : memref<640xf32, #tpu.memory_space<vmem>>, vector<16xf32>,
    %swap3A_207 = vector.shape_cast %swap3A_206 : vector<16xf32> to vector<16xf32>
    %swap3A_208 = vector.shape_cast %broadcast_in_dim3A_1 : vector<16xf32> to vector<16xf32>
    tpu.vector_store %arg6[%swap3A_205], %swap3A_208 {strides = array<i32>} : memref<640xf32, #tpu.memory_space<vmem>>, vector<16xf32>,
    %swap3A_209 = arith.constant 608 : index
    %swap3A_210 = tpu.vector_load %arg6[%swap3A_209] {strides = array<i32>} : memref<640xf32, #tpu.memory_space<vmem>>, vector<16xf32>,
    %swap3A_211 = vector.shape_cast %swap3A_210 : vector<16xf32> to vector<16xf32>
    %swap3A_212 = vector.shape_cast %broadcast_in_dim3A_1 : vector<16xf32> to vector<16xf32>
    tpu.vector_store %arg6[%swap3A_209], %swap3A_212 {strides = array<i32>} : memref<640xf32, #tpu.memory_space<vmem>>, vector<16xf32>,
    %swap3A_213 = arith.constant 624 : index
    %swap3A_214 = tpu.vector_load %arg6[%swap3A_213] {strides = array<i32>} : memref<640xf32, #tpu.memory_space<vmem>>, vector<16xf32>,
    %swap3A_215 = vector.shape_cast %swap3A_214 : vector<16xf32> to vector<16xf32>
    %swap3A_216 = vector.shape_cast %broadcast_in_dim3A_1 : vector<16xf32> to vector<16xf32>
    tpu.vector_store %arg6[%swap3A_213], %swap3A_216 {strides = array<i32>} : memref<640xf32, #tpu.memory_space<vmem>>, vector<16xf32>,
    %mul3A_217 = arith.constant 640 : i32
    %mul3A_218 = arith.muli %arg1, %mul3A_217 : i32
    "tpu.region"() ({
      %run_scoped3A_229 = tpu.sem_alloc : memref<!tpu.dma_semaphore, #tpu.memory_space<semaphore_mem>>
      %dma_start3A = tpu.memref_slice %arg7[%mul3A_218] : memref<10240xf32, #tpu.memory_space<vmem_shared>> -> memref<640xf32, #tpu.memory_space<vmem_shared>>
      %dma_start3A_230 = tpu.memref_slice %arg7[%mul3A_218] : memref<10240xf32, #tpu.memory_space<vmem_shared>> -> memref<640xf32, #tpu.memory_space<vmem_shared>>
      tpu.enqueue_dma source(%arg6 : memref<640xf32, #tpu.memory_space<vmem>>) target(%dma_start3A_230 : memref<640xf32, #tpu.memory_space<vmem_shared>>) target_semaphore(%run_scoped3A_229 : memref<!tpu.dma_semaphore, #tpu.memory_space<semaphore_mem>>)
      %dma_wait3A = tpu.memref_slice %arg7[%mul3A_218] : memref<10240xf32, #tpu.memory_space<vmem_shared>> -> memref<640xf32, #tpu.memory_space<vmem_shared>>
      %dma_wait3A_231 = tpu.memref_slice %arg7[%mul3A_218] : memref<10240xf32, #tpu.memory_space<vmem_shared>> -> memref<640xf32, #tpu.memory_space<vmem_shared>>
      tpu.wait_dma2 semaphore(%run_scoped3A_229 : memref<!tpu.dma_semaphore, #tpu.memory_space<semaphore_mem>>) src(%arg6 : memref<640xf32, #tpu.memory_space<vmem>>) dst(%dma_wait3A_231 : memref<640xf32, #tpu.memory_space<vmem_shared>>)
      tpu.yield
    }) : () -> ()
    %barrier3A = arith.constant 0 : index
    tpu.barrier barrier_id(%barrier3A)
    %scan3A = arith.constant 0 : i32
    %scan3A_219 = arith.constant 0 : i32
    %scan3A_220 = arith.constant 80 : i32
    %scan3A_221 = arith.addi %scan3A_219, %scan3A_220 : i32
    %scan3A_222 = arith.constant 1 : i32
    scf.for %scan3A_229 = %scan3A_219 to %scan3A_221 step %scan3A_222  : i32 {
      "tpu.region"() ({
        %run_scoped3A_230 = tpu.sem_alloc : memref<!tpu.dma_semaphore, #tpu.memory_space<semaphore_mem>>
        %dma_start3A = arith.constant 0 : i32
        %dma_start3A_231 = tpu.memref_slice %arg5[%dma_start3A] : memref<128xf32, #tpu.memory_space<vmem>> -> memref<125xf32, #tpu.memory_space<vmem>>
        %dma_start3A_232 = arith.constant 0 : i32
        %dma_start3A_233 = tpu.memref_slice %arg4[%scan3A_229, %dma_start3A_232] : memref<80x125xi32, #tpu.memory_space<vmem>> -> memref<1x125xi32, #tpu.memory_space<vmem>>
        %dma_start3A_234 = tpu.memref_squeeze %dma_start3A_233 : memref<1x125xi32, #tpu.memory_space<vmem>> -> memref<125xi32, #tpu.memory_space<vmem>>
        %dma_start3A_235 = arith.constant 0 : i32
        %dma_start3A_236 = tpu.memref_slice %arg7[%dma_start3A_235] : memref<10240xf32, #tpu.memory_space<vmem_shared>> -> memref<10240xf32, #tpu.memory_space<vmem_shared>>
        tpu.enqueue_indirect_dma source(%dma_start3A_231 : memref<125xf32, #tpu.memory_space<vmem>>) target(%dma_start3A_236 : memref<10240xf32, #tpu.memory_space<vmem_shared>>) offsets(%dma_start3A_234 : memref<125xi32, #tpu.memory_space<vmem>>) semaphore(%run_scoped3A_230 : memref<!tpu.dma_semaphore, #tpu.memory_space<semaphore_mem>>) {add = true}
        %dma_wait3A = arith.constant 0 : i32
        %dma_wait3A_237 = tpu.memref_slice %arg5[%dma_wait3A] : memref<128xf32, #tpu.memory_space<vmem>> -> memref<125xf32, #tpu.memory_space<vmem>>
        %dma_wait3A_238 = arith.constant 0 : i32
        %dma_wait3A_239 = tpu.memref_slice %arg4[%scan3A_229, %dma_wait3A_238] : memref<80x125xi32, #tpu.memory_space<vmem>> -> memref<1x125xi32, #tpu.memory_space<vmem>>
        %dma_wait3A_240 = tpu.memref_squeeze %dma_wait3A_239 : memref<1x125xi32, #tpu.memory_space<vmem>> -> memref<125xi32, #tpu.memory_space<vmem>>
        %dma_wait3A_241 = arith.constant 0 : i32
        %dma_wait3A_242 = tpu.memref_slice %arg7[%dma_wait3A_241] : memref<10240xf32, #tpu.memory_space<vmem_shared>> -> memref<10240xf32, #tpu.memory_space<vmem_shared>>
        tpu.wait_indirect_dma semaphore(%run_scoped3A_230 : memref<!tpu.dma_semaphore, #tpu.memory_space<semaphore_mem>>) src(%dma_wait3A_237 : memref<125xf32, #tpu.memory_space<vmem>>) dst(%dma_wait3A_242 : memref<10240xf32, #tpu.memory_space<vmem_shared>>)
        tpu.yield
      }) : () -> ()
    }
    %scan3A_223 = arith.constant 80 : i32
    %barrier3A_224 = arith.constant 0 : index
    tpu.barrier barrier_id(%barrier3A_224)
    %mul3A_225 = arith.constant 640 : i32
    %mul3A_226 = arith.muli %arg1, %mul3A_225 : i32
    %mul3A_227 = arith.constant 640 : i32
    %mul3A_228 = arith.muli %arg1, %mul3A_227 : i32
    "tpu.region"() ({
      %run_scoped3A_229 = tpu.sem_alloc : memref<!tpu.dma_semaphore, #tpu.memory_space<semaphore_mem>>
      %dma_start3A = tpu.memref_slice %arg3[%arg0, %mul3A_228] : memref<2x10240xf32, #tpu.memory_space<hbm>> -> memref<1x640xf32, #tpu.memory_space<hbm>>
      %dma_start3A_230 = tpu.memref_squeeze %dma_start3A : memref<1x640xf32, #tpu.memory_space<hbm>> -> memref<640xf32, #tpu.memory_space<hbm>>
      %dma_start3A_231 = tpu.memref_slice %arg7[%mul3A_226] : memref<10240xf32, #tpu.memory_space<vmem_shared>> -> memref<640xf32, #tpu.memory_space<vmem_shared>>
      tpu.enqueue_dma source(%dma_start3A_231 : memref<640xf32, #tpu.memory_space<vmem_shared>>) target(%dma_start3A_230 : memref<640xf32, #tpu.memory_space<hbm>>) target_semaphore(%run_scoped3A_229 : memref<!tpu.dma_semaphore, #tpu.memory_space<semaphore_mem>>)
      %dma_wait3A = tpu.memref_slice %arg3[%arg0, %mul3A_228] : memref<2x10240xf32, #tpu.memory_space<hbm>> -> memref<1x640xf32, #tpu.memory_space<hbm>>
      %dma_wait3A_232 = tpu.memref_squeeze %dma_wait3A : memref<1x640xf32, #tpu.memory_space<hbm>> -> memref<640xf32, #tpu.memory_space<hbm>>
      %dma_wait3A_233 = tpu.memref_slice %arg7[%mul3A_226] : memref<10240xf32, #tpu.memory_space<vmem_shared>> -> memref<640xf32, #tpu.memory_space<vmem_shared>>
      tpu.wait_dma2 semaphore(%run_scoped3A_229 : memref<!tpu.dma_semaphore, #tpu.memory_space<semaphore_mem>>) src(%dma_wait3A_233 : memref<640xf32, #tpu.memory_space<vmem_shared>>) dst(%dma_wait3A_232 : memref<640xf32, #tpu.memory_space<hbm>>)
      tpu.yield
    }) : () -> ()
    return
  }
}

#map = affine_map<(d0, d1) -> (0, 0)>
#map1 = affine_map<(d0, d1) -> (0, 0, 0, 0)>
#map2 = affine_map<(d0, d1) -> (0, 0, 0)>
module attributes {stable_mosaic.version = 14 : i64} {
  func.func @_msg_body(%arg0: i32, %arg1: i32, %arg2: memref<10000x128xf32, #tpu.memory_space<hbm>>, %arg3: memref<2x32x80x125xi32, #tpu.memory_space<hbm>>, %arg4: memref<2x10240x128xf32, #tpu.memory_space<hbm>>, %arg5: memref<80x125xi32, #tpu.memory_space<vmem>>, %arg6: memref<40x125xi32, #tpu.memory_space<vmem>>, %arg7: memref<125x128xf32, #tpu.memory_space<vmem>>, %arg8: memref<125x128xf32, #tpu.memory_space<vmem>>, %arg9: memref<10240x128xf32, #tpu.memory_space<vmem_shared>>, %arg10: memref<2x!tpu.dma_semaphore, #tpu.memory_space<semaphore_mem>>) attributes {dimension_semantics = [#tpu.dimension_semantics<core_parallel>, #tpu.dimension_semantics<subcore_parallel>], iteration_bounds = array<i64: 2, 16>, scalar_prefetch = 0 : i64, scratch_operands = 6 : i64, tpu.core_type = #tpu.core_type<sc_vector_subcore>, window_params = [{transform_indices = #map}, {transform_indices = #map1}, {transform_indices = #map2}]} {
    %mul3A = arith.constant 16 : i32
    %mul3A_0 = arith.muli %arg0, %mul3A : i32
    %add3A = arith.addi %mul3A_0, %arg1 : i32
    %mul3A_1 = arith.constant 640 : i32
    %mul3A_2 = arith.muli %arg1, %mul3A_1 : i32
    %run_scoped3A = arith.constant 0 : i32
    "tpu.region"() ({
      %run_scoped3A_34 = tpu.sem_alloc : memref<!tpu.dma_semaphore, #tpu.memory_space<semaphore_mem>>
      %dma_start3A = arith.constant 0 : i32
      %dma_start3A_35 = arith.constant 0 : i32
      %dma_start3A_36 = tpu.memref_slice %arg3[%run_scoped3A, %add3A, %dma_start3A, %dma_start3A_35] : memref<2x32x80x125xi32, #tpu.memory_space<hbm>> -> memref<1x1x80x125xi32, #tpu.memory_space<hbm>>
      %dma_start3A_37 = tpu.memref_squeeze %dma_start3A_36 : memref<1x1x80x125xi32, #tpu.memory_space<hbm>> -> memref<80x125xi32, #tpu.memory_space<hbm>>
      %dma_start3A_38 = arith.constant 0 : i32
      %dma_start3A_39 = arith.constant 0 : i32
      %dma_start3A_40 = tpu.memref_slice %arg3[%run_scoped3A, %add3A, %dma_start3A_38, %dma_start3A_39] : memref<2x32x80x125xi32, #tpu.memory_space<hbm>> -> memref<1x1x80x125xi32, #tpu.memory_space<hbm>>
      %dma_start3A_41 = tpu.memref_squeeze %dma_start3A_40 : memref<1x1x80x125xi32, #tpu.memory_space<hbm>> -> memref<80x125xi32, #tpu.memory_space<hbm>>
      tpu.enqueue_dma source(%dma_start3A_41 : memref<80x125xi32, #tpu.memory_space<hbm>>) target(%arg5 : memref<80x125xi32, #tpu.memory_space<vmem>>) target_semaphore(%run_scoped3A_34 : memref<!tpu.dma_semaphore, #tpu.memory_space<semaphore_mem>>)
      %dma_wait3A = arith.constant 0 : i32
      %dma_wait3A_42 = arith.constant 0 : i32
      %dma_wait3A_43 = tpu.memref_slice %arg3[%run_scoped3A, %add3A, %dma_wait3A, %dma_wait3A_42] : memref<2x32x80x125xi32, #tpu.memory_space<hbm>> -> memref<1x1x80x125xi32, #tpu.memory_space<hbm>>
      %dma_wait3A_44 = tpu.memref_squeeze %dma_wait3A_43 : memref<1x1x80x125xi32, #tpu.memory_space<hbm>> -> memref<80x125xi32, #tpu.memory_space<hbm>>
      %dma_wait3A_45 = arith.constant 0 : i32
      %dma_wait3A_46 = arith.constant 0 : i32
      %dma_wait3A_47 = tpu.memref_slice %arg3[%run_scoped3A, %add3A, %dma_wait3A_45, %dma_wait3A_46] : memref<2x32x80x125xi32, #tpu.memory_space<hbm>> -> memref<1x1x80x125xi32, #tpu.memory_space<hbm>>
      %dma_wait3A_48 = tpu.memref_squeeze %dma_wait3A_47 : memref<1x1x80x125xi32, #tpu.memory_space<hbm>> -> memref<80x125xi32, #tpu.memory_space<hbm>>
      tpu.wait_dma2 semaphore(%run_scoped3A_34 : memref<!tpu.dma_semaphore, #tpu.memory_space<semaphore_mem>>) src(%dma_wait3A_48 : memref<80x125xi32, #tpu.memory_space<hbm>>) dst(%arg5 : memref<80x125xi32, #tpu.memory_space<vmem>>)
      tpu.yield
    }) : () -> ()
    %broadcast_in_dim3A = arith.constant 0.000000e+00 : f32
    %broadcast_in_dim3A_3 = vector.broadcast %broadcast_in_dim3A : f32 to vector<16xf32>
    %scan3A = arith.constant 0 : i32
    %scan3A_4 = arith.constant 0 : i32
    %scan3A_5 = arith.constant 128 : i32
    %scan3A_6 = arith.addi %scan3A_4, %scan3A_5 : i32
    %scan3A_7 = arith.constant 1 : i32
    scf.for %scan3A_34 = %scan3A_4 to %scan3A_6 step %scan3A_7  : i32 {
      %swap3A = arith.index_cast %scan3A_34 : i32 to index
      %swap3A_35 = arith.constant 0 : index
      %swap3A_36 = tpu.vector_load %arg7[%swap3A, %swap3A_35] {strides = array<i32>} : memref<125x128xf32, #tpu.memory_space<vmem>>, vector<1x16xf32>,
      %swap3A_37 = vector.shape_cast %swap3A_36 : vector<1x16xf32> to vector<16xf32>
      %swap3A_38 = vector.shape_cast %broadcast_in_dim3A_3 : vector<16xf32> to vector<1x16xf32>
      tpu.vector_store %arg7[%swap3A, %swap3A_35], %swap3A_38 {strides = array<i32>} : memref<125x128xf32, #tpu.memory_space<vmem>>, vector<1x16xf32>,
      %swap3A_39 = arith.index_cast %scan3A_34 : i32 to index
      %swap3A_40 = arith.constant 16 : index
      %swap3A_41 = tpu.vector_load %arg7[%swap3A_39, %swap3A_40] {strides = array<i32>} : memref<125x128xf32, #tpu.memory_space<vmem>>, vector<1x16xf32>,
      %swap3A_42 = vector.shape_cast %swap3A_41 : vector<1x16xf32> to vector<16xf32>
      %swap3A_43 = vector.shape_cast %broadcast_in_dim3A_3 : vector<16xf32> to vector<1x16xf32>
      tpu.vector_store %arg7[%swap3A_39, %swap3A_40], %swap3A_43 {strides = array<i32>} : memref<125x128xf32, #tpu.memory_space<vmem>>, vector<1x16xf32>,
      %swap3A_44 = arith.index_cast %scan3A_34 : i32 to index
      %swap3A_45 = arith.constant 32 : index
      %swap3A_46 = tpu.vector_load %arg7[%swap3A_44, %swap3A_45] {strides = array<i32>} : memref<125x128xf32, #tpu.memory_space<vmem>>, vector<1x16xf32>,
      %swap3A_47 = vector.shape_cast %swap3A_46 : vector<1x16xf32> to vector<16xf32>
      %swap3A_48 = vector.shape_cast %broadcast_in_dim3A_3 : vector<16xf32> to vector<1x16xf32>
      tpu.vector_store %arg7[%swap3A_44, %swap3A_45], %swap3A_48 {strides = array<i32>} : memref<125x128xf32, #tpu.memory_space<vmem>>, vector<1x16xf32>,
      %swap3A_49 = arith.index_cast %scan3A_34 : i32 to index
      %swap3A_50 = arith.constant 48 : index
      %swap3A_51 = tpu.vector_load %arg7[%swap3A_49, %swap3A_50] {strides = array<i32>} : memref<125x128xf32, #tpu.memory_space<vmem>>, vector<1x16xf32>,
      %swap3A_52 = vector.shape_cast %swap3A_51 : vector<1x16xf32> to vector<16xf32>
      %swap3A_53 = vector.shape_cast %broadcast_in_dim3A_3 : vector<16xf32> to vector<1x16xf32>
      tpu.vector_store %arg7[%swap3A_49, %swap3A_50], %swap3A_53 {strides = array<i32>} : memref<125x128xf32, #tpu.memory_space<vmem>>, vector<1x16xf32>,
      %swap3A_54 = arith.index_cast %scan3A_34 : i32 to index
      %swap3A_55 = arith.constant 64 : index
      %swap3A_56 = tpu.vector_load %arg7[%swap3A_54, %swap3A_55] {strides = array<i32>} : memref<125x128xf32, #tpu.memory_space<vmem>>, vector<1x16xf32>,
      %swap3A_57 = vector.shape_cast %swap3A_56 : vector<1x16xf32> to vector<16xf32>
      %swap3A_58 = vector.shape_cast %broadcast_in_dim3A_3 : vector<16xf32> to vector<1x16xf32>
      tpu.vector_store %arg7[%swap3A_54, %swap3A_55], %swap3A_58 {strides = array<i32>} : memref<125x128xf32, #tpu.memory_space<vmem>>, vector<1x16xf32>,
      %swap3A_59 = arith.index_cast %scan3A_34 : i32 to index
      %swap3A_60 = arith.constant 80 : index
      %swap3A_61 = tpu.vector_load %arg7[%swap3A_59, %swap3A_60] {strides = array<i32>} : memref<125x128xf32, #tpu.memory_space<vmem>>, vector<1x16xf32>,
      %swap3A_62 = vector.shape_cast %swap3A_61 : vector<1x16xf32> to vector<16xf32>
      %swap3A_63 = vector.shape_cast %broadcast_in_dim3A_3 : vector<16xf32> to vector<1x16xf32>
      tpu.vector_store %arg7[%swap3A_59, %swap3A_60], %swap3A_63 {strides = array<i32>} : memref<125x128xf32, #tpu.memory_space<vmem>>, vector<1x16xf32>,
      %swap3A_64 = arith.index_cast %scan3A_34 : i32 to index
      %swap3A_65 = arith.constant 96 : index
      %swap3A_66 = tpu.vector_load %arg7[%swap3A_64, %swap3A_65] {strides = array<i32>} : memref<125x128xf32, #tpu.memory_space<vmem>>, vector<1x16xf32>,
      %swap3A_67 = vector.shape_cast %swap3A_66 : vector<1x16xf32> to vector<16xf32>
      %swap3A_68 = vector.shape_cast %broadcast_in_dim3A_3 : vector<16xf32> to vector<1x16xf32>
      tpu.vector_store %arg7[%swap3A_64, %swap3A_65], %swap3A_68 {strides = array<i32>} : memref<125x128xf32, #tpu.memory_space<vmem>>, vector<1x16xf32>,
      %swap3A_69 = arith.index_cast %scan3A_34 : i32 to index
      %swap3A_70 = arith.constant 112 : index
      %swap3A_71 = tpu.vector_load %arg7[%swap3A_69, %swap3A_70] {strides = array<i32>} : memref<125x128xf32, #tpu.memory_space<vmem>>, vector<1x16xf32>,
      %swap3A_72 = vector.shape_cast %swap3A_71 : vector<1x16xf32> to vector<16xf32>
      %swap3A_73 = vector.shape_cast %broadcast_in_dim3A_3 : vector<16xf32> to vector<1x16xf32>
      tpu.vector_store %arg7[%swap3A_69, %swap3A_70], %swap3A_73 {strides = array<i32>} : memref<125x128xf32, #tpu.memory_space<vmem>>, vector<1x16xf32>,
    }
    %scan3A_8 = arith.constant 128 : i32
    %add3A_9 = arith.constant 0 : i32
    %add3A_10 = arith.addi %mul3A_2, %add3A_9 : i32
    "tpu.region"() ({
      %run_scoped3A_34 = tpu.sem_alloc : memref<!tpu.dma_semaphore, #tpu.memory_space<semaphore_mem>>
      %dma_start3A = arith.constant 0 : i32
      %dma_start3A_35 = arith.constant 0 : i32
      %dma_start3A_36 = tpu.memref_slice %arg7[%dma_start3A, %dma_start3A_35] : memref<125x128xf32, #tpu.memory_space<vmem>> -> memref<128x128xf32, #tpu.memory_space<vmem>>
      %dma_start3A_37 = arith.constant 0 : i32
      %dma_start3A_38 = tpu.memref_slice %arg9[%add3A_10, %dma_start3A_37] : memref<10240x128xf32, #tpu.memory_space<vmem_shared>> -> memref<128x128xf32, #tpu.memory_space<vmem_shared>>
      %dma_start3A_39 = arith.constant 0 : i32
      %dma_start3A_40 = tpu.memref_slice %arg9[%add3A_10, %dma_start3A_39] : memref<10240x128xf32, #tpu.memory_space<vmem_shared>> -> memref<128x128xf32, #tpu.memory_space<vmem_shared>>
      %dma_start3A_41 = arith.constant 0 : i32
      %dma_start3A_42 = arith.constant 0 : i32
      %dma_start3A_43 = tpu.memref_slice %arg7[%dma_start3A_41, %dma_start3A_42] : memref<125x128xf32, #tpu.memory_space<vmem>> -> memref<128x128xf32, #tpu.memory_space<vmem>>
      tpu.enqueue_dma source(%dma_start3A_43 : memref<128x128xf32, #tpu.memory_space<vmem>>) target(%dma_start3A_40 : memref<128x128xf32, #tpu.memory_space<vmem_shared>>) target_semaphore(%run_scoped3A_34 : memref<!tpu.dma_semaphore, #tpu.memory_space<semaphore_mem>>)
      %dma_wait3A = arith.constant 0 : i32
      %dma_wait3A_44 = arith.constant 0 : i32
      %dma_wait3A_45 = tpu.memref_slice %arg7[%dma_wait3A, %dma_wait3A_44] : memref<125x128xf32, #tpu.memory_space<vmem>> -> memref<128x128xf32, #tpu.memory_space<vmem>>
      %dma_wait3A_46 = arith.constant 0 : i32
      %dma_wait3A_47 = tpu.memref_slice %arg9[%add3A_10, %dma_wait3A_46] : memref<10240x128xf32, #tpu.memory_space<vmem_shared>> -> memref<128x128xf32, #tpu.memory_space<vmem_shared>>
      %dma_wait3A_48 = arith.constant 0 : i32
      %dma_wait3A_49 = tpu.memref_slice %arg9[%add3A_10, %dma_wait3A_48] : memref<10240x128xf32, #tpu.memory_space<vmem_shared>> -> memref<128x128xf32, #tpu.memory_space<vmem_shared>>
      %dma_wait3A_50 = arith.constant 0 : i32
      %dma_wait3A_51 = arith.constant 0 : i32
      %dma_wait3A_52 = tpu.memref_slice %arg7[%dma_wait3A_50, %dma_wait3A_51] : memref<125x128xf32, #tpu.memory_space<vmem>> -> memref<128x128xf32, #tpu.memory_space<vmem>>
      tpu.wait_dma2 semaphore(%run_scoped3A_34 : memref<!tpu.dma_semaphore, #tpu.memory_space<semaphore_mem>>) src(%dma_wait3A_52 : memref<128x128xf32, #tpu.memory_space<vmem>>) dst(%dma_wait3A_49 : memref<128x128xf32, #tpu.memory_space<vmem_shared>>)
      tpu.yield
    }) : () -> ()
    %add3A_11 = arith.constant 128 : i32
    %add3A_12 = arith.addi %mul3A_2, %add3A_11 : i32
    "tpu.region"() ({
      %run_scoped3A_34 = tpu.sem_alloc : memref<!tpu.dma_semaphore, #tpu.memory_space<semaphore_mem>>
      %dma_start3A = arith.constant 0 : i32
      %dma_start3A_35 = arith.constant 0 : i32
      %dma_start3A_36 = tpu.memref_slice %arg7[%dma_start3A, %dma_start3A_35] : memref<125x128xf32, #tpu.memory_space<vmem>> -> memref<128x128xf32, #tpu.memory_space<vmem>>
      %dma_start3A_37 = arith.constant 0 : i32
      %dma_start3A_38 = tpu.memref_slice %arg9[%add3A_12, %dma_start3A_37] : memref<10240x128xf32, #tpu.memory_space<vmem_shared>> -> memref<128x128xf32, #tpu.memory_space<vmem_shared>>
      %dma_start3A_39 = arith.constant 0 : i32
      %dma_start3A_40 = tpu.memref_slice %arg9[%add3A_12, %dma_start3A_39] : memref<10240x128xf32, #tpu.memory_space<vmem_shared>> -> memref<128x128xf32, #tpu.memory_space<vmem_shared>>
      %dma_start3A_41 = arith.constant 0 : i32
      %dma_start3A_42 = arith.constant 0 : i32
      %dma_start3A_43 = tpu.memref_slice %arg7[%dma_start3A_41, %dma_start3A_42] : memref<125x128xf32, #tpu.memory_space<vmem>> -> memref<128x128xf32, #tpu.memory_space<vmem>>
      tpu.enqueue_dma source(%dma_start3A_43 : memref<128x128xf32, #tpu.memory_space<vmem>>) target(%dma_start3A_40 : memref<128x128xf32, #tpu.memory_space<vmem_shared>>) target_semaphore(%run_scoped3A_34 : memref<!tpu.dma_semaphore, #tpu.memory_space<semaphore_mem>>)
      %dma_wait3A = arith.constant 0 : i32
      %dma_wait3A_44 = arith.constant 0 : i32
      %dma_wait3A_45 = tpu.memref_slice %arg7[%dma_wait3A, %dma_wait3A_44] : memref<125x128xf32, #tpu.memory_space<vmem>> -> memref<128x128xf32, #tpu.memory_space<vmem>>
      %dma_wait3A_46 = arith.constant 0 : i32
      %dma_wait3A_47 = tpu.memref_slice %arg9[%add3A_12, %dma_wait3A_46] : memref<10240x128xf32, #tpu.memory_space<vmem_shared>> -> memref<128x128xf32, #tpu.memory_space<vmem_shared>>
      %dma_wait3A_48 = arith.constant 0 : i32
      %dma_wait3A_49 = tpu.memref_slice %arg9[%add3A_12, %dma_wait3A_48] : memref<10240x128xf32, #tpu.memory_space<vmem_shared>> -> memref<128x128xf32, #tpu.memory_space<vmem_shared>>
      %dma_wait3A_50 = arith.constant 0 : i32
      %dma_wait3A_51 = arith.constant 0 : i32
      %dma_wait3A_52 = tpu.memref_slice %arg7[%dma_wait3A_50, %dma_wait3A_51] : memref<125x128xf32, #tpu.memory_space<vmem>> -> memref<128x128xf32, #tpu.memory_space<vmem>>
      tpu.wait_dma2 semaphore(%run_scoped3A_34 : memref<!tpu.dma_semaphore, #tpu.memory_space<semaphore_mem>>) src(%dma_wait3A_52 : memref<128x128xf32, #tpu.memory_space<vmem>>) dst(%dma_wait3A_49 : memref<128x128xf32, #tpu.memory_space<vmem_shared>>)
      tpu.yield
    }) : () -> ()
    %add3A_13 = arith.constant 256 : i32
    %add3A_14 = arith.addi %mul3A_2, %add3A_13 : i32
    "tpu.region"() ({
      %run_scoped3A_34 = tpu.sem_alloc : memref<!tpu.dma_semaphore, #tpu.memory_space<semaphore_mem>>
      %dma_start3A = arith.constant 0 : i32
      %dma_start3A_35 = arith.constant 0 : i32
      %dma_start3A_36 = tpu.memref_slice %arg7[%dma_start3A, %dma_start3A_35] : memref<125x128xf32, #tpu.memory_space<vmem>> -> memref<128x128xf32, #tpu.memory_space<vmem>>
      %dma_start3A_37 = arith.constant 0 : i32
      %dma_start3A_38 = tpu.memref_slice %arg9[%add3A_14, %dma_start3A_37] : memref<10240x128xf32, #tpu.memory_space<vmem_shared>> -> memref<128x128xf32, #tpu.memory_space<vmem_shared>>
      %dma_start3A_39 = arith.constant 0 : i32
      %dma_start3A_40 = tpu.memref_slice %arg9[%add3A_14, %dma_start3A_39] : memref<10240x128xf32, #tpu.memory_space<vmem_shared>> -> memref<128x128xf32, #tpu.memory_space<vmem_shared>>
      %dma_start3A_41 = arith.constant 0 : i32
      %dma_start3A_42 = arith.constant 0 : i32
      %dma_start3A_43 = tpu.memref_slice %arg7[%dma_start3A_41, %dma_start3A_42] : memref<125x128xf32, #tpu.memory_space<vmem>> -> memref<128x128xf32, #tpu.memory_space<vmem>>
      tpu.enqueue_dma source(%dma_start3A_43 : memref<128x128xf32, #tpu.memory_space<vmem>>) target(%dma_start3A_40 : memref<128x128xf32, #tpu.memory_space<vmem_shared>>) target_semaphore(%run_scoped3A_34 : memref<!tpu.dma_semaphore, #tpu.memory_space<semaphore_mem>>)
      %dma_wait3A = arith.constant 0 : i32
      %dma_wait3A_44 = arith.constant 0 : i32
      %dma_wait3A_45 = tpu.memref_slice %arg7[%dma_wait3A, %dma_wait3A_44] : memref<125x128xf32, #tpu.memory_space<vmem>> -> memref<128x128xf32, #tpu.memory_space<vmem>>
      %dma_wait3A_46 = arith.constant 0 : i32
      %dma_wait3A_47 = tpu.memref_slice %arg9[%add3A_14, %dma_wait3A_46] : memref<10240x128xf32, #tpu.memory_space<vmem_shared>> -> memref<128x128xf32, #tpu.memory_space<vmem_shared>>
      %dma_wait3A_48 = arith.constant 0 : i32
      %dma_wait3A_49 = tpu.memref_slice %arg9[%add3A_14, %dma_wait3A_48] : memref<10240x128xf32, #tpu.memory_space<vmem_shared>> -> memref<128x128xf32, #tpu.memory_space<vmem_shared>>
      %dma_wait3A_50 = arith.constant 0 : i32
      %dma_wait3A_51 = arith.constant 0 : i32
      %dma_wait3A_52 = tpu.memref_slice %arg7[%dma_wait3A_50, %dma_wait3A_51] : memref<125x128xf32, #tpu.memory_space<vmem>> -> memref<128x128xf32, #tpu.memory_space<vmem>>
      tpu.wait_dma2 semaphore(%run_scoped3A_34 : memref<!tpu.dma_semaphore, #tpu.memory_space<semaphore_mem>>) src(%dma_wait3A_52 : memref<128x128xf32, #tpu.memory_space<vmem>>) dst(%dma_wait3A_49 : memref<128x128xf32, #tpu.memory_space<vmem_shared>>)
      tpu.yield
    }) : () -> ()
    %add3A_15 = arith.constant 384 : i32
    %add3A_16 = arith.addi %mul3A_2, %add3A_15 : i32
    "tpu.region"() ({
      %run_scoped3A_34 = tpu.sem_alloc : memref<!tpu.dma_semaphore, #tpu.memory_space<semaphore_mem>>
      %dma_start3A = arith.constant 0 : i32
      %dma_start3A_35 = arith.constant 0 : i32
      %dma_start3A_36 = tpu.memref_slice %arg7[%dma_start3A, %dma_start3A_35] : memref<125x128xf32, #tpu.memory_space<vmem>> -> memref<128x128xf32, #tpu.memory_space<vmem>>
      %dma_start3A_37 = arith.constant 0 : i32
      %dma_start3A_38 = tpu.memref_slice %arg9[%add3A_16, %dma_start3A_37] : memref<10240x128xf32, #tpu.memory_space<vmem_shared>> -> memref<128x128xf32, #tpu.memory_space<vmem_shared>>
      %dma_start3A_39 = arith.constant 0 : i32
      %dma_start3A_40 = tpu.memref_slice %arg9[%add3A_16, %dma_start3A_39] : memref<10240x128xf32, #tpu.memory_space<vmem_shared>> -> memref<128x128xf32, #tpu.memory_space<vmem_shared>>
      %dma_start3A_41 = arith.constant 0 : i32
      %dma_start3A_42 = arith.constant 0 : i32
      %dma_start3A_43 = tpu.memref_slice %arg7[%dma_start3A_41, %dma_start3A_42] : memref<125x128xf32, #tpu.memory_space<vmem>> -> memref<128x128xf32, #tpu.memory_space<vmem>>
      tpu.enqueue_dma source(%dma_start3A_43 : memref<128x128xf32, #tpu.memory_space<vmem>>) target(%dma_start3A_40 : memref<128x128xf32, #tpu.memory_space<vmem_shared>>) target_semaphore(%run_scoped3A_34 : memref<!tpu.dma_semaphore, #tpu.memory_space<semaphore_mem>>)
      %dma_wait3A = arith.constant 0 : i32
      %dma_wait3A_44 = arith.constant 0 : i32
      %dma_wait3A_45 = tpu.memref_slice %arg7[%dma_wait3A, %dma_wait3A_44] : memref<125x128xf32, #tpu.memory_space<vmem>> -> memref<128x128xf32, #tpu.memory_space<vmem>>
      %dma_wait3A_46 = arith.constant 0 : i32
      %dma_wait3A_47 = tpu.memref_slice %arg9[%add3A_16, %dma_wait3A_46] : memref<10240x128xf32, #tpu.memory_space<vmem_shared>> -> memref<128x128xf32, #tpu.memory_space<vmem_shared>>
      %dma_wait3A_48 = arith.constant 0 : i32
      %dma_wait3A_49 = tpu.memref_slice %arg9[%add3A_16, %dma_wait3A_48] : memref<10240x128xf32, #tpu.memory_space<vmem_shared>> -> memref<128x128xf32, #tpu.memory_space<vmem_shared>>
      %dma_wait3A_50 = arith.constant 0 : i32
      %dma_wait3A_51 = arith.constant 0 : i32
      %dma_wait3A_52 = tpu.memref_slice %arg7[%dma_wait3A_50, %dma_wait3A_51] : memref<125x128xf32, #tpu.memory_space<vmem>> -> memref<128x128xf32, #tpu.memory_space<vmem>>
      tpu.wait_dma2 semaphore(%run_scoped3A_34 : memref<!tpu.dma_semaphore, #tpu.memory_space<semaphore_mem>>) src(%dma_wait3A_52 : memref<128x128xf32, #tpu.memory_space<vmem>>) dst(%dma_wait3A_49 : memref<128x128xf32, #tpu.memory_space<vmem_shared>>)
      tpu.yield
    }) : () -> ()
    %add3A_17 = arith.constant 512 : i32
    %add3A_18 = arith.addi %mul3A_2, %add3A_17 : i32
    "tpu.region"() ({
      %run_scoped3A_34 = tpu.sem_alloc : memref<!tpu.dma_semaphore, #tpu.memory_space<semaphore_mem>>
      %dma_start3A = arith.constant 0 : i32
      %dma_start3A_35 = arith.constant 0 : i32
      %dma_start3A_36 = tpu.memref_slice %arg7[%dma_start3A, %dma_start3A_35] : memref<125x128xf32, #tpu.memory_space<vmem>> -> memref<128x128xf32, #tpu.memory_space<vmem>>
      %dma_start3A_37 = arith.constant 0 : i32
      %dma_start3A_38 = tpu.memref_slice %arg9[%add3A_18, %dma_start3A_37] : memref<10240x128xf32, #tpu.memory_space<vmem_shared>> -> memref<128x128xf32, #tpu.memory_space<vmem_shared>>
      %dma_start3A_39 = arith.constant 0 : i32
      %dma_start3A_40 = tpu.memref_slice %arg9[%add3A_18, %dma_start3A_39] : memref<10240x128xf32, #tpu.memory_space<vmem_shared>> -> memref<128x128xf32, #tpu.memory_space<vmem_shared>>
      %dma_start3A_41 = arith.constant 0 : i32
      %dma_start3A_42 = arith.constant 0 : i32
      %dma_start3A_43 = tpu.memref_slice %arg7[%dma_start3A_41, %dma_start3A_42] : memref<125x128xf32, #tpu.memory_space<vmem>> -> memref<128x128xf32, #tpu.memory_space<vmem>>
      tpu.enqueue_dma source(%dma_start3A_43 : memref<128x128xf32, #tpu.memory_space<vmem>>) target(%dma_start3A_40 : memref<128x128xf32, #tpu.memory_space<vmem_shared>>) target_semaphore(%run_scoped3A_34 : memref<!tpu.dma_semaphore, #tpu.memory_space<semaphore_mem>>)
      %dma_wait3A = arith.constant 0 : i32
      %dma_wait3A_44 = arith.constant 0 : i32
      %dma_wait3A_45 = tpu.memref_slice %arg7[%dma_wait3A, %dma_wait3A_44] : memref<125x128xf32, #tpu.memory_space<vmem>> -> memref<128x128xf32, #tpu.memory_space<vmem>>
      %dma_wait3A_46 = arith.constant 0 : i32
      %dma_wait3A_47 = tpu.memref_slice %arg9[%add3A_18, %dma_wait3A_46] : memref<10240x128xf32, #tpu.memory_space<vmem_shared>> -> memref<128x128xf32, #tpu.memory_space<vmem_shared>>
      %dma_wait3A_48 = arith.constant 0 : i32
      %dma_wait3A_49 = tpu.memref_slice %arg9[%add3A_18, %dma_wait3A_48] : memref<10240x128xf32, #tpu.memory_space<vmem_shared>> -> memref<128x128xf32, #tpu.memory_space<vmem_shared>>
      %dma_wait3A_50 = arith.constant 0 : i32
      %dma_wait3A_51 = arith.constant 0 : i32
      %dma_wait3A_52 = tpu.memref_slice %arg7[%dma_wait3A_50, %dma_wait3A_51] : memref<125x128xf32, #tpu.memory_space<vmem>> -> memref<128x128xf32, #tpu.memory_space<vmem>>
      tpu.wait_dma2 semaphore(%run_scoped3A_34 : memref<!tpu.dma_semaphore, #tpu.memory_space<semaphore_mem>>) src(%dma_wait3A_52 : memref<128x128xf32, #tpu.memory_space<vmem>>) dst(%dma_wait3A_49 : memref<128x128xf32, #tpu.memory_space<vmem_shared>>)
      tpu.yield
    }) : () -> ()
    %barrier3A = arith.constant 0 : index
    tpu.barrier barrier_id(%barrier3A)
    %run_scoped3A_19 = arith.constant 1 : i32
    "tpu.region"() ({
      %run_scoped3A_34 = tpu.sem_alloc : memref<!tpu.dma_semaphore, #tpu.memory_space<semaphore_mem>>
      %dma_start3A = arith.constant 0 : i32
      %dma_start3A_35 = arith.constant 0 : i32
      %dma_start3A_36 = tpu.memref_slice %arg3[%run_scoped3A_19, %add3A, %dma_start3A, %dma_start3A_35] : memref<2x32x80x125xi32, #tpu.memory_space<hbm>> -> memref<1x1x40x125xi32, #tpu.memory_space<hbm>>
      %dma_start3A_37 = tpu.memref_squeeze %dma_start3A_36 : memref<1x1x40x125xi32, #tpu.memory_space<hbm>> -> memref<40x125xi32, #tpu.memory_space<hbm>>
      %dma_start3A_38 = arith.constant 0 : i32
      %dma_start3A_39 = arith.constant 0 : i32
      %dma_start3A_40 = tpu.memref_slice %arg3[%run_scoped3A_19, %add3A, %dma_start3A_38, %dma_start3A_39] : memref<2x32x80x125xi32, #tpu.memory_space<hbm>> -> memref<1x1x40x125xi32, #tpu.memory_space<hbm>>
      %dma_start3A_41 = tpu.memref_squeeze %dma_start3A_40 : memref<1x1x40x125xi32, #tpu.memory_space<hbm>> -> memref<40x125xi32, #tpu.memory_space<hbm>>
      tpu.enqueue_dma source(%dma_start3A_41 : memref<40x125xi32, #tpu.memory_space<hbm>>) target(%arg6 : memref<40x125xi32, #tpu.memory_space<vmem>>) target_semaphore(%run_scoped3A_34 : memref<!tpu.dma_semaphore, #tpu.memory_space<semaphore_mem>>)
      %dma_wait3A = arith.constant 0 : i32
      %dma_wait3A_42 = arith.constant 0 : i32
      %dma_wait3A_43 = tpu.memref_slice %arg3[%run_scoped3A_19, %add3A, %dma_wait3A, %dma_wait3A_42] : memref<2x32x80x125xi32, #tpu.memory_space<hbm>> -> memref<1x1x40x125xi32, #tpu.memory_space<hbm>>
      %dma_wait3A_44 = tpu.memref_squeeze %dma_wait3A_43 : memref<1x1x40x125xi32, #tpu.memory_space<hbm>> -> memref<40x125xi32, #tpu.memory_space<hbm>>
      %dma_wait3A_45 = arith.constant 0 : i32
      %dma_wait3A_46 = arith.constant 0 : i32
      %dma_wait3A_47 = tpu.memref_slice %arg3[%run_scoped3A_19, %add3A, %dma_wait3A_45, %dma_wait3A_46] : memref<2x32x80x125xi32, #tpu.memory_space<hbm>> -> memref<1x1x40x125xi32, #tpu.memory_space<hbm>>
      %dma_wait3A_48 = tpu.memref_squeeze %dma_wait3A_47 : memref<1x1x40x125xi32, #tpu.memory_space<hbm>> -> memref<40x125xi32, #tpu.memory_space<hbm>>
      tpu.wait_dma2 semaphore(%run_scoped3A_34 : memref<!tpu.dma_semaphore, #tpu.memory_space<semaphore_mem>>) src(%dma_wait3A_48 : memref<40x125xi32, #tpu.memory_space<hbm>>) dst(%arg6 : memref<40x125xi32, #tpu.memory_space<vmem>>)
      tpu.yield
    }) : () -> ()
    %scan3A_20 = arith.constant 0 : i32
    %scan3A_21 = arith.constant 0 : i32
    %scan3A_22 = arith.constant 4 : i32
    %scan3A_23 = arith.addi %scan3A_21, %scan3A_22 : i32
    %scan3A_24 = arith.constant 1 : i32
    scf.for %scan3A_34 = %scan3A_21 to %scan3A_23 step %scan3A_24  : i32 {
      %mul3A_35 = arith.constant 10 : i32
      %mul3A_36 = arith.muli %scan3A_34, %mul3A_35 : i32
      %add3A_37 = arith.constant 0 : i32
      %add3A_38 = arith.addi %add3A_37, %mul3A_36 : i32
      %mul3A_39 = arith.constant 10 : i32
      %mul3A_40 = arith.muli %scan3A_34, %mul3A_39 : i32
      %dma_start3A = arith.constant 0 : i32
      %dma_start3A_41 = arith.constant 0 : i32
      %dma_start3A_42 = tpu.memref_slice %arg5[%add3A_38, %dma_start3A_41] : memref<80x125xi32, #tpu.memory_space<vmem>> -> memref<1x125xi32, #tpu.memory_space<vmem>>
      %dma_start3A_43 = tpu.memref_squeeze %dma_start3A_42 : memref<1x125xi32, #tpu.memory_space<vmem>> -> memref<125xi32, #tpu.memory_space<vmem>>
      %dma_start3A_44 = arith.constant 0 : i32
      %dma_start3A_45 = arith.constant 0 : i32
      %dma_start3A_46 = tpu.memref_slice %arg2[%dma_start3A_44, %dma_start3A_45] : memref<10000x128xf32, #tpu.memory_space<hbm>> -> memref<10000x128xf32, #tpu.memory_space<hbm>>
      %dma_start3A_47 = tpu.memref_slice %arg10[%dma_start3A] : memref<2x!tpu.dma_semaphore, #tpu.memory_space<semaphore_mem>> -> memref<1x!tpu.dma_semaphore, #tpu.memory_space<semaphore_mem>>
      %dma_start3A_48 = tpu.memref_squeeze %dma_start3A_47 : memref<1x!tpu.dma_semaphore, #tpu.memory_space<semaphore_mem>> -> memref<!tpu.dma_semaphore, #tpu.memory_space<semaphore_mem>>
      tpu.enqueue_indirect_dma source(%dma_start3A_46 : memref<10000x128xf32, #tpu.memory_space<hbm>>) target(%arg7 : memref<125x128xf32, #tpu.memory_space<vmem>>) offsets(%dma_start3A_43 : memref<125xi32, #tpu.memory_space<vmem>>) semaphore(%dma_start3A_48 : memref<!tpu.dma_semaphore, #tpu.memory_space<semaphore_mem>>)
      %add3A_49 = arith.constant 0 : i32
      %add3A_50 = arith.addi %add3A_38, %add3A_49 : i32
      %add3A_51 = arith.constant 1 : i32
      %add3A_52 = arith.addi %add3A_50, %add3A_51 : i32
      %dma_start3A_53 = arith.constant 1 : i32
      %dma_start3A_54 = arith.constant 0 : i32
      %dma_start3A_55 = tpu.memref_slice %arg5[%add3A_52, %dma_start3A_54] : memref<80x125xi32, #tpu.memory_space<vmem>> -> memref<1x125xi32, #tpu.memory_space<vmem>>
      %dma_start3A_56 = tpu.memref_squeeze %dma_start3A_55 : memref<1x125xi32, #tpu.memory_space<vmem>> -> memref<125xi32, #tpu.memory_space<vmem>>
      %dma_start3A_57 = arith.constant 0 : i32
      %dma_start3A_58 = arith.constant 0 : i32
      %dma_start3A_59 = tpu.memref_slice %arg2[%dma_start3A_57, %dma_start3A_58] : memref<10000x128xf32, #tpu.memory_space<hbm>> -> memref<10000x128xf32, #tpu.memory_space<hbm>>
      %dma_start3A_60 = tpu.memref_slice %arg10[%dma_start3A_53] : memref<2x!tpu.dma_semaphore, #tpu.memory_space<semaphore_mem>> -> memref<1x!tpu.dma_semaphore, #tpu.memory_space<semaphore_mem>>
      %dma_start3A_61 = tpu.memref_squeeze %dma_start3A_60 : memref<1x!tpu.dma_semaphore, #tpu.memory_space<semaphore_mem>> -> memref<!tpu.dma_semaphore, #tpu.memory_space<semaphore_mem>>
      tpu.enqueue_indirect_dma source(%dma_start3A_59 : memref<10000x128xf32, #tpu.memory_space<hbm>>) target(%arg8 : memref<125x128xf32, #tpu.memory_space<vmem>>) offsets(%dma_start3A_56 : memref<125xi32, #tpu.memory_space<vmem>>) semaphore(%dma_start3A_61 : memref<!tpu.dma_semaphore, #tpu.memory_space<semaphore_mem>>)
      %dma_wait3A = arith.constant 0 : i32
      %dma_wait3A_62 = arith.constant 0 : i32
      %dma_wait3A_63 = tpu.memref_slice %arg5[%add3A_38, %dma_wait3A_62] : memref<80x125xi32, #tpu.memory_space<vmem>> -> memref<1x125xi32, #tpu.memory_space<vmem>>
      %dma_wait3A_64 = tpu.memref_squeeze %dma_wait3A_63 : memref<1x125xi32, #tpu.memory_space<vmem>> -> memref<125xi32, #tpu.memory_space<vmem>>
      %dma_wait3A_65 = arith.constant 0 : i32
      %dma_wait3A_66 = arith.constant 0 : i32
      %dma_wait3A_67 = tpu.memref_slice %arg2[%dma_wait3A_65, %dma_wait3A_66] : memref<10000x128xf32, #tpu.memory_space<hbm>> -> memref<10000x128xf32, #tpu.memory_space<hbm>>
      %dma_wait3A_68 = tpu.memref_slice %arg10[%dma_wait3A] : memref<2x!tpu.dma_semaphore, #tpu.memory_space<semaphore_mem>> -> memref<1x!tpu.dma_semaphore, #tpu.memory_space<semaphore_mem>>
      %dma_wait3A_69 = tpu.memref_squeeze %dma_wait3A_68 : memref<1x!tpu.dma_semaphore, #tpu.memory_space<semaphore_mem>> -> memref<!tpu.dma_semaphore, #tpu.memory_space<semaphore_mem>>
      tpu.wait_indirect_dma semaphore(%dma_wait3A_69 : memref<!tpu.dma_semaphore, #tpu.memory_space<semaphore_mem>>) src(%dma_wait3A_67 : memref<10000x128xf32, #tpu.memory_space<hbm>>) dst(%arg7 : memref<125x128xf32, #tpu.memory_space<vmem>>)
      %add3A_70 = arith.constant 0 : i32
      %add3A_71 = arith.addi %mul3A_40, %add3A_70 : i32
      "tpu.region"() ({
        %run_scoped3A_275 = tpu.sem_alloc : memref<!tpu.dma_semaphore, #tpu.memory_space<semaphore_mem>>
        %dma_start3A_276 = arith.constant 0 : i32
        %dma_start3A_277 = tpu.memref_slice %arg6[%add3A_71, %dma_start3A_276] : memref<40x125xi32, #tpu.memory_space<vmem>> -> memref<1x125xi32, #tpu.memory_space<vmem>>
        %dma_start3A_278 = tpu.memref_squeeze %dma_start3A_277 : memref<1x125xi32, #tpu.memory_space<vmem>> -> memref<125xi32, #tpu.memory_space<vmem>>
        %dma_start3A_279 = arith.constant 0 : i32
        %dma_start3A_280 = arith.constant 0 : i32
        %dma_start3A_281 = tpu.memref_slice %arg9[%dma_start3A_279, %dma_start3A_280] : memref<10240x128xf32, #tpu.memory_space<vmem_shared>> -> memref<10240x128xf32, #tpu.memory_space<vmem_shared>>
        tpu.enqueue_indirect_dma source(%arg7 : memref<125x128xf32, #tpu.memory_space<vmem>>) target(%dma_start3A_281 : memref<10240x128xf32, #tpu.memory_space<vmem_shared>>) offsets(%dma_start3A_278 : memref<125xi32, #tpu.memory_space<vmem>>) semaphore(%run_scoped3A_275 : memref<!tpu.dma_semaphore, #tpu.memory_space<semaphore_mem>>) {add = true}
        %dma_wait3A_282 = arith.constant 0 : i32
        %dma_wait3A_283 = tpu.memref_slice %arg6[%add3A_71, %dma_wait3A_282] : memref<40x125xi32, #tpu.memory_space<vmem>> -> memref<1x125xi32, #tpu.memory_space<vmem>>
        %dma_wait3A_284 = tpu.memref_squeeze %dma_wait3A_283 : memref<1x125xi32, #tpu.memory_space<vmem>> -> memref<125xi32, #tpu.memory_space<vmem>>
        %dma_wait3A_285 = arith.constant 0 : i32
        %dma_wait3A_286 = arith.constant 0 : i32
        %dma_wait3A_287 = tpu.memref_slice %arg9[%dma_wait3A_285, %dma_wait3A_286] : memref<10240x128xf32, #tpu.memory_space<vmem_shared>> -> memref<10240x128xf32, #tpu.memory_space<vmem_shared>>
        tpu.wait_indirect_dma semaphore(%run_scoped3A_275 : memref<!tpu.dma_semaphore, #tpu.memory_space<semaphore_mem>>) src(%arg7 : memref<125x128xf32, #tpu.memory_space<vmem>>) dst(%dma_wait3A_287 : memref<10240x128xf32, #tpu.memory_space<vmem_shared>>)
        tpu.yield
      }) : () -> ()
      %add3A_72 = arith.constant 1 : i32
      %add3A_73 = arith.addi %add3A_38, %add3A_72 : i32
      %add3A_74 = arith.constant 1 : i32
      %add3A_75 = arith.addi %add3A_73, %add3A_74 : i32
      %dma_start3A_76 = arith.constant 0 : i32
      %dma_start3A_77 = arith.constant 0 : i32
      %dma_start3A_78 = tpu.memref_slice %arg5[%add3A_75, %dma_start3A_77] : memref<80x125xi32, #tpu.memory_space<vmem>> -> memref<1x125xi32, #tpu.memory_space<vmem>>
      %dma_start3A_79 = tpu.memref_squeeze %dma_start3A_78 : memref<1x125xi32, #tpu.memory_space<vmem>> -> memref<125xi32, #tpu.memory_space<vmem>>
      %dma_start3A_80 = arith.constant 0 : i32
      %dma_start3A_81 = arith.constant 0 : i32
      %dma_start3A_82 = tpu.memref_slice %arg2[%dma_start3A_80, %dma_start3A_81] : memref<10000x128xf32, #tpu.memory_space<hbm>> -> memref<10000x128xf32, #tpu.memory_space<hbm>>
      %dma_start3A_83 = tpu.memref_slice %arg10[%dma_start3A_76] : memref<2x!tpu.dma_semaphore, #tpu.memory_space<semaphore_mem>> -> memref<1x!tpu.dma_semaphore, #tpu.memory_space<semaphore_mem>>
      %dma_start3A_84 = tpu.memref_squeeze %dma_start3A_83 : memref<1x!tpu.dma_semaphore, #tpu.memory_space<semaphore_mem>> -> memref<!tpu.dma_semaphore, #tpu.memory_space<semaphore_mem>>
      tpu.enqueue_indirect_dma source(%dma_start3A_82 : memref<10000x128xf32, #tpu.memory_space<hbm>>) target(%arg7 : memref<125x128xf32, #tpu.memory_space<vmem>>) offsets(%dma_start3A_79 : memref<125xi32, #tpu.memory_space<vmem>>) semaphore(%dma_start3A_84 : memref<!tpu.dma_semaphore, #tpu.memory_space<semaphore_mem>>)
      %dma_wait3A_85 = arith.constant 1 : i32
      %dma_wait3A_86 = arith.constant 0 : i32
      %dma_wait3A_87 = tpu.memref_slice %arg5[%add3A_52, %dma_wait3A_86] : memref<80x125xi32, #tpu.memory_space<vmem>> -> memref<1x125xi32, #tpu.memory_space<vmem>>
      %dma_wait3A_88 = tpu.memref_squeeze %dma_wait3A_87 : memref<1x125xi32, #tpu.memory_space<vmem>> -> memref<125xi32, #tpu.memory_space<vmem>>
      %dma_wait3A_89 = arith.constant 0 : i32
      %dma_wait3A_90 = arith.constant 0 : i32
      %dma_wait3A_91 = tpu.memref_slice %arg2[%dma_wait3A_89, %dma_wait3A_90] : memref<10000x128xf32, #tpu.memory_space<hbm>> -> memref<10000x128xf32, #tpu.memory_space<hbm>>
      %dma_wait3A_92 = tpu.memref_slice %arg10[%dma_wait3A_85] : memref<2x!tpu.dma_semaphore, #tpu.memory_space<semaphore_mem>> -> memref<1x!tpu.dma_semaphore, #tpu.memory_space<semaphore_mem>>
      %dma_wait3A_93 = tpu.memref_squeeze %dma_wait3A_92 : memref<1x!tpu.dma_semaphore, #tpu.memory_space<semaphore_mem>> -> memref<!tpu.dma_semaphore, #tpu.memory_space<semaphore_mem>>
      tpu.wait_indirect_dma semaphore(%dma_wait3A_93 : memref<!tpu.dma_semaphore, #tpu.memory_space<semaphore_mem>>) src(%dma_wait3A_91 : memref<10000x128xf32, #tpu.memory_space<hbm>>) dst(%arg8 : memref<125x128xf32, #tpu.memory_space<vmem>>)
      %add3A_94 = arith.constant 1 : i32
      %add3A_95 = arith.addi %mul3A_40, %add3A_94 : i32
      "tpu.region"() ({
        %run_scoped3A_275 = tpu.sem_alloc : memref<!tpu.dma_semaphore, #tpu.memory_space<semaphore_mem>>
        %dma_start3A_276 = arith.constant 0 : i32
        %dma_start3A_277 = tpu.memref_slice %arg6[%add3A_95, %dma_start3A_276] : memref<40x125xi32, #tpu.memory_space<vmem>> -> memref<1x125xi32, #tpu.memory_space<vmem>>
        %dma_start3A_278 = tpu.memref_squeeze %dma_start3A_277 : memref<1x125xi32, #tpu.memory_space<vmem>> -> memref<125xi32, #tpu.memory_space<vmem>>
        %dma_start3A_279 = arith.constant 0 : i32
        %dma_start3A_280 = arith.constant 0 : i32
        %dma_start3A_281 = tpu.memref_slice %arg9[%dma_start3A_279, %dma_start3A_280] : memref<10240x128xf32, #tpu.memory_space<vmem_shared>> -> memref<10240x128xf32, #tpu.memory_space<vmem_shared>>
        tpu.enqueue_indirect_dma source(%arg8 : memref<125x128xf32, #tpu.memory_space<vmem>>) target(%dma_start3A_281 : memref<10240x128xf32, #tpu.memory_space<vmem_shared>>) offsets(%dma_start3A_278 : memref<125xi32, #tpu.memory_space<vmem>>) semaphore(%run_scoped3A_275 : memref<!tpu.dma_semaphore, #tpu.memory_space<semaphore_mem>>) {add = true}
        %dma_wait3A_282 = arith.constant 0 : i32
        %dma_wait3A_283 = tpu.memref_slice %arg6[%add3A_95, %dma_wait3A_282] : memref<40x125xi32, #tpu.memory_space<vmem>> -> memref<1x125xi32, #tpu.memory_space<vmem>>
        %dma_wait3A_284 = tpu.memref_squeeze %dma_wait3A_283 : memref<1x125xi32, #tpu.memory_space<vmem>> -> memref<125xi32, #tpu.memory_space<vmem>>
        %dma_wait3A_285 = arith.constant 0 : i32
        %dma_wait3A_286 = arith.constant 0 : i32
        %dma_wait3A_287 = tpu.memref_slice %arg9[%dma_wait3A_285, %dma_wait3A_286] : memref<10240x128xf32, #tpu.memory_space<vmem_shared>> -> memref<10240x128xf32, #tpu.memory_space<vmem_shared>>
        tpu.wait_indirect_dma semaphore(%run_scoped3A_275 : memref<!tpu.dma_semaphore, #tpu.memory_space<semaphore_mem>>) src(%arg8 : memref<125x128xf32, #tpu.memory_space<vmem>>) dst(%dma_wait3A_287 : memref<10240x128xf32, #tpu.memory_space<vmem_shared>>)
        tpu.yield
      }) : () -> ()
      %add3A_96 = arith.constant 2 : i32
      %add3A_97 = arith.addi %add3A_38, %add3A_96 : i32
      %add3A_98 = arith.constant 1 : i32
      %add3A_99 = arith.addi %add3A_97, %add3A_98 : i32
      %dma_start3A_100 = arith.constant 1 : i32
      %dma_start3A_101 = arith.constant 0 : i32
      %dma_start3A_102 = tpu.memref_slice %arg5[%add3A_99, %dma_start3A_101] : memref<80x125xi32, #tpu.memory_space<vmem>> -> memref<1x125xi32, #tpu.memory_space<vmem>>
      %dma_start3A_103 = tpu.memref_squeeze %dma_start3A_102 : memref<1x125xi32, #tpu.memory_space<vmem>> -> memref<125xi32, #tpu.memory_space<vmem>>
      %dma_start3A_104 = arith.constant 0 : i32
      %dma_start3A_105 = arith.constant 0 : i32
      %dma_start3A_106 = tpu.memref_slice %arg2[%dma_start3A_104, %dma_start3A_105] : memref<10000x128xf32, #tpu.memory_space<hbm>> -> memref<10000x128xf32, #tpu.memory_space<hbm>>
      %dma_start3A_107 = tpu.memref_slice %arg10[%dma_start3A_100] : memref<2x!tpu.dma_semaphore, #tpu.memory_space<semaphore_mem>> -> memref<1x!tpu.dma_semaphore, #tpu.memory_space<semaphore_mem>>
      %dma_start3A_108 = tpu.memref_squeeze %dma_start3A_107 : memref<1x!tpu.dma_semaphore, #tpu.memory_space<semaphore_mem>> -> memref<!tpu.dma_semaphore, #tpu.memory_space<semaphore_mem>>
      tpu.enqueue_indirect_dma source(%dma_start3A_106 : memref<10000x128xf32, #tpu.memory_space<hbm>>) target(%arg8 : memref<125x128xf32, #tpu.memory_space<vmem>>) offsets(%dma_start3A_103 : memref<125xi32, #tpu.memory_space<vmem>>) semaphore(%dma_start3A_108 : memref<!tpu.dma_semaphore, #tpu.memory_space<semaphore_mem>>)
      %dma_wait3A_109 = arith.constant 0 : i32
      %dma_wait3A_110 = arith.constant 0 : i32
      %dma_wait3A_111 = tpu.memref_slice %arg5[%add3A_75, %dma_wait3A_110] : memref<80x125xi32, #tpu.memory_space<vmem>> -> memref<1x125xi32, #tpu.memory_space<vmem>>
      %dma_wait3A_112 = tpu.memref_squeeze %dma_wait3A_111 : memref<1x125xi32, #tpu.memory_space<vmem>> -> memref<125xi32, #tpu.memory_space<vmem>>
      %dma_wait3A_113 = arith.constant 0 : i32
      %dma_wait3A_114 = arith.constant 0 : i32
      %dma_wait3A_115 = tpu.memref_slice %arg2[%dma_wait3A_113, %dma_wait3A_114] : memref<10000x128xf32, #tpu.memory_space<hbm>> -> memref<10000x128xf32, #tpu.memory_space<hbm>>
      %dma_wait3A_116 = tpu.memref_slice %arg10[%dma_wait3A_109] : memref<2x!tpu.dma_semaphore, #tpu.memory_space<semaphore_mem>> -> memref<1x!tpu.dma_semaphore, #tpu.memory_space<semaphore_mem>>
      %dma_wait3A_117 = tpu.memref_squeeze %dma_wait3A_116 : memref<1x!tpu.dma_semaphore, #tpu.memory_space<semaphore_mem>> -> memref<!tpu.dma_semaphore, #tpu.memory_space<semaphore_mem>>
      tpu.wait_indirect_dma semaphore(%dma_wait3A_117 : memref<!tpu.dma_semaphore, #tpu.memory_space<semaphore_mem>>) src(%dma_wait3A_115 : memref<10000x128xf32, #tpu.memory_space<hbm>>) dst(%arg7 : memref<125x128xf32, #tpu.memory_space<vmem>>)
      %add3A_118 = arith.constant 2 : i32
      %add3A_119 = arith.addi %mul3A_40, %add3A_118 : i32
      "tpu.region"() ({
        %run_scoped3A_275 = tpu.sem_alloc : memref<!tpu.dma_semaphore, #tpu.memory_space<semaphore_mem>>
        %dma_start3A_276 = arith.constant 0 : i32
        %dma_start3A_277 = tpu.memref_slice %arg6[%add3A_119, %dma_start3A_276] : memref<40x125xi32, #tpu.memory_space<vmem>> -> memref<1x125xi32, #tpu.memory_space<vmem>>
        %dma_start3A_278 = tpu.memref_squeeze %dma_start3A_277 : memref<1x125xi32, #tpu.memory_space<vmem>> -> memref<125xi32, #tpu.memory_space<vmem>>
        %dma_start3A_279 = arith.constant 0 : i32
        %dma_start3A_280 = arith.constant 0 : i32
        %dma_start3A_281 = tpu.memref_slice %arg9[%dma_start3A_279, %dma_start3A_280] : memref<10240x128xf32, #tpu.memory_space<vmem_shared>> -> memref<10240x128xf32, #tpu.memory_space<vmem_shared>>
        tpu.enqueue_indirect_dma source(%arg7 : memref<125x128xf32, #tpu.memory_space<vmem>>) target(%dma_start3A_281 : memref<10240x128xf32, #tpu.memory_space<vmem_shared>>) offsets(%dma_start3A_278 : memref<125xi32, #tpu.memory_space<vmem>>) semaphore(%run_scoped3A_275 : memref<!tpu.dma_semaphore, #tpu.memory_space<semaphore_mem>>) {add = true}
        %dma_wait3A_282 = arith.constant 0 : i32
        %dma_wait3A_283 = tpu.memref_slice %arg6[%add3A_119, %dma_wait3A_282] : memref<40x125xi32, #tpu.memory_space<vmem>> -> memref<1x125xi32, #tpu.memory_space<vmem>>
        %dma_wait3A_284 = tpu.memref_squeeze %dma_wait3A_283 : memref<1x125xi32, #tpu.memory_space<vmem>> -> memref<125xi32, #tpu.memory_space<vmem>>
        %dma_wait3A_285 = arith.constant 0 : i32
        %dma_wait3A_286 = arith.constant 0 : i32
        %dma_wait3A_287 = tpu.memref_slice %arg9[%dma_wait3A_285, %dma_wait3A_286] : memref<10240x128xf32, #tpu.memory_space<vmem_shared>> -> memref<10240x128xf32, #tpu.memory_space<vmem_shared>>
        tpu.wait_indirect_dma semaphore(%run_scoped3A_275 : memref<!tpu.dma_semaphore, #tpu.memory_space<semaphore_mem>>) src(%arg7 : memref<125x128xf32, #tpu.memory_space<vmem>>) dst(%dma_wait3A_287 : memref<10240x128xf32, #tpu.memory_space<vmem_shared>>)
        tpu.yield
      }) : () -> ()
      %add3A_120 = arith.constant 3 : i32
      %add3A_121 = arith.addi %add3A_38, %add3A_120 : i32
      %add3A_122 = arith.constant 1 : i32
      %add3A_123 = arith.addi %add3A_121, %add3A_122 : i32
      %dma_start3A_124 = arith.constant 0 : i32
      %dma_start3A_125 = arith.constant 0 : i32
      %dma_start3A_126 = tpu.memref_slice %arg5[%add3A_123, %dma_start3A_125] : memref<80x125xi32, #tpu.memory_space<vmem>> -> memref<1x125xi32, #tpu.memory_space<vmem>>
      %dma_start3A_127 = tpu.memref_squeeze %dma_start3A_126 : memref<1x125xi32, #tpu.memory_space<vmem>> -> memref<125xi32, #tpu.memory_space<vmem>>
      %dma_start3A_128 = arith.constant 0 : i32
      %dma_start3A_129 = arith.constant 0 : i32
      %dma_start3A_130 = tpu.memref_slice %arg2[%dma_start3A_128, %dma_start3A_129] : memref<10000x128xf32, #tpu.memory_space<hbm>> -> memref<10000x128xf32, #tpu.memory_space<hbm>>
      %dma_start3A_131 = tpu.memref_slice %arg10[%dma_start3A_124] : memref<2x!tpu.dma_semaphore, #tpu.memory_space<semaphore_mem>> -> memref<1x!tpu.dma_semaphore, #tpu.memory_space<semaphore_mem>>
      %dma_start3A_132 = tpu.memref_squeeze %dma_start3A_131 : memref<1x!tpu.dma_semaphore, #tpu.memory_space<semaphore_mem>> -> memref<!tpu.dma_semaphore, #tpu.memory_space<semaphore_mem>>
      tpu.enqueue_indirect_dma source(%dma_start3A_130 : memref<10000x128xf32, #tpu.memory_space<hbm>>) target(%arg7 : memref<125x128xf32, #tpu.memory_space<vmem>>) offsets(%dma_start3A_127 : memref<125xi32, #tpu.memory_space<vmem>>) semaphore(%dma_start3A_132 : memref<!tpu.dma_semaphore, #tpu.memory_space<semaphore_mem>>)
      %dma_wait3A_133 = arith.constant 1 : i32
      %dma_wait3A_134 = arith.constant 0 : i32
      %dma_wait3A_135 = tpu.memref_slice %arg5[%add3A_99, %dma_wait3A_134] : memref<80x125xi32, #tpu.memory_space<vmem>> -> memref<1x125xi32, #tpu.memory_space<vmem>>
      %dma_wait3A_136 = tpu.memref_squeeze %dma_wait3A_135 : memref<1x125xi32, #tpu.memory_space<vmem>> -> memref<125xi32, #tpu.memory_space<vmem>>
      %dma_wait3A_137 = arith.constant 0 : i32
      %dma_wait3A_138 = arith.constant 0 : i32
      %dma_wait3A_139 = tpu.memref_slice %arg2[%dma_wait3A_137, %dma_wait3A_138] : memref<10000x128xf32, #tpu.memory_space<hbm>> -> memref<10000x128xf32, #tpu.memory_space<hbm>>
      %dma_wait3A_140 = tpu.memref_slice %arg10[%dma_wait3A_133] : memref<2x!tpu.dma_semaphore, #tpu.memory_space<semaphore_mem>> -> memref<1x!tpu.dma_semaphore, #tpu.memory_space<semaphore_mem>>
      %dma_wait3A_141 = tpu.memref_squeeze %dma_wait3A_140 : memref<1x!tpu.dma_semaphore, #tpu.memory_space<semaphore_mem>> -> memref<!tpu.dma_semaphore, #tpu.memory_space<semaphore_mem>>
      tpu.wait_indirect_dma semaphore(%dma_wait3A_141 : memref<!tpu.dma_semaphore, #tpu.memory_space<semaphore_mem>>) src(%dma_wait3A_139 : memref<10000x128xf32, #tpu.memory_space<hbm>>) dst(%arg8 : memref<125x128xf32, #tpu.memory_space<vmem>>)
      %add3A_142 = arith.constant 3 : i32
      %add3A_143 = arith.addi %mul3A_40, %add3A_142 : i32
      "tpu.region"() ({
        %run_scoped3A_275 = tpu.sem_alloc : memref<!tpu.dma_semaphore, #tpu.memory_space<semaphore_mem>>
        %dma_start3A_276 = arith.constant 0 : i32
        %dma_start3A_277 = tpu.memref_slice %arg6[%add3A_143, %dma_start3A_276] : memref<40x125xi32, #tpu.memory_space<vmem>> -> memref<1x125xi32, #tpu.memory_space<vmem>>
        %dma_start3A_278 = tpu.memref_squeeze %dma_start3A_277 : memref<1x125xi32, #tpu.memory_space<vmem>> -> memref<125xi32, #tpu.memory_space<vmem>>
        %dma_start3A_279 = arith.constant 0 : i32
        %dma_start3A_280 = arith.constant 0 : i32
        %dma_start3A_281 = tpu.memref_slice %arg9[%dma_start3A_279, %dma_start3A_280] : memref<10240x128xf32, #tpu.memory_space<vmem_shared>> -> memref<10240x128xf32, #tpu.memory_space<vmem_shared>>
        tpu.enqueue_indirect_dma source(%arg8 : memref<125x128xf32, #tpu.memory_space<vmem>>) target(%dma_start3A_281 : memref<10240x128xf32, #tpu.memory_space<vmem_shared>>) offsets(%dma_start3A_278 : memref<125xi32, #tpu.memory_space<vmem>>) semaphore(%run_scoped3A_275 : memref<!tpu.dma_semaphore, #tpu.memory_space<semaphore_mem>>) {add = true}
        %dma_wait3A_282 = arith.constant 0 : i32
        %dma_wait3A_283 = tpu.memref_slice %arg6[%add3A_143, %dma_wait3A_282] : memref<40x125xi32, #tpu.memory_space<vmem>> -> memref<1x125xi32, #tpu.memory_space<vmem>>
        %dma_wait3A_284 = tpu.memref_squeeze %dma_wait3A_283 : memref<1x125xi32, #tpu.memory_space<vmem>> -> memref<125xi32, #tpu.memory_space<vmem>>
        %dma_wait3A_285 = arith.constant 0 : i32
        %dma_wait3A_286 = arith.constant 0 : i32
        %dma_wait3A_287 = tpu.memref_slice %arg9[%dma_wait3A_285, %dma_wait3A_286] : memref<10240x128xf32, #tpu.memory_space<vmem_shared>> -> memref<10240x128xf32, #tpu.memory_space<vmem_shared>>
        tpu.wait_indirect_dma semaphore(%run_scoped3A_275 : memref<!tpu.dma_semaphore, #tpu.memory_space<semaphore_mem>>) src(%arg8 : memref<125x128xf32, #tpu.memory_space<vmem>>) dst(%dma_wait3A_287 : memref<10240x128xf32, #tpu.memory_space<vmem_shared>>)
        tpu.yield
      }) : () -> ()
      %add3A_144 = arith.constant 4 : i32
      %add3A_145 = arith.addi %add3A_38, %add3A_144 : i32
      %add3A_146 = arith.constant 1 : i32
      %add3A_147 = arith.addi %add3A_145, %add3A_146 : i32
      %dma_start3A_148 = arith.constant 1 : i32
      %dma_start3A_149 = arith.constant 0 : i32
      %dma_start3A_150 = tpu.memref_slice %arg5[%add3A_147, %dma_start3A_149] : memref<80x125xi32, #tpu.memory_space<vmem>> -> memref<1x125xi32, #tpu.memory_space<vmem>>
      %dma_start3A_151 = tpu.memref_squeeze %dma_start3A_150 : memref<1x125xi32, #tpu.memory_space<vmem>> -> memref<125xi32, #tpu.memory_space<vmem>>
      %dma_start3A_152 = arith.constant 0 : i32
      %dma_start3A_153 = arith.constant 0 : i32
      %dma_start3A_154 = tpu.memref_slice %arg2[%dma_start3A_152, %dma_start3A_153] : memref<10000x128xf32, #tpu.memory_space<hbm>> -> memref<10000x128xf32, #tpu.memory_space<hbm>>
      %dma_start3A_155 = tpu.memref_slice %arg10[%dma_start3A_148] : memref<2x!tpu.dma_semaphore, #tpu.memory_space<semaphore_mem>> -> memref<1x!tpu.dma_semaphore, #tpu.memory_space<semaphore_mem>>
      %dma_start3A_156 = tpu.memref_squeeze %dma_start3A_155 : memref<1x!tpu.dma_semaphore, #tpu.memory_space<semaphore_mem>> -> memref<!tpu.dma_semaphore, #tpu.memory_space<semaphore_mem>>
      tpu.enqueue_indirect_dma source(%dma_start3A_154 : memref<10000x128xf32, #tpu.memory_space<hbm>>) target(%arg8 : memref<125x128xf32, #tpu.memory_space<vmem>>) offsets(%dma_start3A_151 : memref<125xi32, #tpu.memory_space<vmem>>) semaphore(%dma_start3A_156 : memref<!tpu.dma_semaphore, #tpu.memory_space<semaphore_mem>>)
      %dma_wait3A_157 = arith.constant 0 : i32
      %dma_wait3A_158 = arith.constant 0 : i32
      %dma_wait3A_159 = tpu.memref_slice %arg5[%add3A_123, %dma_wait3A_158] : memref<80x125xi32, #tpu.memory_space<vmem>> -> memref<1x125xi32, #tpu.memory_space<vmem>>
      %dma_wait3A_160 = tpu.memref_squeeze %dma_wait3A_159 : memref<1x125xi32, #tpu.memory_space<vmem>> -> memref<125xi32, #tpu.memory_space<vmem>>
      %dma_wait3A_161 = arith.constant 0 : i32
      %dma_wait3A_162 = arith.constant 0 : i32
      %dma_wait3A_163 = tpu.memref_slice %arg2[%dma_wait3A_161, %dma_wait3A_162] : memref<10000x128xf32, #tpu.memory_space<hbm>> -> memref<10000x128xf32, #tpu.memory_space<hbm>>
      %dma_wait3A_164 = tpu.memref_slice %arg10[%dma_wait3A_157] : memref<2x!tpu.dma_semaphore, #tpu.memory_space<semaphore_mem>> -> memref<1x!tpu.dma_semaphore, #tpu.memory_space<semaphore_mem>>
      %dma_wait3A_165 = tpu.memref_squeeze %dma_wait3A_164 : memref<1x!tpu.dma_semaphore, #tpu.memory_space<semaphore_mem>> -> memref<!tpu.dma_semaphore, #tpu.memory_space<semaphore_mem>>
      tpu.wait_indirect_dma semaphore(%dma_wait3A_165 : memref<!tpu.dma_semaphore, #tpu.memory_space<semaphore_mem>>) src(%dma_wait3A_163 : memref<10000x128xf32, #tpu.memory_space<hbm>>) dst(%arg7 : memref<125x128xf32, #tpu.memory_space<vmem>>)
      %add3A_166 = arith.constant 4 : i32
      %add3A_167 = arith.addi %mul3A_40, %add3A_166 : i32
      "tpu.region"() ({
        %run_scoped3A_275 = tpu.sem_alloc : memref<!tpu.dma_semaphore, #tpu.memory_space<semaphore_mem>>
        %dma_start3A_276 = arith.constant 0 : i32
        %dma_start3A_277 = tpu.memref_slice %arg6[%add3A_167, %dma_start3A_276] : memref<40x125xi32, #tpu.memory_space<vmem>> -> memref<1x125xi32, #tpu.memory_space<vmem>>
        %dma_start3A_278 = tpu.memref_squeeze %dma_start3A_277 : memref<1x125xi32, #tpu.memory_space<vmem>> -> memref<125xi32, #tpu.memory_space<vmem>>
        %dma_start3A_279 = arith.constant 0 : i32
        %dma_start3A_280 = arith.constant 0 : i32
        %dma_start3A_281 = tpu.memref_slice %arg9[%dma_start3A_279, %dma_start3A_280] : memref<10240x128xf32, #tpu.memory_space<vmem_shared>> -> memref<10240x128xf32, #tpu.memory_space<vmem_shared>>
        tpu.enqueue_indirect_dma source(%arg7 : memref<125x128xf32, #tpu.memory_space<vmem>>) target(%dma_start3A_281 : memref<10240x128xf32, #tpu.memory_space<vmem_shared>>) offsets(%dma_start3A_278 : memref<125xi32, #tpu.memory_space<vmem>>) semaphore(%run_scoped3A_275 : memref<!tpu.dma_semaphore, #tpu.memory_space<semaphore_mem>>) {add = true}
        %dma_wait3A_282 = arith.constant 0 : i32
        %dma_wait3A_283 = tpu.memref_slice %arg6[%add3A_167, %dma_wait3A_282] : memref<40x125xi32, #tpu.memory_space<vmem>> -> memref<1x125xi32, #tpu.memory_space<vmem>>
        %dma_wait3A_284 = tpu.memref_squeeze %dma_wait3A_283 : memref<1x125xi32, #tpu.memory_space<vmem>> -> memref<125xi32, #tpu.memory_space<vmem>>
        %dma_wait3A_285 = arith.constant 0 : i32
        %dma_wait3A_286 = arith.constant 0 : i32
        %dma_wait3A_287 = tpu.memref_slice %arg9[%dma_wait3A_285, %dma_wait3A_286] : memref<10240x128xf32, #tpu.memory_space<vmem_shared>> -> memref<10240x128xf32, #tpu.memory_space<vmem_shared>>
        tpu.wait_indirect_dma semaphore(%run_scoped3A_275 : memref<!tpu.dma_semaphore, #tpu.memory_space<semaphore_mem>>) src(%arg7 : memref<125x128xf32, #tpu.memory_space<vmem>>) dst(%dma_wait3A_287 : memref<10240x128xf32, #tpu.memory_space<vmem_shared>>)
        tpu.yield
      }) : () -> ()
      %add3A_168 = arith.constant 5 : i32
      %add3A_169 = arith.addi %add3A_38, %add3A_168 : i32
      %add3A_170 = arith.constant 1 : i32
      %add3A_171 = arith.addi %add3A_169, %add3A_170 : i32
      %dma_start3A_172 = arith.constant 0 : i32
      %dma_start3A_173 = arith.constant 0 : i32
      %dma_start3A_174 = tpu.memref_slice %arg5[%add3A_171, %dma_start3A_173] : memref<80x125xi32, #tpu.memory_space<vmem>> -> memref<1x125xi32, #tpu.memory_space<vmem>>
      %dma_start3A_175 = tpu.memref_squeeze %dma_start3A_174 : memref<1x125xi32, #tpu.memory_space<vmem>> -> memref<125xi32, #tpu.memory_space<vmem>>
      %dma_start3A_176 = arith.constant 0 : i32
      %dma_start3A_177 = arith.constant 0 : i32
      %dma_start3A_178 = tpu.memref_slice %arg2[%dma_start3A_176, %dma_start3A_177] : memref<10000x128xf32, #tpu.memory_space<hbm>> -> memref<10000x128xf32, #tpu.memory_space<hbm>>
      %dma_start3A_179 = tpu.memref_slice %arg10[%dma_start3A_172] : memref<2x!tpu.dma_semaphore, #tpu.memory_space<semaphore_mem>> -> memref<1x!tpu.dma_semaphore, #tpu.memory_space<semaphore_mem>>
      %dma_start3A_180 = tpu.memref_squeeze %dma_start3A_179 : memref<1x!tpu.dma_semaphore, #tpu.memory_space<semaphore_mem>> -> memref<!tpu.dma_semaphore, #tpu.memory_space<semaphore_mem>>
      tpu.enqueue_indirect_dma source(%dma_start3A_178 : memref<10000x128xf32, #tpu.memory_space<hbm>>) target(%arg7 : memref<125x128xf32, #tpu.memory_space<vmem>>) offsets(%dma_start3A_175 : memref<125xi32, #tpu.memory_space<vmem>>) semaphore(%dma_start3A_180 : memref<!tpu.dma_semaphore, #tpu.memory_space<semaphore_mem>>)
      %dma_wait3A_181 = arith.constant 1 : i32
      %dma_wait3A_182 = arith.constant 0 : i32
      %dma_wait3A_183 = tpu.memref_slice %arg5[%add3A_147, %dma_wait3A_182] : memref<80x125xi32, #tpu.memory_space<vmem>> -> memref<1x125xi32, #tpu.memory_space<vmem>>
      %dma_wait3A_184 = tpu.memref_squeeze %dma_wait3A_183 : memref<1x125xi32, #tpu.memory_space<vmem>> -> memref<125xi32, #tpu.memory_space<vmem>>
      %dma_wait3A_185 = arith.constant 0 : i32
      %dma_wait3A_186 = arith.constant 0 : i32
      %dma_wait3A_187 = tpu.memref_slice %arg2[%dma_wait3A_185, %dma_wait3A_186] : memref<10000x128xf32, #tpu.memory_space<hbm>> -> memref<10000x128xf32, #tpu.memory_space<hbm>>
      %dma_wait3A_188 = tpu.memref_slice %arg10[%dma_wait3A_181] : memref<2x!tpu.dma_semaphore, #tpu.memory_space<semaphore_mem>> -> memref<1x!tpu.dma_semaphore, #tpu.memory_space<semaphore_mem>>
      %dma_wait3A_189 = tpu.memref_squeeze %dma_wait3A_188 : memref<1x!tpu.dma_semaphore, #tpu.memory_space<semaphore_mem>> -> memref<!tpu.dma_semaphore, #tpu.memory_space<semaphore_mem>>
      tpu.wait_indirect_dma semaphore(%dma_wait3A_189 : memref<!tpu.dma_semaphore, #tpu.memory_space<semaphore_mem>>) src(%dma_wait3A_187 : memref<10000x128xf32, #tpu.memory_space<hbm>>) dst(%arg8 : memref<125x128xf32, #tpu.memory_space<vmem>>)
      %add3A_190 = arith.constant 5 : i32
      %add3A_191 = arith.addi %mul3A_40, %add3A_190 : i32
      "tpu.region"() ({
        %run_scoped3A_275 = tpu.sem_alloc : memref<!tpu.dma_semaphore, #tpu.memory_space<semaphore_mem>>
        %dma_start3A_276 = arith.constant 0 : i32
        %dma_start3A_277 = tpu.memref_slice %arg6[%add3A_191, %dma_start3A_276] : memref<40x125xi32, #tpu.memory_space<vmem>> -> memref<1x125xi32, #tpu.memory_space<vmem>>
        %dma_start3A_278 = tpu.memref_squeeze %dma_start3A_277 : memref<1x125xi32, #tpu.memory_space<vmem>> -> memref<125xi32, #tpu.memory_space<vmem>>
        %dma_start3A_279 = arith.constant 0 : i32
        %dma_start3A_280 = arith.constant 0 : i32
        %dma_start3A_281 = tpu.memref_slice %arg9[%dma_start3A_279, %dma_start3A_280] : memref<10240x128xf32, #tpu.memory_space<vmem_shared>> -> memref<10240x128xf32, #tpu.memory_space<vmem_shared>>
        tpu.enqueue_indirect_dma source(%arg8 : memref<125x128xf32, #tpu.memory_space<vmem>>) target(%dma_start3A_281 : memref<10240x128xf32, #tpu.memory_space<vmem_shared>>) offsets(%dma_start3A_278 : memref<125xi32, #tpu.memory_space<vmem>>) semaphore(%run_scoped3A_275 : memref<!tpu.dma_semaphore, #tpu.memory_space<semaphore_mem>>) {add = true}
        %dma_wait3A_282 = arith.constant 0 : i32
        %dma_wait3A_283 = tpu.memref_slice %arg6[%add3A_191, %dma_wait3A_282] : memref<40x125xi32, #tpu.memory_space<vmem>> -> memref<1x125xi32, #tpu.memory_space<vmem>>
        %dma_wait3A_284 = tpu.memref_squeeze %dma_wait3A_283 : memref<1x125xi32, #tpu.memory_space<vmem>> -> memref<125xi32, #tpu.memory_space<vmem>>
        %dma_wait3A_285 = arith.constant 0 : i32
        %dma_wait3A_286 = arith.constant 0 : i32
        %dma_wait3A_287 = tpu.memref_slice %arg9[%dma_wait3A_285, %dma_wait3A_286] : memref<10240x128xf32, #tpu.memory_space<vmem_shared>> -> memref<10240x128xf32, #tpu.memory_space<vmem_shared>>
        tpu.wait_indirect_dma semaphore(%run_scoped3A_275 : memref<!tpu.dma_semaphore, #tpu.memory_space<semaphore_mem>>) src(%arg8 : memref<125x128xf32, #tpu.memory_space<vmem>>) dst(%dma_wait3A_287 : memref<10240x128xf32, #tpu.memory_space<vmem_shared>>)
        tpu.yield
      }) : () -> ()
      %add3A_192 = arith.constant 6 : i32
      %add3A_193 = arith.addi %add3A_38, %add3A_192 : i32
      %add3A_194 = arith.constant 1 : i32
      %add3A_195 = arith.addi %add3A_193, %add3A_194 : i32
      %dma_start3A_196 = arith.constant 1 : i32
      %dma_start3A_197 = arith.constant 0 : i32
      %dma_start3A_198 = tpu.memref_slice %arg5[%add3A_195, %dma_start3A_197] : memref<80x125xi32, #tpu.memory_space<vmem>> -> memref<1x125xi32, #tpu.memory_space<vmem>>
      %dma_start3A_199 = tpu.memref_squeeze %dma_start3A_198 : memref<1x125xi32, #tpu.memory_space<vmem>> -> memref<125xi32, #tpu.memory_space<vmem>>
      %dma_start3A_200 = arith.constant 0 : i32
      %dma_start3A_201 = arith.constant 0 : i32
      %dma_start3A_202 = tpu.memref_slice %arg2[%dma_start3A_200, %dma_start3A_201] : memref<10000x128xf32, #tpu.memory_space<hbm>> -> memref<10000x128xf32, #tpu.memory_space<hbm>>
      %dma_start3A_203 = tpu.memref_slice %arg10[%dma_start3A_196] : memref<2x!tpu.dma_semaphore, #tpu.memory_space<semaphore_mem>> -> memref<1x!tpu.dma_semaphore, #tpu.memory_space<semaphore_mem>>
      %dma_start3A_204 = tpu.memref_squeeze %dma_start3A_203 : memref<1x!tpu.dma_semaphore, #tpu.memory_space<semaphore_mem>> -> memref<!tpu.dma_semaphore, #tpu.memory_space<semaphore_mem>>
      tpu.enqueue_indirect_dma source(%dma_start3A_202 : memref<10000x128xf32, #tpu.memory_space<hbm>>) target(%arg8 : memref<125x128xf32, #tpu.memory_space<vmem>>) offsets(%dma_start3A_199 : memref<125xi32, #tpu.memory_space<vmem>>) semaphore(%dma_start3A_204 : memref<!tpu.dma_semaphore, #tpu.memory_space<semaphore_mem>>)
      %dma_wait3A_205 = arith.constant 0 : i32
      %dma_wait3A_206 = arith.constant 0 : i32
      %dma_wait3A_207 = tpu.memref_slice %arg5[%add3A_171, %dma_wait3A_206] : memref<80x125xi32, #tpu.memory_space<vmem>> -> memref<1x125xi32, #tpu.memory_space<vmem>>
      %dma_wait3A_208 = tpu.memref_squeeze %dma_wait3A_207 : memref<1x125xi32, #tpu.memory_space<vmem>> -> memref<125xi32, #tpu.memory_space<vmem>>
      %dma_wait3A_209 = arith.constant 0 : i32
      %dma_wait3A_210 = arith.constant 0 : i32
      %dma_wait3A_211 = tpu.memref_slice %arg2[%dma_wait3A_209, %dma_wait3A_210] : memref<10000x128xf32, #tpu.memory_space<hbm>> -> memref<10000x128xf32, #tpu.memory_space<hbm>>
      %dma_wait3A_212 = tpu.memref_slice %arg10[%dma_wait3A_205] : memref<2x!tpu.dma_semaphore, #tpu.memory_space<semaphore_mem>> -> memref<1x!tpu.dma_semaphore, #tpu.memory_space<semaphore_mem>>
      %dma_wait3A_213 = tpu.memref_squeeze %dma_wait3A_212 : memref<1x!tpu.dma_semaphore, #tpu.memory_space<semaphore_mem>> -> memref<!tpu.dma_semaphore, #tpu.memory_space<semaphore_mem>>
      tpu.wait_indirect_dma semaphore(%dma_wait3A_213 : memref<!tpu.dma_semaphore, #tpu.memory_space<semaphore_mem>>) src(%dma_wait3A_211 : memref<10000x128xf32, #tpu.memory_space<hbm>>) dst(%arg7 : memref<125x128xf32, #tpu.memory_space<vmem>>)
      %add3A_214 = arith.constant 6 : i32
      %add3A_215 = arith.addi %mul3A_40, %add3A_214 : i32
      "tpu.region"() ({
        %run_scoped3A_275 = tpu.sem_alloc : memref<!tpu.dma_semaphore, #tpu.memory_space<semaphore_mem>>
        %dma_start3A_276 = arith.constant 0 : i32
        %dma_start3A_277 = tpu.memref_slice %arg6[%add3A_215, %dma_start3A_276] : memref<40x125xi32, #tpu.memory_space<vmem>> -> memref<1x125xi32, #tpu.memory_space<vmem>>
        %dma_start3A_278 = tpu.memref_squeeze %dma_start3A_277 : memref<1x125xi32, #tpu.memory_space<vmem>> -> memref<125xi32, #tpu.memory_space<vmem>>
        %dma_start3A_279 = arith.constant 0 : i32
        %dma_start3A_280 = arith.constant 0 : i32
        %dma_start3A_281 = tpu.memref_slice %arg9[%dma_start3A_279, %dma_start3A_280] : memref<10240x128xf32, #tpu.memory_space<vmem_shared>> -> memref<10240x128xf32, #tpu.memory_space<vmem_shared>>
        tpu.enqueue_indirect_dma source(%arg7 : memref<125x128xf32, #tpu.memory_space<vmem>>) target(%dma_start3A_281 : memref<10240x128xf32, #tpu.memory_space<vmem_shared>>) offsets(%dma_start3A_278 : memref<125xi32, #tpu.memory_space<vmem>>) semaphore(%run_scoped3A_275 : memref<!tpu.dma_semaphore, #tpu.memory_space<semaphore_mem>>) {add = true}
        %dma_wait3A_282 = arith.constant 0 : i32
        %dma_wait3A_283 = tpu.memref_slice %arg6[%add3A_215, %dma_wait3A_282] : memref<40x125xi32, #tpu.memory_space<vmem>> -> memref<1x125xi32, #tpu.memory_space<vmem>>
        %dma_wait3A_284 = tpu.memref_squeeze %dma_wait3A_283 : memref<1x125xi32, #tpu.memory_space<vmem>> -> memref<125xi32, #tpu.memory_space<vmem>>
        %dma_wait3A_285 = arith.constant 0 : i32
        %dma_wait3A_286 = arith.constant 0 : i32
        %dma_wait3A_287 = tpu.memref_slice %arg9[%dma_wait3A_285, %dma_wait3A_286] : memref<10240x128xf32, #tpu.memory_space<vmem_shared>> -> memref<10240x128xf32, #tpu.memory_space<vmem_shared>>
        tpu.wait_indirect_dma semaphore(%run_scoped3A_275 : memref<!tpu.dma_semaphore, #tpu.memory_space<semaphore_mem>>) src(%arg7 : memref<125x128xf32, #tpu.memory_space<vmem>>) dst(%dma_wait3A_287 : memref<10240x128xf32, #tpu.memory_space<vmem_shared>>)
        tpu.yield
      }) : () -> ()
      %add3A_216 = arith.constant 7 : i32
      %add3A_217 = arith.addi %add3A_38, %add3A_216 : i32
      %add3A_218 = arith.constant 1 : i32
      %add3A_219 = arith.addi %add3A_217, %add3A_218 : i32
      %dma_start3A_220 = arith.constant 0 : i32
      %dma_start3A_221 = arith.constant 0 : i32
      %dma_start3A_222 = tpu.memref_slice %arg5[%add3A_219, %dma_start3A_221] : memref<80x125xi32, #tpu.memory_space<vmem>> -> memref<1x125xi32, #tpu.memory_space<vmem>>
      %dma_start3A_223 = tpu.memref_squeeze %dma_start3A_222 : memref<1x125xi32, #tpu.memory_space<vmem>> -> memref<125xi32, #tpu.memory_space<vmem>>
      %dma_start3A_224 = arith.constant 0 : i32
      %dma_start3A_225 = arith.constant 0 : i32
      %dma_start3A_226 = tpu.memref_slice %arg2[%dma_start3A_224, %dma_start3A_225] : memref<10000x128xf32, #tpu.memory_space<hbm>> -> memref<10000x128xf32, #tpu.memory_space<hbm>>
      %dma_start3A_227 = tpu.memref_slice %arg10[%dma_start3A_220] : memref<2x!tpu.dma_semaphore, #tpu.memory_space<semaphore_mem>> -> memref<1x!tpu.dma_semaphore, #tpu.memory_space<semaphore_mem>>
      %dma_start3A_228 = tpu.memref_squeeze %dma_start3A_227 : memref<1x!tpu.dma_semaphore, #tpu.memory_space<semaphore_mem>> -> memref<!tpu.dma_semaphore, #tpu.memory_space<semaphore_mem>>
      tpu.enqueue_indirect_dma source(%dma_start3A_226 : memref<10000x128xf32, #tpu.memory_space<hbm>>) target(%arg7 : memref<125x128xf32, #tpu.memory_space<vmem>>) offsets(%dma_start3A_223 : memref<125xi32, #tpu.memory_space<vmem>>) semaphore(%dma_start3A_228 : memref<!tpu.dma_semaphore, #tpu.memory_space<semaphore_mem>>)
      %dma_wait3A_229 = arith.constant 1 : i32
      %dma_wait3A_230 = arith.constant 0 : i32
      %dma_wait3A_231 = tpu.memref_slice %arg5[%add3A_195, %dma_wait3A_230] : memref<80x125xi32, #tpu.memory_space<vmem>> -> memref<1x125xi32, #tpu.memory_space<vmem>>
      %dma_wait3A_232 = tpu.memref_squeeze %dma_wait3A_231 : memref<1x125xi32, #tpu.memory_space<vmem>> -> memref<125xi32, #tpu.memory_space<vmem>>
      %dma_wait3A_233 = arith.constant 0 : i32
      %dma_wait3A_234 = arith.constant 0 : i32
      %dma_wait3A_235 = tpu.memref_slice %arg2[%dma_wait3A_233, %dma_wait3A_234] : memref<10000x128xf32, #tpu.memory_space<hbm>> -> memref<10000x128xf32, #tpu.memory_space<hbm>>
      %dma_wait3A_236 = tpu.memref_slice %arg10[%dma_wait3A_229] : memref<2x!tpu.dma_semaphore, #tpu.memory_space<semaphore_mem>> -> memref<1x!tpu.dma_semaphore, #tpu.memory_space<semaphore_mem>>
      %dma_wait3A_237 = tpu.memref_squeeze %dma_wait3A_236 : memref<1x!tpu.dma_semaphore, #tpu.memory_space<semaphore_mem>> -> memref<!tpu.dma_semaphore, #tpu.memory_space<semaphore_mem>>
      tpu.wait_indirect_dma semaphore(%dma_wait3A_237 : memref<!tpu.dma_semaphore, #tpu.memory_space<semaphore_mem>>) src(%dma_wait3A_235 : memref<10000x128xf32, #tpu.memory_space<hbm>>) dst(%arg8 : memref<125x128xf32, #tpu.memory_space<vmem>>)
      %add3A_238 = arith.constant 7 : i32
      %add3A_239 = arith.addi %mul3A_40, %add3A_238 : i32
      "tpu.region"() ({
        %run_scoped3A_275 = tpu.sem_alloc : memref<!tpu.dma_semaphore, #tpu.memory_space<semaphore_mem>>
        %dma_start3A_276 = arith.constant 0 : i32
        %dma_start3A_277 = tpu.memref_slice %arg6[%add3A_239, %dma_start3A_276] : memref<40x125xi32, #tpu.memory_space<vmem>> -> memref<1x125xi32, #tpu.memory_space<vmem>>
        %dma_start3A_278 = tpu.memref_squeeze %dma_start3A_277 : memref<1x125xi32, #tpu.memory_space<vmem>> -> memref<125xi32, #tpu.memory_space<vmem>>
        %dma_start3A_279 = arith.constant 0 : i32
        %dma_start3A_280 = arith.constant 0 : i32
        %dma_start3A_281 = tpu.memref_slice %arg9[%dma_start3A_279, %dma_start3A_280] : memref<10240x128xf32, #tpu.memory_space<vmem_shared>> -> memref<10240x128xf32, #tpu.memory_space<vmem_shared>>
        tpu.enqueue_indirect_dma source(%arg8 : memref<125x128xf32, #tpu.memory_space<vmem>>) target(%dma_start3A_281 : memref<10240x128xf32, #tpu.memory_space<vmem_shared>>) offsets(%dma_start3A_278 : memref<125xi32, #tpu.memory_space<vmem>>) semaphore(%run_scoped3A_275 : memref<!tpu.dma_semaphore, #tpu.memory_space<semaphore_mem>>) {add = true}
        %dma_wait3A_282 = arith.constant 0 : i32
        %dma_wait3A_283 = tpu.memref_slice %arg6[%add3A_239, %dma_wait3A_282] : memref<40x125xi32, #tpu.memory_space<vmem>> -> memref<1x125xi32, #tpu.memory_space<vmem>>
        %dma_wait3A_284 = tpu.memref_squeeze %dma_wait3A_283 : memref<1x125xi32, #tpu.memory_space<vmem>> -> memref<125xi32, #tpu.memory_space<vmem>>
        %dma_wait3A_285 = arith.constant 0 : i32
        %dma_wait3A_286 = arith.constant 0 : i32
        %dma_wait3A_287 = tpu.memref_slice %arg9[%dma_wait3A_285, %dma_wait3A_286] : memref<10240x128xf32, #tpu.memory_space<vmem_shared>> -> memref<10240x128xf32, #tpu.memory_space<vmem_shared>>
        tpu.wait_indirect_dma semaphore(%run_scoped3A_275 : memref<!tpu.dma_semaphore, #tpu.memory_space<semaphore_mem>>) src(%arg8 : memref<125x128xf32, #tpu.memory_space<vmem>>) dst(%dma_wait3A_287 : memref<10240x128xf32, #tpu.memory_space<vmem_shared>>)
        tpu.yield
      }) : () -> ()
      %add3A_240 = arith.constant 8 : i32
      %add3A_241 = arith.addi %add3A_38, %add3A_240 : i32
      %add3A_242 = arith.constant 1 : i32
      %add3A_243 = arith.addi %add3A_241, %add3A_242 : i32
      %dma_start3A_244 = arith.constant 1 : i32
      %dma_start3A_245 = arith.constant 0 : i32
      %dma_start3A_246 = tpu.memref_slice %arg5[%add3A_243, %dma_start3A_245] : memref<80x125xi32, #tpu.memory_space<vmem>> -> memref<1x125xi32, #tpu.memory_space<vmem>>
      %dma_start3A_247 = tpu.memref_squeeze %dma_start3A_246 : memref<1x125xi32, #tpu.memory_space<vmem>> -> memref<125xi32, #tpu.memory_space<vmem>>
      %dma_start3A_248 = arith.constant 0 : i32
      %dma_start3A_249 = arith.constant 0 : i32
      %dma_start3A_250 = tpu.memref_slice %arg2[%dma_start3A_248, %dma_start3A_249] : memref<10000x128xf32, #tpu.memory_space<hbm>> -> memref<10000x128xf32, #tpu.memory_space<hbm>>
      %dma_start3A_251 = tpu.memref_slice %arg10[%dma_start3A_244] : memref<2x!tpu.dma_semaphore, #tpu.memory_space<semaphore_mem>> -> memref<1x!tpu.dma_semaphore, #tpu.memory_space<semaphore_mem>>
      %dma_start3A_252 = tpu.memref_squeeze %dma_start3A_251 : memref<1x!tpu.dma_semaphore, #tpu.memory_space<semaphore_mem>> -> memref<!tpu.dma_semaphore, #tpu.memory_space<semaphore_mem>>
      tpu.enqueue_indirect_dma source(%dma_start3A_250 : memref<10000x128xf32, #tpu.memory_space<hbm>>) target(%arg8 : memref<125x128xf32, #tpu.memory_space<vmem>>) offsets(%dma_start3A_247 : memref<125xi32, #tpu.memory_space<vmem>>) semaphore(%dma_start3A_252 : memref<!tpu.dma_semaphore, #tpu.memory_space<semaphore_mem>>)
      %dma_wait3A_253 = arith.constant 0 : i32
      %dma_wait3A_254 = arith.constant 0 : i32
      %dma_wait3A_255 = tpu.memref_slice %arg5[%add3A_219, %dma_wait3A_254] : memref<80x125xi32, #tpu.memory_space<vmem>> -> memref<1x125xi32, #tpu.memory_space<vmem>>
      %dma_wait3A_256 = tpu.memref_squeeze %dma_wait3A_255 : memref<1x125xi32, #tpu.memory_space<vmem>> -> memref<125xi32, #tpu.memory_space<vmem>>
      %dma_wait3A_257 = arith.constant 0 : i32
      %dma_wait3A_258 = arith.constant 0 : i32
      %dma_wait3A_259 = tpu.memref_slice %arg2[%dma_wait3A_257, %dma_wait3A_258] : memref<10000x128xf32, #tpu.memory_space<hbm>> -> memref<10000x128xf32, #tpu.memory_space<hbm>>
      %dma_wait3A_260 = tpu.memref_slice %arg10[%dma_wait3A_253] : memref<2x!tpu.dma_semaphore, #tpu.memory_space<semaphore_mem>> -> memref<1x!tpu.dma_semaphore, #tpu.memory_space<semaphore_mem>>
      %dma_wait3A_261 = tpu.memref_squeeze %dma_wait3A_260 : memref<1x!tpu.dma_semaphore, #tpu.memory_space<semaphore_mem>> -> memref<!tpu.dma_semaphore, #tpu.memory_space<semaphore_mem>>
      tpu.wait_indirect_dma semaphore(%dma_wait3A_261 : memref<!tpu.dma_semaphore, #tpu.memory_space<semaphore_mem>>) src(%dma_wait3A_259 : memref<10000x128xf32, #tpu.memory_space<hbm>>) dst(%arg7 : memref<125x128xf32, #tpu.memory_space<vmem>>)
      %add3A_262 = arith.constant 8 : i32
      %add3A_263 = arith.addi %mul3A_40, %add3A_262 : i32
      "tpu.region"() ({
        %run_scoped3A_275 = tpu.sem_alloc : memref<!tpu.dma_semaphore, #tpu.memory_space<semaphore_mem>>
        %dma_start3A_276 = arith.constant 0 : i32
        %dma_start3A_277 = tpu.memref_slice %arg6[%add3A_263, %dma_start3A_276] : memref<40x125xi32, #tpu.memory_space<vmem>> -> memref<1x125xi32, #tpu.memory_space<vmem>>
        %dma_start3A_278 = tpu.memref_squeeze %dma_start3A_277 : memref<1x125xi32, #tpu.memory_space<vmem>> -> memref<125xi32, #tpu.memory_space<vmem>>
        %dma_start3A_279 = arith.constant 0 : i32
        %dma_start3A_280 = arith.constant 0 : i32
        %dma_start3A_281 = tpu.memref_slice %arg9[%dma_start3A_279, %dma_start3A_280] : memref<10240x128xf32, #tpu.memory_space<vmem_shared>> -> memref<10240x128xf32, #tpu.memory_space<vmem_shared>>
        tpu.enqueue_indirect_dma source(%arg7 : memref<125x128xf32, #tpu.memory_space<vmem>>) target(%dma_start3A_281 : memref<10240x128xf32, #tpu.memory_space<vmem_shared>>) offsets(%dma_start3A_278 : memref<125xi32, #tpu.memory_space<vmem>>) semaphore(%run_scoped3A_275 : memref<!tpu.dma_semaphore, #tpu.memory_space<semaphore_mem>>) {add = true}
        %dma_wait3A_282 = arith.constant 0 : i32
        %dma_wait3A_283 = tpu.memref_slice %arg6[%add3A_263, %dma_wait3A_282] : memref<40x125xi32, #tpu.memory_space<vmem>> -> memref<1x125xi32, #tpu.memory_space<vmem>>
        %dma_wait3A_284 = tpu.memref_squeeze %dma_wait3A_283 : memref<1x125xi32, #tpu.memory_space<vmem>> -> memref<125xi32, #tpu.memory_space<vmem>>
        %dma_wait3A_285 = arith.constant 0 : i32
        %dma_wait3A_286 = arith.constant 0 : i32
        %dma_wait3A_287 = tpu.memref_slice %arg9[%dma_wait3A_285, %dma_wait3A_286] : memref<10240x128xf32, #tpu.memory_space<vmem_shared>> -> memref<10240x128xf32, #tpu.memory_space<vmem_shared>>
        tpu.wait_indirect_dma semaphore(%run_scoped3A_275 : memref<!tpu.dma_semaphore, #tpu.memory_space<semaphore_mem>>) src(%arg7 : memref<125x128xf32, #tpu.memory_space<vmem>>) dst(%dma_wait3A_287 : memref<10240x128xf32, #tpu.memory_space<vmem_shared>>)
        tpu.yield
      }) : () -> ()
      %dma_wait3A_264 = arith.constant 1 : i32
      %dma_wait3A_265 = arith.constant 0 : i32
      %dma_wait3A_266 = tpu.memref_slice %arg5[%add3A_243, %dma_wait3A_265] : memref<80x125xi32, #tpu.memory_space<vmem>> -> memref<1x125xi32, #tpu.memory_space<vmem>>
      %dma_wait3A_267 = tpu.memref_squeeze %dma_wait3A_266 : memref<1x125xi32, #tpu.memory_space<vmem>> -> memref<125xi32, #tpu.memory_space<vmem>>
      %dma_wait3A_268 = arith.constant 0 : i32
      %dma_wait3A_269 = arith.constant 0 : i32
      %dma_wait3A_270 = tpu.memref_slice %arg2[%dma_wait3A_268, %dma_wait3A_269] : memref<10000x128xf32, #tpu.memory_space<hbm>> -> memref<10000x128xf32, #tpu.memory_space<hbm>>
      %dma_wait3A_271 = tpu.memref_slice %arg10[%dma_wait3A_264] : memref<2x!tpu.dma_semaphore, #tpu.memory_space<semaphore_mem>> -> memref<1x!tpu.dma_semaphore, #tpu.memory_space<semaphore_mem>>
      %dma_wait3A_272 = tpu.memref_squeeze %dma_wait3A_271 : memref<1x!tpu.dma_semaphore, #tpu.memory_space<semaphore_mem>> -> memref<!tpu.dma_semaphore, #tpu.memory_space<semaphore_mem>>
      tpu.wait_indirect_dma semaphore(%dma_wait3A_272 : memref<!tpu.dma_semaphore, #tpu.memory_space<semaphore_mem>>) src(%dma_wait3A_270 : memref<10000x128xf32, #tpu.memory_space<hbm>>) dst(%arg8 : memref<125x128xf32, #tpu.memory_space<vmem>>)
      %add3A_273 = arith.constant 9 : i32
      %add3A_274 = arith.addi %mul3A_40, %add3A_273 : i32
      "tpu.region"() ({
        %run_scoped3A_275 = tpu.sem_alloc : memref<!tpu.dma_semaphore, #tpu.memory_space<semaphore_mem>>
        %dma_start3A_276 = arith.constant 0 : i32
        %dma_start3A_277 = tpu.memref_slice %arg6[%add3A_274, %dma_start3A_276] : memref<40x125xi32, #tpu.memory_space<vmem>> -> memref<1x125xi32, #tpu.memory_space<vmem>>
        %dma_start3A_278 = tpu.memref_squeeze %dma_start3A_277 : memref<1x125xi32, #tpu.memory_space<vmem>> -> memref<125xi32, #tpu.memory_space<vmem>>
        %dma_start3A_279 = arith.constant 0 : i32
        %dma_start3A_280 = arith.constant 0 : i32
        %dma_start3A_281 = tpu.memref_slice %arg9[%dma_start3A_279, %dma_start3A_280] : memref<10240x128xf32, #tpu.memory_space<vmem_shared>> -> memref<10240x128xf32, #tpu.memory_space<vmem_shared>>
        tpu.enqueue_indirect_dma source(%arg8 : memref<125x128xf32, #tpu.memory_space<vmem>>) target(%dma_start3A_281 : memref<10240x128xf32, #tpu.memory_space<vmem_shared>>) offsets(%dma_start3A_278 : memref<125xi32, #tpu.memory_space<vmem>>) semaphore(%run_scoped3A_275 : memref<!tpu.dma_semaphore, #tpu.memory_space<semaphore_mem>>) {add = true}
        %dma_wait3A_282 = arith.constant 0 : i32
        %dma_wait3A_283 = tpu.memref_slice %arg6[%add3A_274, %dma_wait3A_282] : memref<40x125xi32, #tpu.memory_space<vmem>> -> memref<1x125xi32, #tpu.memory_space<vmem>>
        %dma_wait3A_284 = tpu.memref_squeeze %dma_wait3A_283 : memref<1x125xi32, #tpu.memory_space<vmem>> -> memref<125xi32, #tpu.memory_space<vmem>>
        %dma_wait3A_285 = arith.constant 0 : i32
        %dma_wait3A_286 = arith.constant 0 : i32
        %dma_wait3A_287 = tpu.memref_slice %arg9[%dma_wait3A_285, %dma_wait3A_286] : memref<10240x128xf32, #tpu.memory_space<vmem_shared>> -> memref<10240x128xf32, #tpu.memory_space<vmem_shared>>
        tpu.wait_indirect_dma semaphore(%run_scoped3A_275 : memref<!tpu.dma_semaphore, #tpu.memory_space<semaphore_mem>>) src(%arg8 : memref<125x128xf32, #tpu.memory_space<vmem>>) dst(%dma_wait3A_287 : memref<10240x128xf32, #tpu.memory_space<vmem_shared>>)
        tpu.yield
      }) : () -> ()
    }
    %scan3A_25 = arith.constant 4 : i32
    %run_scoped3A_26 = arith.constant 1 : i32
    "tpu.region"() ({
      %run_scoped3A_34 = tpu.sem_alloc : memref<!tpu.dma_semaphore, #tpu.memory_space<semaphore_mem>>
      %dma_start3A = arith.constant 40 : i32
      %dma_start3A_35 = arith.constant 0 : i32
      %dma_start3A_36 = tpu.memref_slice %arg3[%run_scoped3A_26, %add3A, %dma_start3A, %dma_start3A_35] : memref<2x32x80x125xi32, #tpu.memory_space<hbm>> -> memref<1x1x40x125xi32, #tpu.memory_space<hbm>>
      %dma_start3A_37 = tpu.memref_squeeze %dma_start3A_36 : memref<1x1x40x125xi32, #tpu.memory_space<hbm>> -> memref<40x125xi32, #tpu.memory_space<hbm>>
      %dma_start3A_38 = arith.constant 40 : i32
      %dma_start3A_39 = arith.constant 0 : i32
      %dma_start3A_40 = tpu.memref_slice %arg3[%run_scoped3A_26, %add3A, %dma_start3A_38, %dma_start3A_39] : memref<2x32x80x125xi32, #tpu.memory_space<hbm>> -> memref<1x1x40x125xi32, #tpu.memory_space<hbm>>
      %dma_start3A_41 = tpu.memref_squeeze %dma_start3A_40 : memref<1x1x40x125xi32, #tpu.memory_space<hbm>> -> memref<40x125xi32, #tpu.memory_space<hbm>>
      tpu.enqueue_dma source(%dma_start3A_41 : memref<40x125xi32, #tpu.memory_space<hbm>>) target(%arg6 : memref<40x125xi32, #tpu.memory_space<vmem>>) target_semaphore(%run_scoped3A_34 : memref<!tpu.dma_semaphore, #tpu.memory_space<semaphore_mem>>)
      %dma_wait3A = arith.constant 40 : i32
      %dma_wait3A_42 = arith.constant 0 : i32
      %dma_wait3A_43 = tpu.memref_slice %arg3[%run_scoped3A_26, %add3A, %dma_wait3A, %dma_wait3A_42] : memref<2x32x80x125xi32, #tpu.memory_space<hbm>> -> memref<1x1x40x125xi32, #tpu.memory_space<hbm>>
      %dma_wait3A_44 = tpu.memref_squeeze %dma_wait3A_43 : memref<1x1x40x125xi32, #tpu.memory_space<hbm>> -> memref<40x125xi32, #tpu.memory_space<hbm>>
      %dma_wait3A_45 = arith.constant 40 : i32
      %dma_wait3A_46 = arith.constant 0 : i32
      %dma_wait3A_47 = tpu.memref_slice %arg3[%run_scoped3A_26, %add3A, %dma_wait3A_45, %dma_wait3A_46] : memref<2x32x80x125xi32, #tpu.memory_space<hbm>> -> memref<1x1x40x125xi32, #tpu.memory_space<hbm>>
      %dma_wait3A_48 = tpu.memref_squeeze %dma_wait3A_47 : memref<1x1x40x125xi32, #tpu.memory_space<hbm>> -> memref<40x125xi32, #tpu.memory_space<hbm>>
      tpu.wait_dma2 semaphore(%run_scoped3A_34 : memref<!tpu.dma_semaphore, #tpu.memory_space<semaphore_mem>>) src(%dma_wait3A_48 : memref<40x125xi32, #tpu.memory_space<hbm>>) dst(%arg6 : memref<40x125xi32, #tpu.memory_space<vmem>>)
      tpu.yield
    }) : () -> ()
    %scan3A_27 = arith.constant 0 : i32
    %scan3A_28 = arith.constant 0 : i32
    %scan3A_29 = arith.constant 4 : i32
    %scan3A_30 = arith.addi %scan3A_28, %scan3A_29 : i32
    %scan3A_31 = arith.constant 1 : i32
    scf.for %scan3A_34 = %scan3A_28 to %scan3A_30 step %scan3A_31  : i32 {
      %mul3A_35 = arith.constant 10 : i32
      %mul3A_36 = arith.muli %scan3A_34, %mul3A_35 : i32
      %add3A_37 = arith.constant 40 : i32
      %add3A_38 = arith.addi %add3A_37, %mul3A_36 : i32
      %mul3A_39 = arith.constant 10 : i32
      %mul3A_40 = arith.muli %scan3A_34, %mul3A_39 : i32
      %dma_start3A = arith.constant 0 : i32
      %dma_start3A_41 = arith.constant 0 : i32
      %dma_start3A_42 = tpu.memref_slice %arg5[%add3A_38, %dma_start3A_41] : memref<80x125xi32, #tpu.memory_space<vmem>> -> memref<1x125xi32, #tpu.memory_space<vmem>>
      %dma_start3A_43 = tpu.memref_squeeze %dma_start3A_42 : memref<1x125xi32, #tpu.memory_space<vmem>> -> memref<125xi32, #tpu.memory_space<vmem>>
      %dma_start3A_44 = arith.constant 0 : i32
      %dma_start3A_45 = arith.constant 0 : i32
      %dma_start3A_46 = tpu.memref_slice %arg2[%dma_start3A_44, %dma_start3A_45] : memref<10000x128xf32, #tpu.memory_space<hbm>> -> memref<10000x128xf32, #tpu.memory_space<hbm>>
      %dma_start3A_47 = tpu.memref_slice %arg10[%dma_start3A] : memref<2x!tpu.dma_semaphore, #tpu.memory_space<semaphore_mem>> -> memref<1x!tpu.dma_semaphore, #tpu.memory_space<semaphore_mem>>
      %dma_start3A_48 = tpu.memref_squeeze %dma_start3A_47 : memref<1x!tpu.dma_semaphore, #tpu.memory_space<semaphore_mem>> -> memref<!tpu.dma_semaphore, #tpu.memory_space<semaphore_mem>>
      tpu.enqueue_indirect_dma source(%dma_start3A_46 : memref<10000x128xf32, #tpu.memory_space<hbm>>) target(%arg7 : memref<125x128xf32, #tpu.memory_space<vmem>>) offsets(%dma_start3A_43 : memref<125xi32, #tpu.memory_space<vmem>>) semaphore(%dma_start3A_48 : memref<!tpu.dma_semaphore, #tpu.memory_space<semaphore_mem>>)
      %add3A_49 = arith.constant 0 : i32
      %add3A_50 = arith.addi %add3A_38, %add3A_49 : i32
      %add3A_51 = arith.constant 1 : i32
      %add3A_52 = arith.addi %add3A_50, %add3A_51 : i32
      %dma_start3A_53 = arith.constant 1 : i32
      %dma_start3A_54 = arith.constant 0 : i32
      %dma_start3A_55 = tpu.memref_slice %arg5[%add3A_52, %dma_start3A_54] : memref<80x125xi32, #tpu.memory_space<vmem>> -> memref<1x125xi32, #tpu.memory_space<vmem>>
      %dma_start3A_56 = tpu.memref_squeeze %dma_start3A_55 : memref<1x125xi32, #tpu.memory_space<vmem>> -> memref<125xi32, #tpu.memory_space<vmem>>
      %dma_start3A_57 = arith.constant 0 : i32
      %dma_start3A_58 = arith.constant 0 : i32
      %dma_start3A_59 = tpu.memref_slice %arg2[%dma_start3A_57, %dma_start3A_58] : memref<10000x128xf32, #tpu.memory_space<hbm>> -> memref<10000x128xf32, #tpu.memory_space<hbm>>
      %dma_start3A_60 = tpu.memref_slice %arg10[%dma_start3A_53] : memref<2x!tpu.dma_semaphore, #tpu.memory_space<semaphore_mem>> -> memref<1x!tpu.dma_semaphore, #tpu.memory_space<semaphore_mem>>
      %dma_start3A_61 = tpu.memref_squeeze %dma_start3A_60 : memref<1x!tpu.dma_semaphore, #tpu.memory_space<semaphore_mem>> -> memref<!tpu.dma_semaphore, #tpu.memory_space<semaphore_mem>>
      tpu.enqueue_indirect_dma source(%dma_start3A_59 : memref<10000x128xf32, #tpu.memory_space<hbm>>) target(%arg8 : memref<125x128xf32, #tpu.memory_space<vmem>>) offsets(%dma_start3A_56 : memref<125xi32, #tpu.memory_space<vmem>>) semaphore(%dma_start3A_61 : memref<!tpu.dma_semaphore, #tpu.memory_space<semaphore_mem>>)
      %dma_wait3A = arith.constant 0 : i32
      %dma_wait3A_62 = arith.constant 0 : i32
      %dma_wait3A_63 = tpu.memref_slice %arg5[%add3A_38, %dma_wait3A_62] : memref<80x125xi32, #tpu.memory_space<vmem>> -> memref<1x125xi32, #tpu.memory_space<vmem>>
      %dma_wait3A_64 = tpu.memref_squeeze %dma_wait3A_63 : memref<1x125xi32, #tpu.memory_space<vmem>> -> memref<125xi32, #tpu.memory_space<vmem>>
      %dma_wait3A_65 = arith.constant 0 : i32
      %dma_wait3A_66 = arith.constant 0 : i32
      %dma_wait3A_67 = tpu.memref_slice %arg2[%dma_wait3A_65, %dma_wait3A_66] : memref<10000x128xf32, #tpu.memory_space<hbm>> -> memref<10000x128xf32, #tpu.memory_space<hbm>>
      %dma_wait3A_68 = tpu.memref_slice %arg10[%dma_wait3A] : memref<2x!tpu.dma_semaphore, #tpu.memory_space<semaphore_mem>> -> memref<1x!tpu.dma_semaphore, #tpu.memory_space<semaphore_mem>>
      %dma_wait3A_69 = tpu.memref_squeeze %dma_wait3A_68 : memref<1x!tpu.dma_semaphore, #tpu.memory_space<semaphore_mem>> -> memref<!tpu.dma_semaphore, #tpu.memory_space<semaphore_mem>>
      tpu.wait_indirect_dma semaphore(%dma_wait3A_69 : memref<!tpu.dma_semaphore, #tpu.memory_space<semaphore_mem>>) src(%dma_wait3A_67 : memref<10000x128xf32, #tpu.memory_space<hbm>>) dst(%arg7 : memref<125x128xf32, #tpu.memory_space<vmem>>)
      %add3A_70 = arith.constant 0 : i32
      %add3A_71 = arith.addi %mul3A_40, %add3A_70 : i32
      "tpu.region"() ({
        %run_scoped3A_275 = tpu.sem_alloc : memref<!tpu.dma_semaphore, #tpu.memory_space<semaphore_mem>>
        %dma_start3A_276 = arith.constant 0 : i32
        %dma_start3A_277 = tpu.memref_slice %arg6[%add3A_71, %dma_start3A_276] : memref<40x125xi32, #tpu.memory_space<vmem>> -> memref<1x125xi32, #tpu.memory_space<vmem>>
        %dma_start3A_278 = tpu.memref_squeeze %dma_start3A_277 : memref<1x125xi32, #tpu.memory_space<vmem>> -> memref<125xi32, #tpu.memory_space<vmem>>
        %dma_start3A_279 = arith.constant 0 : i32
        %dma_start3A_280 = arith.constant 0 : i32
        %dma_start3A_281 = tpu.memref_slice %arg9[%dma_start3A_279, %dma_start3A_280] : memref<10240x128xf32, #tpu.memory_space<vmem_shared>> -> memref<10240x128xf32, #tpu.memory_space<vmem_shared>>
        tpu.enqueue_indirect_dma source(%arg7 : memref<125x128xf32, #tpu.memory_space<vmem>>) target(%dma_start3A_281 : memref<10240x128xf32, #tpu.memory_space<vmem_shared>>) offsets(%dma_start3A_278 : memref<125xi32, #tpu.memory_space<vmem>>) semaphore(%run_scoped3A_275 : memref<!tpu.dma_semaphore, #tpu.memory_space<semaphore_mem>>) {add = true}
        %dma_wait3A_282 = arith.constant 0 : i32
        %dma_wait3A_283 = tpu.memref_slice %arg6[%add3A_71, %dma_wait3A_282] : memref<40x125xi32, #tpu.memory_space<vmem>> -> memref<1x125xi32, #tpu.memory_space<vmem>>
        %dma_wait3A_284 = tpu.memref_squeeze %dma_wait3A_283 : memref<1x125xi32, #tpu.memory_space<vmem>> -> memref<125xi32, #tpu.memory_space<vmem>>
        %dma_wait3A_285 = arith.constant 0 : i32
        %dma_wait3A_286 = arith.constant 0 : i32
        %dma_wait3A_287 = tpu.memref_slice %arg9[%dma_wait3A_285, %dma_wait3A_286] : memref<10240x128xf32, #tpu.memory_space<vmem_shared>> -> memref<10240x128xf32, #tpu.memory_space<vmem_shared>>
        tpu.wait_indirect_dma semaphore(%run_scoped3A_275 : memref<!tpu.dma_semaphore, #tpu.memory_space<semaphore_mem>>) src(%arg7 : memref<125x128xf32, #tpu.memory_space<vmem>>) dst(%dma_wait3A_287 : memref<10240x128xf32, #tpu.memory_space<vmem_shared>>)
        tpu.yield
      }) : () -> ()
      %add3A_72 = arith.constant 1 : i32
      %add3A_73 = arith.addi %add3A_38, %add3A_72 : i32
      %add3A_74 = arith.constant 1 : i32
      %add3A_75 = arith.addi %add3A_73, %add3A_74 : i32
      %dma_start3A_76 = arith.constant 0 : i32
      %dma_start3A_77 = arith.constant 0 : i32
      %dma_start3A_78 = tpu.memref_slice %arg5[%add3A_75, %dma_start3A_77] : memref<80x125xi32, #tpu.memory_space<vmem>> -> memref<1x125xi32, #tpu.memory_space<vmem>>
      %dma_start3A_79 = tpu.memref_squeeze %dma_start3A_78 : memref<1x125xi32, #tpu.memory_space<vmem>> -> memref<125xi32, #tpu.memory_space<vmem>>
      %dma_start3A_80 = arith.constant 0 : i32
      %dma_start3A_81 = arith.constant 0 : i32
      %dma_start3A_82 = tpu.memref_slice %arg2[%dma_start3A_80, %dma_start3A_81] : memref<10000x128xf32, #tpu.memory_space<hbm>> -> memref<10000x128xf32, #tpu.memory_space<hbm>>
      %dma_start3A_83 = tpu.memref_slice %arg10[%dma_start3A_76] : memref<2x!tpu.dma_semaphore, #tpu.memory_space<semaphore_mem>> -> memref<1x!tpu.dma_semaphore, #tpu.memory_space<semaphore_mem>>
      %dma_start3A_84 = tpu.memref_squeeze %dma_start3A_83 : memref<1x!tpu.dma_semaphore, #tpu.memory_space<semaphore_mem>> -> memref<!tpu.dma_semaphore, #tpu.memory_space<semaphore_mem>>
      tpu.enqueue_indirect_dma source(%dma_start3A_82 : memref<10000x128xf32, #tpu.memory_space<hbm>>) target(%arg7 : memref<125x128xf32, #tpu.memory_space<vmem>>) offsets(%dma_start3A_79 : memref<125xi32, #tpu.memory_space<vmem>>) semaphore(%dma_start3A_84 : memref<!tpu.dma_semaphore, #tpu.memory_space<semaphore_mem>>)
      %dma_wait3A_85 = arith.constant 1 : i32
      %dma_wait3A_86 = arith.constant 0 : i32
      %dma_wait3A_87 = tpu.memref_slice %arg5[%add3A_52, %dma_wait3A_86] : memref<80x125xi32, #tpu.memory_space<vmem>> -> memref<1x125xi32, #tpu.memory_space<vmem>>
      %dma_wait3A_88 = tpu.memref_squeeze %dma_wait3A_87 : memref<1x125xi32, #tpu.memory_space<vmem>> -> memref<125xi32, #tpu.memory_space<vmem>>
      %dma_wait3A_89 = arith.constant 0 : i32
      %dma_wait3A_90 = arith.constant 0 : i32
      %dma_wait3A_91 = tpu.memref_slice %arg2[%dma_wait3A_89, %dma_wait3A_90] : memref<10000x128xf32, #tpu.memory_space<hbm>> -> memref<10000x128xf32, #tpu.memory_space<hbm>>
      %dma_wait3A_92 = tpu.memref_slice %arg10[%dma_wait3A_85] : memref<2x!tpu.dma_semaphore, #tpu.memory_space<semaphore_mem>> -> memref<1x!tpu.dma_semaphore, #tpu.memory_space<semaphore_mem>>
      %dma_wait3A_93 = tpu.memref_squeeze %dma_wait3A_92 : memref<1x!tpu.dma_semaphore, #tpu.memory_space<semaphore_mem>> -> memref<!tpu.dma_semaphore, #tpu.memory_space<semaphore_mem>>
      tpu.wait_indirect_dma semaphore(%dma_wait3A_93 : memref<!tpu.dma_semaphore, #tpu.memory_space<semaphore_mem>>) src(%dma_wait3A_91 : memref<10000x128xf32, #tpu.memory_space<hbm>>) dst(%arg8 : memref<125x128xf32, #tpu.memory_space<vmem>>)
      %add3A_94 = arith.constant 1 : i32
      %add3A_95 = arith.addi %mul3A_40, %add3A_94 : i32
      "tpu.region"() ({
        %run_scoped3A_275 = tpu.sem_alloc : memref<!tpu.dma_semaphore, #tpu.memory_space<semaphore_mem>>
        %dma_start3A_276 = arith.constant 0 : i32
        %dma_start3A_277 = tpu.memref_slice %arg6[%add3A_95, %dma_start3A_276] : memref<40x125xi32, #tpu.memory_space<vmem>> -> memref<1x125xi32, #tpu.memory_space<vmem>>
        %dma_start3A_278 = tpu.memref_squeeze %dma_start3A_277 : memref<1x125xi32, #tpu.memory_space<vmem>> -> memref<125xi32, #tpu.memory_space<vmem>>
        %dma_start3A_279 = arith.constant 0 : i32
        %dma_start3A_280 = arith.constant 0 : i32
        %dma_start3A_281 = tpu.memref_slice %arg9[%dma_start3A_279, %dma_start3A_280] : memref<10240x128xf32, #tpu.memory_space<vmem_shared>> -> memref<10240x128xf32, #tpu.memory_space<vmem_shared>>
        tpu.enqueue_indirect_dma source(%arg8 : memref<125x128xf32, #tpu.memory_space<vmem>>) target(%dma_start3A_281 : memref<10240x128xf32, #tpu.memory_space<vmem_shared>>) offsets(%dma_start3A_278 : memref<125xi32, #tpu.memory_space<vmem>>) semaphore(%run_scoped3A_275 : memref<!tpu.dma_semaphore, #tpu.memory_space<semaphore_mem>>) {add = true}
        %dma_wait3A_282 = arith.constant 0 : i32
        %dma_wait3A_283 = tpu.memref_slice %arg6[%add3A_95, %dma_wait3A_282] : memref<40x125xi32, #tpu.memory_space<vmem>> -> memref<1x125xi32, #tpu.memory_space<vmem>>
        %dma_wait3A_284 = tpu.memref_squeeze %dma_wait3A_283 : memref<1x125xi32, #tpu.memory_space<vmem>> -> memref<125xi32, #tpu.memory_space<vmem>>
        %dma_wait3A_285 = arith.constant 0 : i32
        %dma_wait3A_286 = arith.constant 0 : i32
        %dma_wait3A_287 = tpu.memref_slice %arg9[%dma_wait3A_285, %dma_wait3A_286] : memref<10240x128xf32, #tpu.memory_space<vmem_shared>> -> memref<10240x128xf32, #tpu.memory_space<vmem_shared>>
        tpu.wait_indirect_dma semaphore(%run_scoped3A_275 : memref<!tpu.dma_semaphore, #tpu.memory_space<semaphore_mem>>) src(%arg8 : memref<125x128xf32, #tpu.memory_space<vmem>>) dst(%dma_wait3A_287 : memref<10240x128xf32, #tpu.memory_space<vmem_shared>>)
        tpu.yield
      }) : () -> ()
      %add3A_96 = arith.constant 2 : i32
      %add3A_97 = arith.addi %add3A_38, %add3A_96 : i32
      %add3A_98 = arith.constant 1 : i32
      %add3A_99 = arith.addi %add3A_97, %add3A_98 : i32
      %dma_start3A_100 = arith.constant 1 : i32
      %dma_start3A_101 = arith.constant 0 : i32
      %dma_start3A_102 = tpu.memref_slice %arg5[%add3A_99, %dma_start3A_101] : memref<80x125xi32, #tpu.memory_space<vmem>> -> memref<1x125xi32, #tpu.memory_space<vmem>>
      %dma_start3A_103 = tpu.memref_squeeze %dma_start3A_102 : memref<1x125xi32, #tpu.memory_space<vmem>> -> memref<125xi32, #tpu.memory_space<vmem>>
      %dma_start3A_104 = arith.constant 0 : i32
      %dma_start3A_105 = arith.constant 0 : i32
      %dma_start3A_106 = tpu.memref_slice %arg2[%dma_start3A_104, %dma_start3A_105] : memref<10000x128xf32, #tpu.memory_space<hbm>> -> memref<10000x128xf32, #tpu.memory_space<hbm>>
      %dma_start3A_107 = tpu.memref_slice %arg10[%dma_start3A_100] : memref<2x!tpu.dma_semaphore, #tpu.memory_space<semaphore_mem>> -> memref<1x!tpu.dma_semaphore, #tpu.memory_space<semaphore_mem>>
      %dma_start3A_108 = tpu.memref_squeeze %dma_start3A_107 : memref<1x!tpu.dma_semaphore, #tpu.memory_space<semaphore_mem>> -> memref<!tpu.dma_semaphore, #tpu.memory_space<semaphore_mem>>
      tpu.enqueue_indirect_dma source(%dma_start3A_106 : memref<10000x128xf32, #tpu.memory_space<hbm>>) target(%arg8 : memref<125x128xf32, #tpu.memory_space<vmem>>) offsets(%dma_start3A_103 : memref<125xi32, #tpu.memory_space<vmem>>) semaphore(%dma_start3A_108 : memref<!tpu.dma_semaphore, #tpu.memory_space<semaphore_mem>>)
      %dma_wait3A_109 = arith.constant 0 : i32
      %dma_wait3A_110 = arith.constant 0 : i32
      %dma_wait3A_111 = tpu.memref_slice %arg5[%add3A_75, %dma_wait3A_110] : memref<80x125xi32, #tpu.memory_space<vmem>> -> memref<1x125xi32, #tpu.memory_space<vmem>>
      %dma_wait3A_112 = tpu.memref_squeeze %dma_wait3A_111 : memref<1x125xi32, #tpu.memory_space<vmem>> -> memref<125xi32, #tpu.memory_space<vmem>>
      %dma_wait3A_113 = arith.constant 0 : i32
      %dma_wait3A_114 = arith.constant 0 : i32
      %dma_wait3A_115 = tpu.memref_slice %arg2[%dma_wait3A_113, %dma_wait3A_114] : memref<10000x128xf32, #tpu.memory_space<hbm>> -> memref<10000x128xf32, #tpu.memory_space<hbm>>
      %dma_wait3A_116 = tpu.memref_slice %arg10[%dma_wait3A_109] : memref<2x!tpu.dma_semaphore, #tpu.memory_space<semaphore_mem>> -> memref<1x!tpu.dma_semaphore, #tpu.memory_space<semaphore_mem>>
      %dma_wait3A_117 = tpu.memref_squeeze %dma_wait3A_116 : memref<1x!tpu.dma_semaphore, #tpu.memory_space<semaphore_mem>> -> memref<!tpu.dma_semaphore, #tpu.memory_space<semaphore_mem>>
      tpu.wait_indirect_dma semaphore(%dma_wait3A_117 : memref<!tpu.dma_semaphore, #tpu.memory_space<semaphore_mem>>) src(%dma_wait3A_115 : memref<10000x128xf32, #tpu.memory_space<hbm>>) dst(%arg7 : memref<125x128xf32, #tpu.memory_space<vmem>>)
      %add3A_118 = arith.constant 2 : i32
      %add3A_119 = arith.addi %mul3A_40, %add3A_118 : i32
      "tpu.region"() ({
        %run_scoped3A_275 = tpu.sem_alloc : memref<!tpu.dma_semaphore, #tpu.memory_space<semaphore_mem>>
        %dma_start3A_276 = arith.constant 0 : i32
        %dma_start3A_277 = tpu.memref_slice %arg6[%add3A_119, %dma_start3A_276] : memref<40x125xi32, #tpu.memory_space<vmem>> -> memref<1x125xi32, #tpu.memory_space<vmem>>
        %dma_start3A_278 = tpu.memref_squeeze %dma_start3A_277 : memref<1x125xi32, #tpu.memory_space<vmem>> -> memref<125xi32, #tpu.memory_space<vmem>>
        %dma_start3A_279 = arith.constant 0 : i32
        %dma_start3A_280 = arith.constant 0 : i32
        %dma_start3A_281 = tpu.memref_slice %arg9[%dma_start3A_279, %dma_start3A_280] : memref<10240x128xf32, #tpu.memory_space<vmem_shared>> -> memref<10240x128xf32, #tpu.memory_space<vmem_shared>>
        tpu.enqueue_indirect_dma source(%arg7 : memref<125x128xf32, #tpu.memory_space<vmem>>) target(%dma_start3A_281 : memref<10240x128xf32, #tpu.memory_space<vmem_shared>>) offsets(%dma_start3A_278 : memref<125xi32, #tpu.memory_space<vmem>>) semaphore(%run_scoped3A_275 : memref<!tpu.dma_semaphore, #tpu.memory_space<semaphore_mem>>) {add = true}
        %dma_wait3A_282 = arith.constant 0 : i32
        %dma_wait3A_283 = tpu.memref_slice %arg6[%add3A_119, %dma_wait3A_282] : memref<40x125xi32, #tpu.memory_space<vmem>> -> memref<1x125xi32, #tpu.memory_space<vmem>>
        %dma_wait3A_284 = tpu.memref_squeeze %dma_wait3A_283 : memref<1x125xi32, #tpu.memory_space<vmem>> -> memref<125xi32, #tpu.memory_space<vmem>>
        %dma_wait3A_285 = arith.constant 0 : i32
        %dma_wait3A_286 = arith.constant 0 : i32
        %dma_wait3A_287 = tpu.memref_slice %arg9[%dma_wait3A_285, %dma_wait3A_286] : memref<10240x128xf32, #tpu.memory_space<vmem_shared>> -> memref<10240x128xf32, #tpu.memory_space<vmem_shared>>
        tpu.wait_indirect_dma semaphore(%run_scoped3A_275 : memref<!tpu.dma_semaphore, #tpu.memory_space<semaphore_mem>>) src(%arg7 : memref<125x128xf32, #tpu.memory_space<vmem>>) dst(%dma_wait3A_287 : memref<10240x128xf32, #tpu.memory_space<vmem_shared>>)
        tpu.yield
      }) : () -> ()
      %add3A_120 = arith.constant 3 : i32
      %add3A_121 = arith.addi %add3A_38, %add3A_120 : i32
      %add3A_122 = arith.constant 1 : i32
      %add3A_123 = arith.addi %add3A_121, %add3A_122 : i32
      %dma_start3A_124 = arith.constant 0 : i32
      %dma_start3A_125 = arith.constant 0 : i32
      %dma_start3A_126 = tpu.memref_slice %arg5[%add3A_123, %dma_start3A_125] : memref<80x125xi32, #tpu.memory_space<vmem>> -> memref<1x125xi32, #tpu.memory_space<vmem>>
      %dma_start3A_127 = tpu.memref_squeeze %dma_start3A_126 : memref<1x125xi32, #tpu.memory_space<vmem>> -> memref<125xi32, #tpu.memory_space<vmem>>
      %dma_start3A_128 = arith.constant 0 : i32
      %dma_start3A_129 = arith.constant 0 : i32
      %dma_start3A_130 = tpu.memref_slice %arg2[%dma_start3A_128, %dma_start3A_129] : memref<10000x128xf32, #tpu.memory_space<hbm>> -> memref<10000x128xf32, #tpu.memory_space<hbm>>
      %dma_start3A_131 = tpu.memref_slice %arg10[%dma_start3A_124] : memref<2x!tpu.dma_semaphore, #tpu.memory_space<semaphore_mem>> -> memref<1x!tpu.dma_semaphore, #tpu.memory_space<semaphore_mem>>
      %dma_start3A_132 = tpu.memref_squeeze %dma_start3A_131 : memref<1x!tpu.dma_semaphore, #tpu.memory_space<semaphore_mem>> -> memref<!tpu.dma_semaphore, #tpu.memory_space<semaphore_mem>>
      tpu.enqueue_indirect_dma source(%dma_start3A_130 : memref<10000x128xf32, #tpu.memory_space<hbm>>) target(%arg7 : memref<125x128xf32, #tpu.memory_space<vmem>>) offsets(%dma_start3A_127 : memref<125xi32, #tpu.memory_space<vmem>>) semaphore(%dma_start3A_132 : memref<!tpu.dma_semaphore, #tpu.memory_space<semaphore_mem>>)
      %dma_wait3A_133 = arith.constant 1 : i32
      %dma_wait3A_134 = arith.constant 0 : i32
      %dma_wait3A_135 = tpu.memref_slice %arg5[%add3A_99, %dma_wait3A_134] : memref<80x125xi32, #tpu.memory_space<vmem>> -> memref<1x125xi32, #tpu.memory_space<vmem>>
      %dma_wait3A_136 = tpu.memref_squeeze %dma_wait3A_135 : memref<1x125xi32, #tpu.memory_space<vmem>> -> memref<125xi32, #tpu.memory_space<vmem>>
      %dma_wait3A_137 = arith.constant 0 : i32
      %dma_wait3A_138 = arith.constant 0 : i32
      %dma_wait3A_139 = tpu.memref_slice %arg2[%dma_wait3A_137, %dma_wait3A_138] : memref<10000x128xf32, #tpu.memory_space<hbm>> -> memref<10000x128xf32, #tpu.memory_space<hbm>>
      %dma_wait3A_140 = tpu.memref_slice %arg10[%dma_wait3A_133] : memref<2x!tpu.dma_semaphore, #tpu.memory_space<semaphore_mem>> -> memref<1x!tpu.dma_semaphore, #tpu.memory_space<semaphore_mem>>
      %dma_wait3A_141 = tpu.memref_squeeze %dma_wait3A_140 : memref<1x!tpu.dma_semaphore, #tpu.memory_space<semaphore_mem>> -> memref<!tpu.dma_semaphore, #tpu.memory_space<semaphore_mem>>
      tpu.wait_indirect_dma semaphore(%dma_wait3A_141 : memref<!tpu.dma_semaphore, #tpu.memory_space<semaphore_mem>>) src(%dma_wait3A_139 : memref<10000x128xf32, #tpu.memory_space<hbm>>) dst(%arg8 : memref<125x128xf32, #tpu.memory_space<vmem>>)
      %add3A_142 = arith.constant 3 : i32
      %add3A_143 = arith.addi %mul3A_40, %add3A_142 : i32
      "tpu.region"() ({
        %run_scoped3A_275 = tpu.sem_alloc : memref<!tpu.dma_semaphore, #tpu.memory_space<semaphore_mem>>
        %dma_start3A_276 = arith.constant 0 : i32
        %dma_start3A_277 = tpu.memref_slice %arg6[%add3A_143, %dma_start3A_276] : memref<40x125xi32, #tpu.memory_space<vmem>> -> memref<1x125xi32, #tpu.memory_space<vmem>>
        %dma_start3A_278 = tpu.memref_squeeze %dma_start3A_277 : memref<1x125xi32, #tpu.memory_space<vmem>> -> memref<125xi32, #tpu.memory_space<vmem>>
        %dma_start3A_279 = arith.constant 0 : i32
        %dma_start3A_280 = arith.constant 0 : i32
        %dma_start3A_281 = tpu.memref_slice %arg9[%dma_start3A_279, %dma_start3A_280] : memref<10240x128xf32, #tpu.memory_space<vmem_shared>> -> memref<10240x128xf32, #tpu.memory_space<vmem_shared>>
        tpu.enqueue_indirect_dma source(%arg8 : memref<125x128xf32, #tpu.memory_space<vmem>>) target(%dma_start3A_281 : memref<10240x128xf32, #tpu.memory_space<vmem_shared>>) offsets(%dma_start3A_278 : memref<125xi32, #tpu.memory_space<vmem>>) semaphore(%run_scoped3A_275 : memref<!tpu.dma_semaphore, #tpu.memory_space<semaphore_mem>>) {add = true}
        %dma_wait3A_282 = arith.constant 0 : i32
        %dma_wait3A_283 = tpu.memref_slice %arg6[%add3A_143, %dma_wait3A_282] : memref<40x125xi32, #tpu.memory_space<vmem>> -> memref<1x125xi32, #tpu.memory_space<vmem>>
        %dma_wait3A_284 = tpu.memref_squeeze %dma_wait3A_283 : memref<1x125xi32, #tpu.memory_space<vmem>> -> memref<125xi32, #tpu.memory_space<vmem>>
        %dma_wait3A_285 = arith.constant 0 : i32
        %dma_wait3A_286 = arith.constant 0 : i32
        %dma_wait3A_287 = tpu.memref_slice %arg9[%dma_wait3A_285, %dma_wait3A_286] : memref<10240x128xf32, #tpu.memory_space<vmem_shared>> -> memref<10240x128xf32, #tpu.memory_space<vmem_shared>>
        tpu.wait_indirect_dma semaphore(%run_scoped3A_275 : memref<!tpu.dma_semaphore, #tpu.memory_space<semaphore_mem>>) src(%arg8 : memref<125x128xf32, #tpu.memory_space<vmem>>) dst(%dma_wait3A_287 : memref<10240x128xf32, #tpu.memory_space<vmem_shared>>)
        tpu.yield
      }) : () -> ()
      %add3A_144 = arith.constant 4 : i32
      %add3A_145 = arith.addi %add3A_38, %add3A_144 : i32
      %add3A_146 = arith.constant 1 : i32
      %add3A_147 = arith.addi %add3A_145, %add3A_146 : i32
      %dma_start3A_148 = arith.constant 1 : i32
      %dma_start3A_149 = arith.constant 0 : i32
      %dma_start3A_150 = tpu.memref_slice %arg5[%add3A_147, %dma_start3A_149] : memref<80x125xi32, #tpu.memory_space<vmem>> -> memref<1x125xi32, #tpu.memory_space<vmem>>
      %dma_start3A_151 = tpu.memref_squeeze %dma_start3A_150 : memref<1x125xi32, #tpu.memory_space<vmem>> -> memref<125xi32, #tpu.memory_space<vmem>>
      %dma_start3A_152 = arith.constant 0 : i32
      %dma_start3A_153 = arith.constant 0 : i32
      %dma_start3A_154 = tpu.memref_slice %arg2[%dma_start3A_152, %dma_start3A_153] : memref<10000x128xf32, #tpu.memory_space<hbm>> -> memref<10000x128xf32, #tpu.memory_space<hbm>>
      %dma_start3A_155 = tpu.memref_slice %arg10[%dma_start3A_148] : memref<2x!tpu.dma_semaphore, #tpu.memory_space<semaphore_mem>> -> memref<1x!tpu.dma_semaphore, #tpu.memory_space<semaphore_mem>>
      %dma_start3A_156 = tpu.memref_squeeze %dma_start3A_155 : memref<1x!tpu.dma_semaphore, #tpu.memory_space<semaphore_mem>> -> memref<!tpu.dma_semaphore, #tpu.memory_space<semaphore_mem>>
      tpu.enqueue_indirect_dma source(%dma_start3A_154 : memref<10000x128xf32, #tpu.memory_space<hbm>>) target(%arg8 : memref<125x128xf32, #tpu.memory_space<vmem>>) offsets(%dma_start3A_151 : memref<125xi32, #tpu.memory_space<vmem>>) semaphore(%dma_start3A_156 : memref<!tpu.dma_semaphore, #tpu.memory_space<semaphore_mem>>)
      %dma_wait3A_157 = arith.constant 0 : i32
      %dma_wait3A_158 = arith.constant 0 : i32
      %dma_wait3A_159 = tpu.memref_slice %arg5[%add3A_123, %dma_wait3A_158] : memref<80x125xi32, #tpu.memory_space<vmem>> -> memref<1x125xi32, #tpu.memory_space<vmem>>
      %dma_wait3A_160 = tpu.memref_squeeze %dma_wait3A_159 : memref<1x125xi32, #tpu.memory_space<vmem>> -> memref<125xi32, #tpu.memory_space<vmem>>
      %dma_wait3A_161 = arith.constant 0 : i32
      %dma_wait3A_162 = arith.constant 0 : i32
      %dma_wait3A_163 = tpu.memref_slice %arg2[%dma_wait3A_161, %dma_wait3A_162] : memref<10000x128xf32, #tpu.memory_space<hbm>> -> memref<10000x128xf32, #tpu.memory_space<hbm>>
      %dma_wait3A_164 = tpu.memref_slice %arg10[%dma_wait3A_157] : memref<2x!tpu.dma_semaphore, #tpu.memory_space<semaphore_mem>> -> memref<1x!tpu.dma_semaphore, #tpu.memory_space<semaphore_mem>>
      %dma_wait3A_165 = tpu.memref_squeeze %dma_wait3A_164 : memref<1x!tpu.dma_semaphore, #tpu.memory_space<semaphore_mem>> -> memref<!tpu.dma_semaphore, #tpu.memory_space<semaphore_mem>>
      tpu.wait_indirect_dma semaphore(%dma_wait3A_165 : memref<!tpu.dma_semaphore, #tpu.memory_space<semaphore_mem>>) src(%dma_wait3A_163 : memref<10000x128xf32, #tpu.memory_space<hbm>>) dst(%arg7 : memref<125x128xf32, #tpu.memory_space<vmem>>)
      %add3A_166 = arith.constant 4 : i32
      %add3A_167 = arith.addi %mul3A_40, %add3A_166 : i32
      "tpu.region"() ({
        %run_scoped3A_275 = tpu.sem_alloc : memref<!tpu.dma_semaphore, #tpu.memory_space<semaphore_mem>>
        %dma_start3A_276 = arith.constant 0 : i32
        %dma_start3A_277 = tpu.memref_slice %arg6[%add3A_167, %dma_start3A_276] : memref<40x125xi32, #tpu.memory_space<vmem>> -> memref<1x125xi32, #tpu.memory_space<vmem>>
        %dma_start3A_278 = tpu.memref_squeeze %dma_start3A_277 : memref<1x125xi32, #tpu.memory_space<vmem>> -> memref<125xi32, #tpu.memory_space<vmem>>
        %dma_start3A_279 = arith.constant 0 : i32
        %dma_start3A_280 = arith.constant 0 : i32
        %dma_start3A_281 = tpu.memref_slice %arg9[%dma_start3A_279, %dma_start3A_280] : memref<10240x128xf32, #tpu.memory_space<vmem_shared>> -> memref<10240x128xf32, #tpu.memory_space<vmem_shared>>
        tpu.enqueue_indirect_dma source(%arg7 : memref<125x128xf32, #tpu.memory_space<vmem>>) target(%dma_start3A_281 : memref<10240x128xf32, #tpu.memory_space<vmem_shared>>) offsets(%dma_start3A_278 : memref<125xi32, #tpu.memory_space<vmem>>) semaphore(%run_scoped3A_275 : memref<!tpu.dma_semaphore, #tpu.memory_space<semaphore_mem>>) {add = true}
        %dma_wait3A_282 = arith.constant 0 : i32
        %dma_wait3A_283 = tpu.memref_slice %arg6[%add3A_167, %dma_wait3A_282] : memref<40x125xi32, #tpu.memory_space<vmem>> -> memref<1x125xi32, #tpu.memory_space<vmem>>
        %dma_wait3A_284 = tpu.memref_squeeze %dma_wait3A_283 : memref<1x125xi32, #tpu.memory_space<vmem>> -> memref<125xi32, #tpu.memory_space<vmem>>
        %dma_wait3A_285 = arith.constant 0 : i32
        %dma_wait3A_286 = arith.constant 0 : i32
        %dma_wait3A_287 = tpu.memref_slice %arg9[%dma_wait3A_285, %dma_wait3A_286] : memref<10240x128xf32, #tpu.memory_space<vmem_shared>> -> memref<10240x128xf32, #tpu.memory_space<vmem_shared>>
        tpu.wait_indirect_dma semaphore(%run_scoped3A_275 : memref<!tpu.dma_semaphore, #tpu.memory_space<semaphore_mem>>) src(%arg7 : memref<125x128xf32, #tpu.memory_space<vmem>>) dst(%dma_wait3A_287 : memref<10240x128xf32, #tpu.memory_space<vmem_shared>>)
        tpu.yield
      }) : () -> ()
      %add3A_168 = arith.constant 5 : i32
      %add3A_169 = arith.addi %add3A_38, %add3A_168 : i32
      %add3A_170 = arith.constant 1 : i32
      %add3A_171 = arith.addi %add3A_169, %add3A_170 : i32
      %dma_start3A_172 = arith.constant 0 : i32
      %dma_start3A_173 = arith.constant 0 : i32
      %dma_start3A_174 = tpu.memref_slice %arg5[%add3A_171, %dma_start3A_173] : memref<80x125xi32, #tpu.memory_space<vmem>> -> memref<1x125xi32, #tpu.memory_space<vmem>>
      %dma_start3A_175 = tpu.memref_squeeze %dma_start3A_174 : memref<1x125xi32, #tpu.memory_space<vmem>> -> memref<125xi32, #tpu.memory_space<vmem>>
      %dma_start3A_176 = arith.constant 0 : i32
      %dma_start3A_177 = arith.constant 0 : i32
      %dma_start3A_178 = tpu.memref_slice %arg2[%dma_start3A_176, %dma_start3A_177] : memref<10000x128xf32, #tpu.memory_space<hbm>> -> memref<10000x128xf32, #tpu.memory_space<hbm>>
      %dma_start3A_179 = tpu.memref_slice %arg10[%dma_start3A_172] : memref<2x!tpu.dma_semaphore, #tpu.memory_space<semaphore_mem>> -> memref<1x!tpu.dma_semaphore, #tpu.memory_space<semaphore_mem>>
      %dma_start3A_180 = tpu.memref_squeeze %dma_start3A_179 : memref<1x!tpu.dma_semaphore, #tpu.memory_space<semaphore_mem>> -> memref<!tpu.dma_semaphore, #tpu.memory_space<semaphore_mem>>
      tpu.enqueue_indirect_dma source(%dma_start3A_178 : memref<10000x128xf32, #tpu.memory_space<hbm>>) target(%arg7 : memref<125x128xf32, #tpu.memory_space<vmem>>) offsets(%dma_start3A_175 : memref<125xi32, #tpu.memory_space<vmem>>) semaphore(%dma_start3A_180 : memref<!tpu.dma_semaphore, #tpu.memory_space<semaphore_mem>>)
      %dma_wait3A_181 = arith.constant 1 : i32
      %dma_wait3A_182 = arith.constant 0 : i32
      %dma_wait3A_183 = tpu.memref_slice %arg5[%add3A_147, %dma_wait3A_182] : memref<80x125xi32, #tpu.memory_space<vmem>> -> memref<1x125xi32, #tpu.memory_space<vmem>>
      %dma_wait3A_184 = tpu.memref_squeeze %dma_wait3A_183 : memref<1x125xi32, #tpu.memory_space<vmem>> -> memref<125xi32, #tpu.memory_space<vmem>>
      %dma_wait3A_185 = arith.constant 0 : i32
      %dma_wait3A_186 = arith.constant 0 : i32
      %dma_wait3A_187 = tpu.memref_slice %arg2[%dma_wait3A_185, %dma_wait3A_186] : memref<10000x128xf32, #tpu.memory_space<hbm>> -> memref<10000x128xf32, #tpu.memory_space<hbm>>
      %dma_wait3A_188 = tpu.memref_slice %arg10[%dma_wait3A_181] : memref<2x!tpu.dma_semaphore, #tpu.memory_space<semaphore_mem>> -> memref<1x!tpu.dma_semaphore, #tpu.memory_space<semaphore_mem>>
      %dma_wait3A_189 = tpu.memref_squeeze %dma_wait3A_188 : memref<1x!tpu.dma_semaphore, #tpu.memory_space<semaphore_mem>> -> memref<!tpu.dma_semaphore, #tpu.memory_space<semaphore_mem>>
      tpu.wait_indirect_dma semaphore(%dma_wait3A_189 : memref<!tpu.dma_semaphore, #tpu.memory_space<semaphore_mem>>) src(%dma_wait3A_187 : memref<10000x128xf32, #tpu.memory_space<hbm>>) dst(%arg8 : memref<125x128xf32, #tpu.memory_space<vmem>>)
      %add3A_190 = arith.constant 5 : i32
      %add3A_191 = arith.addi %mul3A_40, %add3A_190 : i32
      "tpu.region"() ({
        %run_scoped3A_275 = tpu.sem_alloc : memref<!tpu.dma_semaphore, #tpu.memory_space<semaphore_mem>>
        %dma_start3A_276 = arith.constant 0 : i32
        %dma_start3A_277 = tpu.memref_slice %arg6[%add3A_191, %dma_start3A_276] : memref<40x125xi32, #tpu.memory_space<vmem>> -> memref<1x125xi32, #tpu.memory_space<vmem>>
        %dma_start3A_278 = tpu.memref_squeeze %dma_start3A_277 : memref<1x125xi32, #tpu.memory_space<vmem>> -> memref<125xi32, #tpu.memory_space<vmem>>
        %dma_start3A_279 = arith.constant 0 : i32
        %dma_start3A_280 = arith.constant 0 : i32
        %dma_start3A_281 = tpu.memref_slice %arg9[%dma_start3A_279, %dma_start3A_280] : memref<10240x128xf32, #tpu.memory_space<vmem_shared>> -> memref<10240x128xf32, #tpu.memory_space<vmem_shared>>
        tpu.enqueue_indirect_dma source(%arg8 : memref<125x128xf32, #tpu.memory_space<vmem>>) target(%dma_start3A_281 : memref<10240x128xf32, #tpu.memory_space<vmem_shared>>) offsets(%dma_start3A_278 : memref<125xi32, #tpu.memory_space<vmem>>) semaphore(%run_scoped3A_275 : memref<!tpu.dma_semaphore, #tpu.memory_space<semaphore_mem>>) {add = true}
        %dma_wait3A_282 = arith.constant 0 : i32
        %dma_wait3A_283 = tpu.memref_slice %arg6[%add3A_191, %dma_wait3A_282] : memref<40x125xi32, #tpu.memory_space<vmem>> -> memref<1x125xi32, #tpu.memory_space<vmem>>
        %dma_wait3A_284 = tpu.memref_squeeze %dma_wait3A_283 : memref<1x125xi32, #tpu.memory_space<vmem>> -> memref<125xi32, #tpu.memory_space<vmem>>
        %dma_wait3A_285 = arith.constant 0 : i32
        %dma_wait3A_286 = arith.constant 0 : i32
        %dma_wait3A_287 = tpu.memref_slice %arg9[%dma_wait3A_285, %dma_wait3A_286] : memref<10240x128xf32, #tpu.memory_space<vmem_shared>> -> memref<10240x128xf32, #tpu.memory_space<vmem_shared>>
        tpu.wait_indirect_dma semaphore(%run_scoped3A_275 : memref<!tpu.dma_semaphore, #tpu.memory_space<semaphore_mem>>) src(%arg8 : memref<125x128xf32, #tpu.memory_space<vmem>>) dst(%dma_wait3A_287 : memref<10240x128xf32, #tpu.memory_space<vmem_shared>>)
        tpu.yield
      }) : () -> ()
      %add3A_192 = arith.constant 6 : i32
      %add3A_193 = arith.addi %add3A_38, %add3A_192 : i32
      %add3A_194 = arith.constant 1 : i32
      %add3A_195 = arith.addi %add3A_193, %add3A_194 : i32
      %dma_start3A_196 = arith.constant 1 : i32
      %dma_start3A_197 = arith.constant 0 : i32
      %dma_start3A_198 = tpu.memref_slice %arg5[%add3A_195, %dma_start3A_197] : memref<80x125xi32, #tpu.memory_space<vmem>> -> memref<1x125xi32, #tpu.memory_space<vmem>>
      %dma_start3A_199 = tpu.memref_squeeze %dma_start3A_198 : memref<1x125xi32, #tpu.memory_space<vmem>> -> memref<125xi32, #tpu.memory_space<vmem>>
      %dma_start3A_200 = arith.constant 0 : i32
      %dma_start3A_201 = arith.constant 0 : i32
      %dma_start3A_202 = tpu.memref_slice %arg2[%dma_start3A_200, %dma_start3A_201] : memref<10000x128xf32, #tpu.memory_space<hbm>> -> memref<10000x128xf32, #tpu.memory_space<hbm>>
      %dma_start3A_203 = tpu.memref_slice %arg10[%dma_start3A_196] : memref<2x!tpu.dma_semaphore, #tpu.memory_space<semaphore_mem>> -> memref<1x!tpu.dma_semaphore, #tpu.memory_space<semaphore_mem>>
      %dma_start3A_204 = tpu.memref_squeeze %dma_start3A_203 : memref<1x!tpu.dma_semaphore, #tpu.memory_space<semaphore_mem>> -> memref<!tpu.dma_semaphore, #tpu.memory_space<semaphore_mem>>
      tpu.enqueue_indirect_dma source(%dma_start3A_202 : memref<10000x128xf32, #tpu.memory_space<hbm>>) target(%arg8 : memref<125x128xf32, #tpu.memory_space<vmem>>) offsets(%dma_start3A_199 : memref<125xi32, #tpu.memory_space<vmem>>) semaphore(%dma_start3A_204 : memref<!tpu.dma_semaphore, #tpu.memory_space<semaphore_mem>>)
      %dma_wait3A_205 = arith.constant 0 : i32
      %dma_wait3A_206 = arith.constant 0 : i32
      %dma_wait3A_207 = tpu.memref_slice %arg5[%add3A_171, %dma_wait3A_206] : memref<80x125xi32, #tpu.memory_space<vmem>> -> memref<1x125xi32, #tpu.memory_space<vmem>>
      %dma_wait3A_208 = tpu.memref_squeeze %dma_wait3A_207 : memref<1x125xi32, #tpu.memory_space<vmem>> -> memref<125xi32, #tpu.memory_space<vmem>>
      %dma_wait3A_209 = arith.constant 0 : i32
      %dma_wait3A_210 = arith.constant 0 : i32
      %dma_wait3A_211 = tpu.memref_slice %arg2[%dma_wait3A_209, %dma_wait3A_210] : memref<10000x128xf32, #tpu.memory_space<hbm>> -> memref<10000x128xf32, #tpu.memory_space<hbm>>
      %dma_wait3A_212 = tpu.memref_slice %arg10[%dma_wait3A_205] : memref<2x!tpu.dma_semaphore, #tpu.memory_space<semaphore_mem>> -> memref<1x!tpu.dma_semaphore, #tpu.memory_space<semaphore_mem>>
      %dma_wait3A_213 = tpu.memref_squeeze %dma_wait3A_212 : memref<1x!tpu.dma_semaphore, #tpu.memory_space<semaphore_mem>> -> memref<!tpu.dma_semaphore, #tpu.memory_space<semaphore_mem>>
      tpu.wait_indirect_dma semaphore(%dma_wait3A_213 : memref<!tpu.dma_semaphore, #tpu.memory_space<semaphore_mem>>) src(%dma_wait3A_211 : memref<10000x128xf32, #tpu.memory_space<hbm>>) dst(%arg7 : memref<125x128xf32, #tpu.memory_space<vmem>>)
      %add3A_214 = arith.constant 6 : i32
      %add3A_215 = arith.addi %mul3A_40, %add3A_214 : i32
      "tpu.region"() ({
        %run_scoped3A_275 = tpu.sem_alloc : memref<!tpu.dma_semaphore, #tpu.memory_space<semaphore_mem>>
        %dma_start3A_276 = arith.constant 0 : i32
        %dma_start3A_277 = tpu.memref_slice %arg6[%add3A_215, %dma_start3A_276] : memref<40x125xi32, #tpu.memory_space<vmem>> -> memref<1x125xi32, #tpu.memory_space<vmem>>
        %dma_start3A_278 = tpu.memref_squeeze %dma_start3A_277 : memref<1x125xi32, #tpu.memory_space<vmem>> -> memref<125xi32, #tpu.memory_space<vmem>>
        %dma_start3A_279 = arith.constant 0 : i32
        %dma_start3A_280 = arith.constant 0 : i32
        %dma_start3A_281 = tpu.memref_slice %arg9[%dma_start3A_279, %dma_start3A_280] : memref<10240x128xf32, #tpu.memory_space<vmem_shared>> -> memref<10240x128xf32, #tpu.memory_space<vmem_shared>>
        tpu.enqueue_indirect_dma source(%arg7 : memref<125x128xf32, #tpu.memory_space<vmem>>) target(%dma_start3A_281 : memref<10240x128xf32, #tpu.memory_space<vmem_shared>>) offsets(%dma_start3A_278 : memref<125xi32, #tpu.memory_space<vmem>>) semaphore(%run_scoped3A_275 : memref<!tpu.dma_semaphore, #tpu.memory_space<semaphore_mem>>) {add = true}
        %dma_wait3A_282 = arith.constant 0 : i32
        %dma_wait3A_283 = tpu.memref_slice %arg6[%add3A_215, %dma_wait3A_282] : memref<40x125xi32, #tpu.memory_space<vmem>> -> memref<1x125xi32, #tpu.memory_space<vmem>>
        %dma_wait3A_284 = tpu.memref_squeeze %dma_wait3A_283 : memref<1x125xi32, #tpu.memory_space<vmem>> -> memref<125xi32, #tpu.memory_space<vmem>>
        %dma_wait3A_285 = arith.constant 0 : i32
        %dma_wait3A_286 = arith.constant 0 : i32
        %dma_wait3A_287 = tpu.memref_slice %arg9[%dma_wait3A_285, %dma_wait3A_286] : memref<10240x128xf32, #tpu.memory_space<vmem_shared>> -> memref<10240x128xf32, #tpu.memory_space<vmem_shared>>
        tpu.wait_indirect_dma semaphore(%run_scoped3A_275 : memref<!tpu.dma_semaphore, #tpu.memory_space<semaphore_mem>>) src(%arg7 : memref<125x128xf32, #tpu.memory_space<vmem>>) dst(%dma_wait3A_287 : memref<10240x128xf32, #tpu.memory_space<vmem_shared>>)
        tpu.yield
      }) : () -> ()
      %add3A_216 = arith.constant 7 : i32
      %add3A_217 = arith.addi %add3A_38, %add3A_216 : i32
      %add3A_218 = arith.constant 1 : i32
      %add3A_219 = arith.addi %add3A_217, %add3A_218 : i32
      %dma_start3A_220 = arith.constant 0 : i32
      %dma_start3A_221 = arith.constant 0 : i32
      %dma_start3A_222 = tpu.memref_slice %arg5[%add3A_219, %dma_start3A_221] : memref<80x125xi32, #tpu.memory_space<vmem>> -> memref<1x125xi32, #tpu.memory_space<vmem>>
      %dma_start3A_223 = tpu.memref_squeeze %dma_start3A_222 : memref<1x125xi32, #tpu.memory_space<vmem>> -> memref<125xi32, #tpu.memory_space<vmem>>
      %dma_start3A_224 = arith.constant 0 : i32
      %dma_start3A_225 = arith.constant 0 : i32
      %dma_start3A_226 = tpu.memref_slice %arg2[%dma_start3A_224, %dma_start3A_225] : memref<10000x128xf32, #tpu.memory_space<hbm>> -> memref<10000x128xf32, #tpu.memory_space<hbm>>
      %dma_start3A_227 = tpu.memref_slice %arg10[%dma_start3A_220] : memref<2x!tpu.dma_semaphore, #tpu.memory_space<semaphore_mem>> -> memref<1x!tpu.dma_semaphore, #tpu.memory_space<semaphore_mem>>
      %dma_start3A_228 = tpu.memref_squeeze %dma_start3A_227 : memref<1x!tpu.dma_semaphore, #tpu.memory_space<semaphore_mem>> -> memref<!tpu.dma_semaphore, #tpu.memory_space<semaphore_mem>>
      tpu.enqueue_indirect_dma source(%dma_start3A_226 : memref<10000x128xf32, #tpu.memory_space<hbm>>) target(%arg7 : memref<125x128xf32, #tpu.memory_space<vmem>>) offsets(%dma_start3A_223 : memref<125xi32, #tpu.memory_space<vmem>>) semaphore(%dma_start3A_228 : memref<!tpu.dma_semaphore, #tpu.memory_space<semaphore_mem>>)
      %dma_wait3A_229 = arith.constant 1 : i32
      %dma_wait3A_230 = arith.constant 0 : i32
      %dma_wait3A_231 = tpu.memref_slice %arg5[%add3A_195, %dma_wait3A_230] : memref<80x125xi32, #tpu.memory_space<vmem>> -> memref<1x125xi32, #tpu.memory_space<vmem>>
      %dma_wait3A_232 = tpu.memref_squeeze %dma_wait3A_231 : memref<1x125xi32, #tpu.memory_space<vmem>> -> memref<125xi32, #tpu.memory_space<vmem>>
      %dma_wait3A_233 = arith.constant 0 : i32
      %dma_wait3A_234 = arith.constant 0 : i32
      %dma_wait3A_235 = tpu.memref_slice %arg2[%dma_wait3A_233, %dma_wait3A_234] : memref<10000x128xf32, #tpu.memory_space<hbm>> -> memref<10000x128xf32, #tpu.memory_space<hbm>>
      %dma_wait3A_236 = tpu.memref_slice %arg10[%dma_wait3A_229] : memref<2x!tpu.dma_semaphore, #tpu.memory_space<semaphore_mem>> -> memref<1x!tpu.dma_semaphore, #tpu.memory_space<semaphore_mem>>
      %dma_wait3A_237 = tpu.memref_squeeze %dma_wait3A_236 : memref<1x!tpu.dma_semaphore, #tpu.memory_space<semaphore_mem>> -> memref<!tpu.dma_semaphore, #tpu.memory_space<semaphore_mem>>
      tpu.wait_indirect_dma semaphore(%dma_wait3A_237 : memref<!tpu.dma_semaphore, #tpu.memory_space<semaphore_mem>>) src(%dma_wait3A_235 : memref<10000x128xf32, #tpu.memory_space<hbm>>) dst(%arg8 : memref<125x128xf32, #tpu.memory_space<vmem>>)
      %add3A_238 = arith.constant 7 : i32
      %add3A_239 = arith.addi %mul3A_40, %add3A_238 : i32
      "tpu.region"() ({
        %run_scoped3A_275 = tpu.sem_alloc : memref<!tpu.dma_semaphore, #tpu.memory_space<semaphore_mem>>
        %dma_start3A_276 = arith.constant 0 : i32
        %dma_start3A_277 = tpu.memref_slice %arg6[%add3A_239, %dma_start3A_276] : memref<40x125xi32, #tpu.memory_space<vmem>> -> memref<1x125xi32, #tpu.memory_space<vmem>>
        %dma_start3A_278 = tpu.memref_squeeze %dma_start3A_277 : memref<1x125xi32, #tpu.memory_space<vmem>> -> memref<125xi32, #tpu.memory_space<vmem>>
        %dma_start3A_279 = arith.constant 0 : i32
        %dma_start3A_280 = arith.constant 0 : i32
        %dma_start3A_281 = tpu.memref_slice %arg9[%dma_start3A_279, %dma_start3A_280] : memref<10240x128xf32, #tpu.memory_space<vmem_shared>> -> memref<10240x128xf32, #tpu.memory_space<vmem_shared>>
        tpu.enqueue_indirect_dma source(%arg8 : memref<125x128xf32, #tpu.memory_space<vmem>>) target(%dma_start3A_281 : memref<10240x128xf32, #tpu.memory_space<vmem_shared>>) offsets(%dma_start3A_278 : memref<125xi32, #tpu.memory_space<vmem>>) semaphore(%run_scoped3A_275 : memref<!tpu.dma_semaphore, #tpu.memory_space<semaphore_mem>>) {add = true}
        %dma_wait3A_282 = arith.constant 0 : i32
        %dma_wait3A_283 = tpu.memref_slice %arg6[%add3A_239, %dma_wait3A_282] : memref<40x125xi32, #tpu.memory_space<vmem>> -> memref<1x125xi32, #tpu.memory_space<vmem>>
        %dma_wait3A_284 = tpu.memref_squeeze %dma_wait3A_283 : memref<1x125xi32, #tpu.memory_space<vmem>> -> memref<125xi32, #tpu.memory_space<vmem>>
        %dma_wait3A_285 = arith.constant 0 : i32
        %dma_wait3A_286 = arith.constant 0 : i32
        %dma_wait3A_287 = tpu.memref_slice %arg9[%dma_wait3A_285, %dma_wait3A_286] : memref<10240x128xf32, #tpu.memory_space<vmem_shared>> -> memref<10240x128xf32, #tpu.memory_space<vmem_shared>>
        tpu.wait_indirect_dma semaphore(%run_scoped3A_275 : memref<!tpu.dma_semaphore, #tpu.memory_space<semaphore_mem>>) src(%arg8 : memref<125x128xf32, #tpu.memory_space<vmem>>) dst(%dma_wait3A_287 : memref<10240x128xf32, #tpu.memory_space<vmem_shared>>)
        tpu.yield
      }) : () -> ()
      %add3A_240 = arith.constant 8 : i32
      %add3A_241 = arith.addi %add3A_38, %add3A_240 : i32
      %add3A_242 = arith.constant 1 : i32
      %add3A_243 = arith.addi %add3A_241, %add3A_242 : i32
      %dma_start3A_244 = arith.constant 1 : i32
      %dma_start3A_245 = arith.constant 0 : i32
      %dma_start3A_246 = tpu.memref_slice %arg5[%add3A_243, %dma_start3A_245] : memref<80x125xi32, #tpu.memory_space<vmem>> -> memref<1x125xi32, #tpu.memory_space<vmem>>
      %dma_start3A_247 = tpu.memref_squeeze %dma_start3A_246 : memref<1x125xi32, #tpu.memory_space<vmem>> -> memref<125xi32, #tpu.memory_space<vmem>>
      %dma_start3A_248 = arith.constant 0 : i32
      %dma_start3A_249 = arith.constant 0 : i32
      %dma_start3A_250 = tpu.memref_slice %arg2[%dma_start3A_248, %dma_start3A_249] : memref<10000x128xf32, #tpu.memory_space<hbm>> -> memref<10000x128xf32, #tpu.memory_space<hbm>>
      %dma_start3A_251 = tpu.memref_slice %arg10[%dma_start3A_244] : memref<2x!tpu.dma_semaphore, #tpu.memory_space<semaphore_mem>> -> memref<1x!tpu.dma_semaphore, #tpu.memory_space<semaphore_mem>>
      %dma_start3A_252 = tpu.memref_squeeze %dma_start3A_251 : memref<1x!tpu.dma_semaphore, #tpu.memory_space<semaphore_mem>> -> memref<!tpu.dma_semaphore, #tpu.memory_space<semaphore_mem>>
      tpu.enqueue_indirect_dma source(%dma_start3A_250 : memref<10000x128xf32, #tpu.memory_space<hbm>>) target(%arg8 : memref<125x128xf32, #tpu.memory_space<vmem>>) offsets(%dma_start3A_247 : memref<125xi32, #tpu.memory_space<vmem>>) semaphore(%dma_start3A_252 : memref<!tpu.dma_semaphore, #tpu.memory_space<semaphore_mem>>)
      %dma_wait3A_253 = arith.constant 0 : i32
      %dma_wait3A_254 = arith.constant 0 : i32
      %dma_wait3A_255 = tpu.memref_slice %arg5[%add3A_219, %dma_wait3A_254] : memref<80x125xi32, #tpu.memory_space<vmem>> -> memref<1x125xi32, #tpu.memory_space<vmem>>
      %dma_wait3A_256 = tpu.memref_squeeze %dma_wait3A_255 : memref<1x125xi32, #tpu.memory_space<vmem>> -> memref<125xi32, #tpu.memory_space<vmem>>
      %dma_wait3A_257 = arith.constant 0 : i32
      %dma_wait3A_258 = arith.constant 0 : i32
      %dma_wait3A_259 = tpu.memref_slice %arg2[%dma_wait3A_257, %dma_wait3A_258] : memref<10000x128xf32, #tpu.memory_space<hbm>> -> memref<10000x128xf32, #tpu.memory_space<hbm>>
      %dma_wait3A_260 = tpu.memref_slice %arg10[%dma_wait3A_253] : memref<2x!tpu.dma_semaphore, #tpu.memory_space<semaphore_mem>> -> memref<1x!tpu.dma_semaphore, #tpu.memory_space<semaphore_mem>>
      %dma_wait3A_261 = tpu.memref_squeeze %dma_wait3A_260 : memref<1x!tpu.dma_semaphore, #tpu.memory_space<semaphore_mem>> -> memref<!tpu.dma_semaphore, #tpu.memory_space<semaphore_mem>>
      tpu.wait_indirect_dma semaphore(%dma_wait3A_261 : memref<!tpu.dma_semaphore, #tpu.memory_space<semaphore_mem>>) src(%dma_wait3A_259 : memref<10000x128xf32, #tpu.memory_space<hbm>>) dst(%arg7 : memref<125x128xf32, #tpu.memory_space<vmem>>)
      %add3A_262 = arith.constant 8 : i32
      %add3A_263 = arith.addi %mul3A_40, %add3A_262 : i32
      "tpu.region"() ({
        %run_scoped3A_275 = tpu.sem_alloc : memref<!tpu.dma_semaphore, #tpu.memory_space<semaphore_mem>>
        %dma_start3A_276 = arith.constant 0 : i32
        %dma_start3A_277 = tpu.memref_slice %arg6[%add3A_263, %dma_start3A_276] : memref<40x125xi32, #tpu.memory_space<vmem>> -> memref<1x125xi32, #tpu.memory_space<vmem>>
        %dma_start3A_278 = tpu.memref_squeeze %dma_start3A_277 : memref<1x125xi32, #tpu.memory_space<vmem>> -> memref<125xi32, #tpu.memory_space<vmem>>
        %dma_start3A_279 = arith.constant 0 : i32
        %dma_start3A_280 = arith.constant 0 : i32
        %dma_start3A_281 = tpu.memref_slice %arg9[%dma_start3A_279, %dma_start3A_280] : memref<10240x128xf32, #tpu.memory_space<vmem_shared>> -> memref<10240x128xf32, #tpu.memory_space<vmem_shared>>
        tpu.enqueue_indirect_dma source(%arg7 : memref<125x128xf32, #tpu.memory_space<vmem>>) target(%dma_start3A_281 : memref<10240x128xf32, #tpu.memory_space<vmem_shared>>) offsets(%dma_start3A_278 : memref<125xi32, #tpu.memory_space<vmem>>) semaphore(%run_scoped3A_275 : memref<!tpu.dma_semaphore, #tpu.memory_space<semaphore_mem>>) {add = true}
        %dma_wait3A_282 = arith.constant 0 : i32
        %dma_wait3A_283 = tpu.memref_slice %arg6[%add3A_263, %dma_wait3A_282] : memref<40x125xi32, #tpu.memory_space<vmem>> -> memref<1x125xi32, #tpu.memory_space<vmem>>
        %dma_wait3A_284 = tpu.memref_squeeze %dma_wait3A_283 : memref<1x125xi32, #tpu.memory_space<vmem>> -> memref<125xi32, #tpu.memory_space<vmem>>
        %dma_wait3A_285 = arith.constant 0 : i32
        %dma_wait3A_286 = arith.constant 0 : i32
        %dma_wait3A_287 = tpu.memref_slice %arg9[%dma_wait3A_285, %dma_wait3A_286] : memref<10240x128xf32, #tpu.memory_space<vmem_shared>> -> memref<10240x128xf32, #tpu.memory_space<vmem_shared>>
        tpu.wait_indirect_dma semaphore(%run_scoped3A_275 : memref<!tpu.dma_semaphore, #tpu.memory_space<semaphore_mem>>) src(%arg7 : memref<125x128xf32, #tpu.memory_space<vmem>>) dst(%dma_wait3A_287 : memref<10240x128xf32, #tpu.memory_space<vmem_shared>>)
        tpu.yield
      }) : () -> ()
      %dma_wait3A_264 = arith.constant 1 : i32
      %dma_wait3A_265 = arith.constant 0 : i32
      %dma_wait3A_266 = tpu.memref_slice %arg5[%add3A_243, %dma_wait3A_265] : memref<80x125xi32, #tpu.memory_space<vmem>> -> memref<1x125xi32, #tpu.memory_space<vmem>>
      %dma_wait3A_267 = tpu.memref_squeeze %dma_wait3A_266 : memref<1x125xi32, #tpu.memory_space<vmem>> -> memref<125xi32, #tpu.memory_space<vmem>>
      %dma_wait3A_268 = arith.constant 0 : i32
      %dma_wait3A_269 = arith.constant 0 : i32
      %dma_wait3A_270 = tpu.memref_slice %arg2[%dma_wait3A_268, %dma_wait3A_269] : memref<10000x128xf32, #tpu.memory_space<hbm>> -> memref<10000x128xf32, #tpu.memory_space<hbm>>
      %dma_wait3A_271 = tpu.memref_slice %arg10[%dma_wait3A_264] : memref<2x!tpu.dma_semaphore, #tpu.memory_space<semaphore_mem>> -> memref<1x!tpu.dma_semaphore, #tpu.memory_space<semaphore_mem>>
      %dma_wait3A_272 = tpu.memref_squeeze %dma_wait3A_271 : memref<1x!tpu.dma_semaphore, #tpu.memory_space<semaphore_mem>> -> memref<!tpu.dma_semaphore, #tpu.memory_space<semaphore_mem>>
      tpu.wait_indirect_dma semaphore(%dma_wait3A_272 : memref<!tpu.dma_semaphore, #tpu.memory_space<semaphore_mem>>) src(%dma_wait3A_270 : memref<10000x128xf32, #tpu.memory_space<hbm>>) dst(%arg8 : memref<125x128xf32, #tpu.memory_space<vmem>>)
      %add3A_273 = arith.constant 9 : i32
      %add3A_274 = arith.addi %mul3A_40, %add3A_273 : i32
      "tpu.region"() ({
        %run_scoped3A_275 = tpu.sem_alloc : memref<!tpu.dma_semaphore, #tpu.memory_space<semaphore_mem>>
        %dma_start3A_276 = arith.constant 0 : i32
        %dma_start3A_277 = tpu.memref_slice %arg6[%add3A_274, %dma_start3A_276] : memref<40x125xi32, #tpu.memory_space<vmem>> -> memref<1x125xi32, #tpu.memory_space<vmem>>
        %dma_start3A_278 = tpu.memref_squeeze %dma_start3A_277 : memref<1x125xi32, #tpu.memory_space<vmem>> -> memref<125xi32, #tpu.memory_space<vmem>>
        %dma_start3A_279 = arith.constant 0 : i32
        %dma_start3A_280 = arith.constant 0 : i32
        %dma_start3A_281 = tpu.memref_slice %arg9[%dma_start3A_279, %dma_start3A_280] : memref<10240x128xf32, #tpu.memory_space<vmem_shared>> -> memref<10240x128xf32, #tpu.memory_space<vmem_shared>>
        tpu.enqueue_indirect_dma source(%arg8 : memref<125x128xf32, #tpu.memory_space<vmem>>) target(%dma_start3A_281 : memref<10240x128xf32, #tpu.memory_space<vmem_shared>>) offsets(%dma_start3A_278 : memref<125xi32, #tpu.memory_space<vmem>>) semaphore(%run_scoped3A_275 : memref<!tpu.dma_semaphore, #tpu.memory_space<semaphore_mem>>) {add = true}
        %dma_wait3A_282 = arith.constant 0 : i32
        %dma_wait3A_283 = tpu.memref_slice %arg6[%add3A_274, %dma_wait3A_282] : memref<40x125xi32, #tpu.memory_space<vmem>> -> memref<1x125xi32, #tpu.memory_space<vmem>>
        %dma_wait3A_284 = tpu.memref_squeeze %dma_wait3A_283 : memref<1x125xi32, #tpu.memory_space<vmem>> -> memref<125xi32, #tpu.memory_space<vmem>>
        %dma_wait3A_285 = arith.constant 0 : i32
        %dma_wait3A_286 = arith.constant 0 : i32
        %dma_wait3A_287 = tpu.memref_slice %arg9[%dma_wait3A_285, %dma_wait3A_286] : memref<10240x128xf32, #tpu.memory_space<vmem_shared>> -> memref<10240x128xf32, #tpu.memory_space<vmem_shared>>
        tpu.wait_indirect_dma semaphore(%run_scoped3A_275 : memref<!tpu.dma_semaphore, #tpu.memory_space<semaphore_mem>>) src(%arg8 : memref<125x128xf32, #tpu.memory_space<vmem>>) dst(%dma_wait3A_287 : memref<10240x128xf32, #tpu.memory_space<vmem_shared>>)
        tpu.yield
      }) : () -> ()
    }
    %scan3A_32 = arith.constant 4 : i32
    %barrier3A_33 = arith.constant 0 : index
    tpu.barrier barrier_id(%barrier3A_33)
    "tpu.region"() ({
      %run_scoped3A_34 = tpu.sem_alloc : memref<!tpu.dma_semaphore, #tpu.memory_space<semaphore_mem>>
      %dma_start3A = arith.constant 0 : i32
      %dma_start3A_35 = tpu.memref_slice %arg4[%arg0, %mul3A_2, %dma_start3A] : memref<2x10240x128xf32, #tpu.memory_space<hbm>> -> memref<1x640x128xf32, #tpu.memory_space<hbm>>
      %dma_start3A_36 = tpu.memref_squeeze %dma_start3A_35 : memref<1x640x128xf32, #tpu.memory_space<hbm>> -> memref<640x128xf32, #tpu.memory_space<hbm>>
      %dma_start3A_37 = arith.constant 0 : i32
      %dma_start3A_38 = tpu.memref_slice %arg9[%mul3A_2, %dma_start3A_37] : memref<10240x128xf32, #tpu.memory_space<vmem_shared>> -> memref<640x128xf32, #tpu.memory_space<vmem_shared>>
      tpu.enqueue_dma source(%dma_start3A_38 : memref<640x128xf32, #tpu.memory_space<vmem_shared>>) target(%dma_start3A_36 : memref<640x128xf32, #tpu.memory_space<hbm>>) target_semaphore(%run_scoped3A_34 : memref<!tpu.dma_semaphore, #tpu.memory_space<semaphore_mem>>)
      %dma_wait3A = arith.constant 0 : i32
      %dma_wait3A_39 = tpu.memref_slice %arg4[%arg0, %mul3A_2, %dma_wait3A] : memref<2x10240x128xf32, #tpu.memory_space<hbm>> -> memref<1x640x128xf32, #tpu.memory_space<hbm>>
      %dma_wait3A_40 = tpu.memref_squeeze %dma_wait3A_39 : memref<1x640x128xf32, #tpu.memory_space<hbm>> -> memref<640x128xf32, #tpu.memory_space<hbm>>
      %dma_wait3A_41 = arith.constant 0 : i32
      %dma_wait3A_42 = tpu.memref_slice %arg9[%mul3A_2, %dma_wait3A_41] : memref<10240x128xf32, #tpu.memory_space<vmem_shared>> -> memref<640x128xf32, #tpu.memory_space<vmem_shared>>
      tpu.wait_dma2 semaphore(%run_scoped3A_34 : memref<!tpu.dma_semaphore, #tpu.memory_space<semaphore_mem>>) src(%dma_wait3A_42 : memref<640x128xf32, #tpu.memory_space<vmem_shared>>) dst(%dma_wait3A_40 : memref<640x128xf32, #tpu.memory_space<hbm>>)
      tpu.yield
    }) : () -> ()
    return
  }
}

module attributes {stable_mosaic.version = 14 : i64} {
  func.func @_scale_body(%arg0: memref<10000x128xf32, #tpu.memory_space<vmem>>, %arg1: memref<2x10240xf32, #tpu.memory_space<vmem>>, %arg2: memref<10000x128xf32, #tpu.memory_space<vmem>>, %arg3: memref<10000x1xf32, #tpu.memory_space<vmem>>) attributes {dimension_semantics = [], scalar_prefetch = 0 : i64, scratch_operands = 0 : i64, tpu.core_type = #tpu.core_type<tc>} {
    %get3A = arith.constant 0 : index
    %get3A_0 = arith.constant 0 : index
    %get3A_1 = vector.load %arg1[%get3A, %get3A_0] : memref<2x10240xf32, #tpu.memory_space<vmem>>, vector<1x10000xf32>
    %get3A_2 = vector.shape_cast %get3A_1 : vector<1x10000xf32> to vector<10000xf32>
    %get3A_3 = arith.constant 1 : index
    %get3A_4 = arith.constant 0 : index
    %get3A_5 = vector.load %arg1[%get3A_3, %get3A_4] : memref<2x10240xf32, #tpu.memory_space<vmem>>, vector<1x10000xf32>
    %get3A_6 = vector.shape_cast %get3A_5 : vector<1x10000xf32> to vector<10000xf32>
    %add3A = arith.addf %get3A_2, %get3A_6 : vector<10000xf32>
    %add3A_7 = arith.constant 1.000000e+00 : f32
    %add3A_8 = vector.broadcast %add3A_7 : f32 to vector<10000xf32>
    %add3A_9 = arith.addf %add3A, %add3A_8 : vector<10000xf32>
    %rsqrt3A = math.rsqrt %add3A_9 : vector<10000xf32>
    %broadcast_in_dim3A = vector.shape_cast %rsqrt3A : vector<10000xf32> to vector<10000x1xf32>
    %get3A_10 = arith.constant 0 : index
    %get3A_11 = arith.constant 0 : index
    %get3A_12 = vector.load %arg0[%get3A_10, %get3A_11] : memref<10000x128xf32, #tpu.memory_space<vmem>>, vector<10000x128xf32>
    %mul3A = vector.broadcast %broadcast_in_dim3A : vector<10000x1xf32> to vector<10000x128xf32>
    %mul3A_13 = arith.mulf %get3A_12, %mul3A : vector<10000x128xf32>
    %swap3A = arith.constant 0 : index
    %swap3A_14 = arith.constant 0 : index
    %swap3A_15 = vector.load %arg2[%swap3A, %swap3A_14] : memref<10000x128xf32, #tpu.memory_space<vmem>>, vector<10000x128xf32>
    tpu.vector_store %arg2[%swap3A, %swap3A_14], %mul3A_13 {strides = array<i32>} : memref<10000x128xf32, #tpu.memory_space<vmem>>, vector<10000x128xf32>,
    %swap3A_16 = arith.constant 0 : index
    %swap3A_17 = arith.constant 0 : index
    %swap3A_18 = vector.load %arg3[%swap3A_16, %swap3A_17] : memref<10000x1xf32, #tpu.memory_space<vmem>>, vector<10000x1xf32>
    tpu.vector_store %arg3[%swap3A_16, %swap3A_17], %broadcast_in_dim3A {strides = array<i32>} : memref<10000x1xf32, #tpu.memory_space<vmem>>, vector<10000x1xf32>,
    return
  }
}

module attributes {stable_mosaic.version = 14 : i64} {
  func.func @_mm_body(%arg0: i32, %arg1: memref<2000x128xf32, #tpu.memory_space<vmem>>, %arg2: memref<128x128xf32, #tpu.memory_space<vmem>>, %arg3: memref<2000x128xf32, #tpu.memory_space<vmem>>) attributes {dimension_semantics = [#tpu.dimension_semantics<arbitrary>], iteration_bounds = array<i64: 5>, scalar_prefetch = 0 : i64, scratch_operands = 0 : i64, tpu.core_type = #tpu.core_type<tc>, window_params = [{transform_indices = @transform_0, window_bounds = array<i64: 2000, 128>}, {pipeline_mode = #tpu.pipeline_mode<synchronous>, transform_indices = @transform_1, window_bounds = array<i64: 128, 128>}, {transform_indices = @transform_2, window_bounds = array<i64: 2000, 128>}]} {
    %get3A = arith.constant 0 : index
    %get3A_0 = arith.constant 0 : index
    %get3A_1 = vector.load %arg1[%get3A, %get3A_0] : memref<2000x128xf32, #tpu.memory_space<vmem>>, vector<2000x128xf32>
    %get3A_2 = arith.constant 0 : index
    %get3A_3 = arith.constant 0 : index
    %get3A_4 = vector.load %arg2[%get3A_2, %get3A_3] : memref<128x128xf32, #tpu.memory_space<vmem>>, vector<128x128xf32>
    %dot_general3A = arith.constant dense<0.000000e+00> : vector<2000x128xf32>
    %dot_general3A_5 = tpu.matmul %get3A_1, %get3A_4, %dot_general3A {dimension_numbers = #tpu.dot_dimension_numbers<[1], [0], [0], [1], [0, 0, 1, 1], [], []>, transpose_lhs_hint = false} : vector<2000x128xf32>, vector<128x128xf32>, vector<2000x128xf32> -> vector<2000x128xf32>
    %swap3A = arith.constant 0 : index
    %swap3A_6 = arith.constant 0 : index
    %swap3A_7 = vector.load %arg3[%swap3A, %swap3A_6] : memref<2000x128xf32, #tpu.memory_space<vmem>>, vector<2000x128xf32>
    tpu.vector_store %arg3[%swap3A, %swap3A_6], %dot_general3A_5 {strides = array<i32>} : memref<2000x128xf32, #tpu.memory_space<vmem>>, vector<2000x128xf32>,
    return
  }
  func.func @transform_0(%arg0: i32) -> (i32, i32) {
    %c0_i32 = arith.constant 0 : i32
    %c0_i32_0 = arith.constant 0 : i32
    return %arg0, %c0_i32 : i32, i32
  }
  func.func @transform_1(%arg0: i32) -> (i32, i32) {
    %c0_i32 = arith.constant 0 : i32
    %c0_i32_0 = arith.constant 0 : i32
    %c0_i32_1 = arith.constant 0 : i32
    return %c0_i32, %c0_i32_0 : i32, i32
  }
  func.func @transform_2(%arg0: i32) -> (i32, i32) {
    %c0_i32 = arith.constant 0 : i32
    %c0_i32_0 = arith.constant 0 : i32
    return %arg0, %c0_i32 : i32, i32
  }
}

module attributes {stable_mosaic.version = 14 : i64} {
  func.func @_final_body(%arg0: i32, %arg1: memref<2x2000x128xf32, #tpu.memory_space<vmem>>, %arg2: memref<2000x128xf32, #tpu.memory_space<vmem>>, %arg3: memref<2000x1xf32, #tpu.memory_space<vmem>>, %arg4: memref<1x128xf32, #tpu.memory_space<vmem>>, %arg5: memref<2000x128xf32, #tpu.memory_space<vmem>>) attributes {dimension_semantics = [#tpu.dimension_semantics<arbitrary>], iteration_bounds = array<i64: 5>, scalar_prefetch = 0 : i64, scratch_operands = 0 : i64, tpu.core_type = #tpu.core_type<tc>, window_params = [{transform_indices = @transform_0, window_bounds = array<i64: 2, 2000, 128>}, {transform_indices = @transform_1, window_bounds = array<i64: 2000, 128>}, {transform_indices = @transform_2, window_bounds = array<i64: 2000, 1>}, {pipeline_mode = #tpu.pipeline_mode<synchronous>, transform_indices = @transform_3, window_bounds = array<i64: 1, 128>}, {transform_indices = @transform_4, window_bounds = array<i64: 2000, 128>}]} {
    %get3A = arith.constant 0 : index
    %get3A_0 = arith.constant 0 : index
    %get3A_1 = arith.constant 0 : index
    %get3A_2 = vector.load %arg1[%get3A, %get3A_0, %get3A_1] : memref<2x2000x128xf32, #tpu.memory_space<vmem>>, vector<1x2000x128xf32>
    %get3A_3 = vector.shape_cast %get3A_2 : vector<1x2000x128xf32> to vector<2000x128xf32>
    %get3A_4 = arith.constant 1 : index
    %get3A_5 = arith.constant 0 : index
    %get3A_6 = arith.constant 0 : index
    %get3A_7 = vector.load %arg1[%get3A_4, %get3A_5, %get3A_6] : memref<2x2000x128xf32, #tpu.memory_space<vmem>>, vector<1x2000x128xf32>
    %get3A_8 = vector.shape_cast %get3A_7 : vector<1x2000x128xf32> to vector<2000x128xf32>
    %add3A = arith.addf %get3A_3, %get3A_8 : vector<2000x128xf32>
    %get3A_9 = arith.constant 0 : index
    %get3A_10 = arith.constant 0 : index
    %get3A_11 = vector.load %arg2[%get3A_9, %get3A_10] : memref<2000x128xf32, #tpu.memory_space<vmem>>, vector<2000x128xf32>
    %add3A_12 = arith.addf %add3A, %get3A_11 : vector<2000x128xf32>
    %get3A_13 = arith.constant 0 : index
    %get3A_14 = arith.constant 0 : index
    %get3A_15 = vector.load %arg3[%get3A_13, %get3A_14] : memref<2000x1xf32, #tpu.memory_space<vmem>>, vector<2000x1xf32>
    %mul3A = vector.broadcast %get3A_15 : vector<2000x1xf32> to vector<2000x128xf32>
    %mul3A_16 = arith.mulf %add3A_12, %mul3A : vector<2000x128xf32>
    %get3A_17 = arith.constant 0 : index
    %get3A_18 = arith.constant 0 : index
    %get3A_19 = vector.load %arg4[%get3A_17, %get3A_18] : memref<1x128xf32, #tpu.memory_space<vmem>>, vector<1x128xf32>
    %add3A_20 = vector.broadcast %get3A_19 : vector<1x128xf32> to vector<2000x128xf32>
    %add3A_21 = arith.addf %mul3A_16, %add3A_20 : vector<2000x128xf32>
    %swap3A = arith.constant 0 : index
    %swap3A_22 = arith.constant 0 : index
    %swap3A_23 = vector.load %arg5[%swap3A, %swap3A_22] : memref<2000x128xf32, #tpu.memory_space<vmem>>, vector<2000x128xf32>
    tpu.vector_store %arg5[%swap3A, %swap3A_22], %add3A_21 {strides = array<i32>} : memref<2000x128xf32, #tpu.memory_space<vmem>>, vector<2000x128xf32>,
    return
  }
  func.func @transform_0(%arg0: i32) -> (i32, i32, i32) {
    %c0_i32 = arith.constant 0 : i32
    %c0_i32_0 = arith.constant 0 : i32
    %c0_i32_1 = arith.constant 0 : i32
    return %c0_i32, %arg0, %c0_i32_0 : i32, i32, i32
  }
  func.func @transform_1(%arg0: i32) -> (i32, i32) {
    %c0_i32 = arith.constant 0 : i32
    %c0_i32_0 = arith.constant 0 : i32
    return %arg0, %c0_i32 : i32, i32
  }
  func.func @transform_2(%arg0: i32) -> (i32, i32) {
    %c0_i32 = arith.constant 0 : i32
    %c0_i32_0 = arith.constant 0 : i32
    return %arg0, %c0_i32 : i32, i32
  }
  func.func @transform_3(%arg0: i32) -> (i32, i32) {
    %c0_i32 = arith.constant 0 : i32
    %c0_i32_0 = arith.constant 0 : i32
    %c0_i32_1 = arith.constant 0 : i32
    return %c0_i32, %c0_i32_0 : i32, i32
  }
  func.func @transform_4(%arg0: i32) -> (i32, i32) {
    %c0_i32 = arith.constant 0 : i32
    %c0_i32_0 = arith.constant 0 : i32
    return %arg0, %c0_i32 : i32, i32
  }
}

</mosaic_0001>

<sc_bundles>
// kernel: kernel.10.cloned.1.call-start
scs
__scs_entry_jumppad:
0x0: {  	(pc) =	sbr.rel $0x88, $3  }
0x1: {  	(tag) =	ssettag $0x0;
	lr =	simm.s32 $0x1  }
0x2: {  	[smem:$0x3F9D] =	sst lr;
	_ =	strace $0xD0000000  }
0x3: {  	_ = 	snop  }
0x4: {  	_ = 	snop  }
0x5: {  	_ = 	snop  }
0x6: {  	_ = 	snop  }
0x7: {  	_ = 	snop  }
__scs_overlays_trampoline_lowered:
0x8: {  	[smem:$0x3FAC] =	sst s0  }
0x9: {  	[smem:$0x3FAD] =	sst s1  }
0xa: {  	[smem:$0x3FAE] =	sst s2  }
0xb: {  	[smem:$0x3FAF] =	sst s3  }
0xc: {  	[smem:$0x3FB0] =	sst s4  }
0xd: {  	[smem:$0x3FB1] =	sst s5  }
0xe: {  	[smem:$0x3FB2] =	sst s6  }
0xf: {  	[smem:$0x3FB3] =	sst s7  }
0x10: {  	[smem:$0x3FB4] =	sst s8  }
0x11: {  	[smem:$0x3FB5] =	sst s9;
	s0 =	simm.s32 @!p0 $0x0  }
0x12: {  	s1 =	sld [smem:$0x3F9B];
	s0 =	simm.s32 @p0 $0x1  }
0x13: {  	[smem:$0x3FB6] =	sst s0;
	s0 =	simm.s32 @!p1 $0x0  }
0x14: {  	s2 =	sld [smem:$0x3F9A];
	s0 =	simm.s32 @p1 $0x1  }
0x15: {  	[smem:$0x3FB7] =	sst s0;
	s0 =	simm.s32 @!p2 $0x0  }
0x16: {  	s3 =	sld [smem:$0x3FDB];
	s0 =	simm.s32 @p2 $0x1  }
0x17: {  	s4 =	simm.s32 $0x1BF5;
	[smem:$0x3FB9] =	sst s0  }
0x18: {  	s0 =	sld [smem:$0x3F9C];
	_ =	swait.ge [sflag:s4], $0x0  }
0x19: {  	s7 =	sld [smem:$0x3F9D]  }
0x1a: {  	s8 =	sadd.s32 $0xFFFFE003, lr  }
0x1b: {  	s9 =	sadd.s32 $0xFFFFFEF7, lr;
	s5 =	simm.s32 $0xFFFFFFFF;
	p2 =	slt.u32 s8, $0xFFFFF086  }
0x1c: {  	p1 =	slt.u32 s9, $0xF7A;
	s5 =	simm.s32 @!p2 $0x0  }
0x1d: {  	s5 =	simm.s32 @p1 $0x1;
	p0 =	seq.s32 s7, s2  }
0x1e: {  	s7 =	smul.u32 @!p0 $0xF7A, s2;
	p2 =	seq.s32 @!p0 s5, $0x0  }
0x1f: {  	s9 =	smul.u32 $0xF7A, s1;
	s8 =	simm.s32 @!p0 $0x1BF5;
	p2 =	por !p2, p0  }
0x20: {  	[sflag:s8] =	ssyncset.s32 @!p0 $0xFFFFF086;
	s6 =	sadd.s32 @!p0 s3, s7;
	s7 =	simm.s32 @!p0 $0x108  }
0x21: {  	s3 =	sadd.s32 s3, s9;
	s6 =	sadd.s32 @!p0 $0x88, s6;
	s7 =	simm.s32 @p2 $0x1082  }
0x22: {  	[simem:s7], [sflag:s8] =	dma.local @!p0 [hbm:s6], $0xF7A  }
0x23: {  	s9 =	sor.u32 $0xD0000000, s2;
	s6 =	simm.s32 $0x108;
	_ =	swait.ge @!p0 [sflag:s8], $0x0  }
0x24: {  	s3 =	sadd.s32 $0x88, s3;
	s6 =	simm.s32 @!p1 $0x1082;
	[sflag:s4] =	ssyncset.s32 $0xFFFFF086  }
0x25: {  	[simem:s6], [sflag:s4] =	dma.local [hbm:s3], $0xF7A  }
0x26: {  	[smem:$0x3F9D] =	sst s1;
	(tag) =	ssettag s2;
	_ =	strace s9  }
0x27: {  	s1 =	sld [smem:$0x3FAD]  }
0x28: {  	s2 =	sld [smem:$0x3FAE]  }
0x29: {  	s4 =	sld [smem:$0x3FB0]  }
0x2a: {  	p0 =	seq.s32 s5, $0x0;
	s5 =	sld [smem:$0x3FB1]  }
0x2b: {  	s6 =	sld [smem:$0x3FB2]  }
0x2c: {  	s7 =	sld [smem:$0x3FB3]  }
0x2d: {  	s3 =	simm.s32 $0x108;
	s8 =	sld [smem:$0x3FB4]  }
0x2e: {  	s3 =	simm.s32 @!p0 $0x1082;
	s9 =	sld [smem:$0x3FB5]  }
0x2f: {  	lr =	sadd.s32 s0, s3;
	s0 =	sld [smem:$0x3FAC]  }
0x30: {  	s3 =	sld [smem:$0x3FAF]  }
0x31: {  	[smem:$0x3FB8] =	sst s10  }
0x32: {  	s10 =	sld [smem:$0x3FB6];
	_ =	sdelay $0x3  }
0x33: {  	p0 =	seq.s32 s10, $0x1;
	s10 =	sld [smem:$0x3FB8];
	_ =	sdelay $0x3  }
0x34: {  	[smem:$0x3FB8] =	sst s10  }
0x35: {  	s10 =	sld [smem:$0x3FB7];
	_ =	sdelay $0x3  }
0x36: {  	p1 =	seq.s32 s10, $0x1;
	s10 =	sld [smem:$0x3FB8];
	_ =	sdelay $0x3  }
0x37: {  	[smem:$0x3FB8] =	sst s10  }
0x38: {  	s10 =	sld [smem:$0x3FB9]  }
0x39: {  	_ = 	snop;
	(pc) =	sbr.ind lr, $3  }
0x3a: {  	_ = 	snop  }
0x3b: {  	_ = 	snop  }
0x3c: {  	p2 =	seq.s32 s10, $0x1;
	s10 =	sld [smem:$0x3FB8]  }
0x3d: {  	_ =	shalt  }
0x3e: {  	_ =	shalt  }
0x3f: {  	_ =	shalt  }
0x40: {  	_ =	shalt  }
0x41: {  	_ =	shalt  }
0x42: {  	_ =	shalt  }
0x43: {  	_ =	shalt  }
0x44: {  	_ =	shalt  }
0x45: {  	_ =	shalt  }
0x46: {  	_ =	shalt  }
0x47: {  	_ =	shalt  }
0x48: {  	_ =	shalt  }
0x49: {  	_ =	shalt  }
0x4a: {  	_ =	shalt  }
0x4b: {  	_ =	shalt  }
0x4c: {  	_ =	shalt  }
0x4d: {  	_ =	shalt  }
0x4e: {  	_ =	shalt  }
0x4f: {  	_ =	shalt  }
0x50: {  	_ =	shalt  }
0x51: {  	_ =	shalt  }
0x52: {  	_ =	shalt  }
0x53: {  	_ =	shalt  }
0x54: {  	_ =	shalt  }
0x55: {  	_ =	shalt  }
0x56: {  	_ =	shalt  }
0x57: {  	_ =	shalt  }
0x58: {  	_ =	shalt  }
0x59: {  	_ =	shalt  }
0x5a: {  	_ =	shalt  }
0x5b: {  	_ =	shalt  }
0x5c: {  	_ =	shalt  }
0x5d: {  	_ =	shalt  }
0x5e: {  	_ =	shalt  }
0x5f: {  	_ =	shalt  }
0x60: {  	_ =	shalt  }
0x61: {  	_ =	shalt  }
0x62: {  	_ =	shalt  }
0x63: {  	_ =	shalt  }
0x64: {  	_ =	shalt  }
0x65: {  	_ =	shalt  }
0x66: {  	_ =	shalt  }
0x67: {  	_ =	shalt  }
0x68: {  	_ =	shalt  }
0x69: {  	_ =	shalt  }
0x6a: {  	_ =	shalt  }
0x6b: {  	_ =	shalt  }
0x6c: {  	_ =	shalt  }
0x6d: {  	_ =	shalt  }
0x6e: {  	_ =	shalt  }
0x6f: {  	_ =	shalt  }
0x70: {  	_ =	shalt  }
0x71: {  	_ =	shalt  }
0x72: {  	_ =	shalt  }
0x73: {  	_ =	shalt  }
0x74: {  	_ =	shalt  }
0x75: {  	_ =	shalt  }
0x76: {  	_ =	shalt  }
0x77: {  	_ =	shalt  }
0x78: {  	_ =	shalt  }
0x79: {  	_ =	shalt  }
0x7a: {  	_ =	shalt  }
0x7b: {  	_ =	shalt  }
0x7c: {  	_ =	shalt  }
0x7d: {  	_ =	shalt  }
0x7e: {  	_ =	shalt  }
0x7f: {  	_ =	shalt  }
0x80: {  	_ =	shalt  }
0x81: {  	_ =	shalt  }
0x82: {  	_ =	shalt  }
0x83: {  	_ =	shalt  }
0x84: {  	_ =	shalt  }
0x85: {  	_ =	shalt  }
0x86: {  	_ =	shalt  }
0x87: {  	_ =	shalt  }
.Lfunc_end0:
.L_simem_size_0:
called_computation.1_lowered:
.L_overlay_start_0:
0x88: {  	s2 =	sld [smem:$0x3FD9]  }
0x89: {  	s3 =	sld [smem:$0x3FFE];
	_ =	sdelay $0x1  }
0x8a: {  	s1 =	srdreg.scid  }
0x8b: {  	s0 =	sand.u32 $0x1, s1  }
0x8c: {  	s17 =	sshll.u32 s0, $0xA;
	s2 =	sadd.s32 s3, s2  }
0x8d: {  	s2 =	sadd.s32 s2, s17  }
0x8e: {  	[smem:$0x3FC4] =	sst s2  }
0x8f: {  	_ = 	snop  }
0x90: {  	s2 =	sld [smem:$0x3FD0];
	(tm) =	ssettm $0x1  }
0x91: {  	s18 =	sld [smem:$0x3FFB];
	_ =	sdelay $0x3  }
0x92: {  	_ =	strace s18  }
0x93: {  	s3 =	sld [smem:$0x3FFC];
	_ =	sdelay $0x3  }
0x94: {  	_ =	strace s3  }
0x95: {  	s3 =	sld [smem:$0x3FFD];
	_ =	sdelay $0x3  }
0x96: {  	_ =	strace s3  }
0x97: {  	_ =	strace $0x8FFFFFFF  }
0x98: {  	s19 =	sld [smem:$0x3FDB];
	_ =	sdelay $0x1  }
0x99: {  	s4 =	simm.s32 $_scs_section_size  }
0x9a: {  	s5 =	simm.s32 $_size__tile_overlayer_lowered;
	s6 =	simm.s32 $_tile_overlayer_lowered  }
0x9b: {  	s22 =	simm.s32 $0x1BFF;
	s21 =	sshll.u32 s6, $0x1;
	s3 =	sadd.s32 s4, s19  }
0x9c: {  	s7 =	simm.s32 $0x0;
	s20 =	sshll.u32 s5, $0x1;
	s5 =	sadd.s32 s21, s3  }
0x9d: {  	[timem:s7], [sflag:s22] =	dma.local [hbm:s5], s20  }
0x9e: {  	_ =	swait.ge [sflag:s22], s20  }
0x9f: {  	s4 =	ssub.s32 $0x0, s20;
	[sflag:s22] =	ssyncset.done $0x0  }
0xa0: {  	[sflag:s22] =	ssyncadd.s32 s4;
	_ =	sdelay $0x1  }
0xa1: {  	s23 =	simm.s32 $0x1B8B  }
0xa2: {  	_ =	swait.ge [sflag:s23], $0x1  }
0xa3: {  	[sflag:s23] =	ssyncset.done $0x0  }
0xa4: {  	s25 =	simm.s32 $0x1B8E;
	s24 =	sld [smem:$0x3FFE];
	[sflag:s23] =	ssyncadd.s32 $0xFFFFFFFF  }
0xa5: {  	s26 =	simm.s32 $execute0_lowered;
	[smem:$0x3FD2] =	sst s25  }
0xa6: {  	s5 =	sshll.u32 s26, $0x1;
	_ =	strace $0x80000049;
	[dreg:$0x1] =	wrdreg $0xFFFFFFFF  }
0xa7: {  	s28 =	simm.s32 $_size_execute0_lowered;
	s3 =	sadd.s32 s3, s5;
	[dreg:$0x0] =	wrdreg $0x0  }
0xa8: {  	s5 =	sshll.u32 s28, $0x1;
	[dreg:$0x2] =	wrdreg s3  }
0xa9: {  	[dreg:$0x3] =	wrdreg s5  }
0xaa: {  	[dreg:$0x4] =	wrdreg $0xC0  }
0xab: {  	_ =	task [dreg:s7], $0x5FFFF  }
0xac: {  	[dreg:$0x1] =	wrdreg $0xFFFFFFFF  }
0xad: {  	[dreg:$0x0] =	wrdreg $0x60  }
0xae: {  	[dreg:$0x2] =	wrdreg s2  }
0xaf: {  	[dreg:$0x3] =	wrdreg s24  }
0xb0: {  	[dreg:$0x4] =	wrdreg $0xBC000  }
0xb1: {  	[dreg:$0x5] =	wrdreg $0x9  }
0xb2: {  	_ =	task.clear_ibuf [dreg:s7], $0x6FFFF;
	_ =	strace $0x90000049  }
0xb3: {  	s29 =	simm.s32 $0x9;
	_ =	strace $0x8000004B  }
0xb4: {  	_ =	swait.ge [sflag:s29], $0x1  }
0xb5: {  	[sflag:s29] =	ssyncadd.s32 $0xFFFFFFFF  }
0xb6: {  	_ =	strace $0x9000004B  }
0xb7: {  	_ =	sfence  }
0xb8: {  	s30 =	sld [smem:$0x0];
	_ =	sdelay $0x2  }
0xb9: {  	s31 =	sshll.u32 s1, $0xD;
	s1 =	sshrl.u32 s1, $0x2  }
0xba: {  	s3 =	sand.u32 $0x4000, s31;
	s1 =	sadd.s32 s1, s30  }
0xbb: {  	s0 =	sor.u32 s3, s0;
	s1 =	sshll.u32 s1, $0x11  }
0xbc: {  	s0 =	sor.u32 s1, s0  }
0xbd: {  	s0 =	sadd.s32 $0x8F2B, s0  }
0xbe: {  	[sflag:s0] =	ssyncadd.remote.s32 $0x1  }
0xbf: {  	_ =	sfence.sel $0xFFFF  }
0xc0: {  	[dreg:$0x0] =	wrdreg $0xFFFFFFFF;
	(pc) =	sbr.abs _section_cstart, $3  }
0xc1: {  	[dreg:$0x1] =	wrdreg $0xFFFFFFFF  }
0xc2: {  	_ =	task.clear_ibuf [dreg:s7], $0x2FFFF;
	_ =	strace $0x9FFFFFFF  }
0xc3: {  	(tm) =	ssettm $0x7FFFFFFF  }
tec
execute0_lowered:
.L_overlay_start_1:
0x0: {  	(tag) =	ssettag $0x1  }
0x1: {  	s2 =	rddreg [dreg:$0x0]  }
0x2: {  	s6 =	rddreg [dreg:$0x1]  }
0x3: {  	s0 =	srdreg.scid;
	s3 =	rddreg [dreg:$0x2]  }
0x4: {  	s4 =	simm.s32 $0x0;
	s15 =	simm.s32 $0x3;
	s16 =	simm.s32 $0x3C00  }
0x5: {  	s17 =	simm.s32 $0x2800;
	s18 =	simm.s32 $0x7D;
	s19 =	simm.s32 $0x7C00  }
0x6: {  	s20 =	simm.s32 $0x1;
	s21 =	simm.s32 $0x2;
	s5 =	sand.u32 $0x1, s0  }
0x7: {  	s22 =	simm.s32 $0x0;
	s0 =	stileid.u32;
	s8 =	smul.u32 $0x140000, s5  }
0x8: {  	[smem:$0x7FF] =	sst s4;
	s1 =	sshll.u32 s5, $0x4;
	s9 =	smul.u32 $0x14000, s0  }
0x9: {  	s10 =	smul.u32 $0x50000, s0;
	s29 =	ssub.s32 $0x2, s5;
	s1 =	sor.u32 s0, s1  }
0xa: {  	s31 =	sshrl.u32 s29, $0x1;
	s7 =	smul.u32 $0x2800, s1;
	s1 =	rddreg [dreg:$0x3]  }
0xb: {  	_ =	strace $0x8000004A;
	s30 =	sshrl.u32 s10, $0x2;
	s14 =	ssub.s32 s29, s31  }
0xc: {  	s28 =	sadd.s32 s9, s8;
	s5 =	sadd.s32 s30, s3;
	s14 =	smax.u32 s14, $0x1  }
0xd: {  	s7 =	sshrl.u32 s7, $0x3;
	s8 =	sadd.s32 $0x8000, s5;
	s9 =	sadd.s32 $0xC000, s5  }
0xe: {  	s10 =	sadd.s32 $0x10000, s5;
	s12 =	sadd.s32 s7, s6;
	s7 =	sshrl.u32 s28, $0x3  }
0xf: {  	s13 =	sadd.s32 s7, s6;
	s6 =	sadd.s32 $0x1E00, s12;
	s7 =	sadd.s32 $0x4000, s5  }
0x10: {  	v0 =	vimm.f32 $0.0e+00;
	s11 =	sadd.s32 $0xBE00, s12;
	s12 =	sadd.s32 $0xC080, s12;
	s13 =	sadd.s32 $0x15E00, s13  }
.LBB2_1:
0x11: {  	[tilespmem:s4], [sflag:$0x3] =	stream.linear.gather [hbm4b:s6+s4], $0x2800, $0x38;
	[tilespmem:$0x1FC00] =	vst v63  }
0x12: {  	_ =	swait.ge [sflag:s15], $0x2800  }
0x13: {  	[sflag:s15] =	ssyncset.done $0x0  }
0x14: {  	s23 =	simm.s32 $0x0;
	s24 =	simm.s32 $0x200;
	[sflag:s15] =	ssyncadd.s32 $0xFFFFD800  }
.LBB2_2:
0x15: {  	p0 =	sne.s32 s24, $0xFE00;
	[tilespmem:s23+$0x3C70] =	vst v0  }
0x16: {  	[tilespmem:s23+$0x3C00] =	vst v0  }
0x17: {  	[tilespmem:s23+$0x3C10] =	vst v0  }
.Ltmp0:
0x18: {  	[tilespmem:s23+$0x3C20] =	vst v0;
	(pc) =	sbr.rel @p0 .LBB2_2-.Ltmp0, $4  }
0x19: {  	[tilespmem:s23+$0x3C30] =	vst v0  }
0x1a: {  	[tilespmem:s23+$0x3C40] =	vst v0  }
0x1b: {  	[tilespmem:s23+$0x3C50] =	vst v0  }
0x1c: {  	[tilespmem:s23+$0x3C60] =	vst v0;
	s23 =	sshra.s32 s24, $0x2;
	s24 =	sadd.s32 $0x200, s24  }
0x1d: {  	[tilespmem:s23+$0x3C70] =	vst v0  }
0x1e: {  	[tilespmem:s23+$0x3C00] =	vst v0  }
0x1f: {  	[tilespmem:s23+$0x3C10] =	vst v0  }
0x20: {  	[tilespmem:s23+$0x3C20] =	vst v0  }
0x21: {  	[tilespmem:s23+$0x3C30] =	vst v0  }
0x22: {  	[tilespmem:s23+$0x3C40] =	vst v0  }
0x23: {  	[tilespmem:s23+$0x3C50] =	vst v0  }
0x24: {  	[tilespmem:s23+$0x3C60] =	vst v0  }
0x25: {  	[spmem:s5] =	stream.linear.scatter [tilespmem:s16], [sflag:$0x3], $0x4000, $0x38;
	[tilespmem:$0x1FC00] =	vst v63  }
0x26: {  	_ =	swait.ge [sflag:s15], $0x4000  }
0x27: {  	[sflag:s15] =	ssyncset.done $0x0  }
0x28: {  	[sflag:s15] =	ssyncadd.s32 $0xFFFFC000  }
0x29: {  	[spmem:s7] =	stream.linear.scatter [tilespmem:s16], [sflag:$0x3], $0x4000, $0x38;
	[tilespmem:$0x1FC00] =	vst v63  }
0x2a: {  	_ =	swait.ge [sflag:s15], $0x4000  }
0x2b: {  	[sflag:s15] =	ssyncset.done $0x0  }
0x2c: {  	[sflag:s15] =	ssyncadd.s32 $0xFFFFC000  }
0x2d: {  	[spmem:s8] =	stream.linear.scatter [tilespmem:s16], [sflag:$0x3], $0x4000, $0x38;
	[tilespmem:$0x1FC00] =	vst v63  }
0x2e: {  	_ =	swait.ge [sflag:s15], $0x4000  }
0x2f: {  	[sflag:s15] =	ssyncset.done $0x0  }
0x30: {  	[sflag:s15] =	ssyncadd.s32 $0xFFFFC000  }
0x31: {  	[spmem:s9] =	stream.linear.scatter [tilespmem:s16], [sflag:$0x3], $0x4000, $0x38;
	[tilespmem:$0x1FC00] =	vst v63  }
0x32: {  	_ =	swait.ge [sflag:s15], $0x4000  }
0x33: {  	[sflag:s15] =	ssyncset.done $0x0  }
0x34: {  	[sflag:s15] =	ssyncadd.s32 $0xFFFFC000  }
0x35: {  	[spmem:s10] =	stream.linear.scatter [tilespmem:s16], [sflag:$0x3], $0x4000, $0x38;
	[tilespmem:$0x1FC00] =	vst v63  }
0x36: {  	_ =	swait.ge [sflag:s15], $0x4000  }
0x37: {  	[sflag:s15] =	ssyncset.done $0x0  }
0x38: {  	[sflag:s15] =	ssyncadd.s32 $0xFFFFC000  }
0x39: {  	s24 =	simm.s32 $0x0;
	[bflag:$0x0] =	sbarrier.arrive $0xFFFF  }
0x3a: {  	[tilespmem:s17], [sflag:$0x3] =	stream.linear.gather [hbm4b:s11+s24], $0x1400, $0x38;
	[tilespmem:$0x1FC00] =	vst v63  }
0x3b: {  	_ =	swait.ge [sflag:s15], $0x1400  }
0x3c: {  	[sflag:s15] =	ssyncset.done $0x0  }
0x3d: {  	s25 =	simm.s32 $0x0;
	[sflag:s15] =	ssyncadd.s32 $0xFFFFEC00  }
0x3e: {  	[tilespmem:s16], [sflag:$0x1] =	stream.indirect.gather [hbm4b:s2+s18], $0x80, s25, s18, $0xb8;
	[tilespmem:$0x1FC00] =	vst v63  }
0x3f: {  	s26 =	simm.s32 $0x80  }
0x40: {  	[tilespmem:s19], [sflag:$0x2] =	stream.indirect.gather [hbm4b:s2+s18], $0x80, s26, s18, $0xb8;
	[tilespmem:$0x1FC00] =	vst v63  }
0x41: {  	_ =	swait.ge [sflag:s20], $0x3E80  }
0x42: {  	[sflag:s20] =	ssyncset.done $0x0  }
0x43: {  	s28 =	simm.s32 $0x2800;
	[sflag:s20] =	ssyncadd.s32 $0xFFFFC180  }
0x44: {  	[spmem:s3] =	stream.indirect.scatter.add.f32 [tilespmem:s16], [sflag:$0x3], $0x80, s28, s18, $0xb8;
	[tilespmem:$0x1FC00] =	vst v63  }
0x45: {  	_ =	swait.ge [sflag:s15], $0x3E80  }
0x46: {  	[sflag:s15] =	ssyncset.done $0x0  }
0x47: {  	s29 =	simm.s32 $0x100;
	[sflag:s15] =	ssyncadd.s32 $0xFFFFC180  }
0x48: {  	[tilespmem:s16], [sflag:$0x1] =	stream.indirect.gather [hbm4b:s2+s18], $0x80, s29, s18, $0xb8;
	[tilespmem:$0x1FC00] =	vst v63  }
0x49: {  	_ =	swait.ge [sflag:s21], $0x3E80  }
0x4a: {  	[sflag:s21] =	ssyncset.done $0x0  }
0x4b: {  	s30 =	simm.s32 $0x2880;
	[sflag:s21] =	ssyncadd.s32 $0xFFFFC180  }
0x4c: {  	[spmem:s3] =	stream.indirect.scatter.add.f32 [tilespmem:s19], [sflag:$0x3], $0x80, s30, s18, $0xb8;
	[tilespmem:$0x1FC00] =	vst v63  }
0x4d: {  	_ =	swait.ge [sflag:s15], $0x3E80  }
0x4e: {  	[sflag:s15] =	ssyncset.done $0x0  }
0x4f: {  	s31 =	simm.s32 $0x180;
	[sflag:s15] =	ssyncadd.s32 $0xFFFFC180  }
0x50: {  	[tilespmem:s19], [sflag:$0x2] =	stream.indirect.gather [hbm4b:s2+s18], $0x80, s31, s18, $0xb8;
	[tilespmem:$0x1FC00] =	vst v63  }
0x51: {  	_ =	swait.ge [sflag:s20], $0x3E80  }
0x52: {  	[sflag:s20] =	ssyncset.done $0x0  }
0x53: {  	s24 =	simm.s32 $0x2900;
	[sflag:s20] =	ssyncadd.s32 $0xFFFFC180  }
0x54: {  	[spmem:s3] =	stream.indirect.scatter.add.f32 [tilespmem:s16], [sflag:$0x3], $0x80, s24, s18, $0xb8;
	[tilespmem:$0x1FC00] =	vst v63  }
0x55: {  	_ =	swait.ge [sflag:s15], $0x3E80  }
0x56: {  	[sflag:s15] =	ssyncset.done $0x0  }
0x57: {  	s25 =	simm.s32 $0x200;
	[sflag:s15] =	ssyncadd.s32 $0xFFFFC180  }
0x58: {  	[tilespmem:s16], [sflag:$0x1] =	stream.indirect.gather [hbm4b:s2+s18], $0x80, s25, s18, $0xb8;
	[tilespmem:$0x1FC00] =	vst v63  }
0x59: {  	_ =	swait.ge [sflag:s21], $0x3E80  }
0x5a: {  	[sflag:s21] =	ssyncset.done $0x0  }
0x5b: {  	s26 =	simm.s32 $0x2980;
	[sflag:s21] =	ssyncadd.s32 $0xFFFFC180  }
0x5c: {  	[spmem:s3] =	stream.indirect.scatter.add.f32 [tilespmem:s19], [sflag:$0x3], $0x80, s26, s18, $0xb8;
	[tilespmem:$0x1FC00] =	vst v63  }
0x5d: {  	_ =	swait.ge [sflag:s15], $0x3E80  }
0x5e: {  	[sflag:s15] =	ssyncset.done $0x0  }
0x5f: {  	s28 =	simm.s32 $0x280;
	[sflag:s15] =	ssyncadd.s32 $0xFFFFC180  }
0x60: {  	[tilespmem:s19], [sflag:$0x2] =	stream.indirect.gather [hbm4b:s2+s18], $0x80, s28, s18, $0xb8;
	[tilespmem:$0x1FC00] =	vst v63  }
0x61: {  	_ =	swait.ge [sflag:s20], $0x3E80  }
0x62: {  	[sflag:s20] =	ssyncset.done $0x0  }
0x63: {  	s29 =	simm.s32 $0x2A00;
	[sflag:s20] =	ssyncadd.s32 $0xFFFFC180  }
0x64: {  	[spmem:s3] =	stream.indirect.scatter.add.f32 [tilespmem:s16], [sflag:$0x3], $0x80, s29, s18, $0xb8;
	[tilespmem:$0x1FC00] =	vst v63  }
0x65: {  	_ =	swait.ge [sflag:s15], $0x3E80  }
0x66: {  	[sflag:s15] =	ssyncset.done $0x0  }
0x67: {  	s30 =	simm.s32 $0x300;
	[sflag:s15] =	ssyncadd.s32 $0xFFFFC180  }
0x68: {  	[tilespmem:s16], [sflag:$0x1] =	stream.indirect.gather [hbm4b:s2+s18], $0x80, s30, s18, $0xb8;
	[tilespmem:$0x1FC00] =	vst v63  }
0x69: {  	_ =	swait.ge [sflag:s21], $0x3E80  }
0x6a: {  	[sflag:s21] =	ssyncset.done $0x0  }
0x6b: {  	s31 =	simm.s32 $0x2A80;
	[sflag:s21] =	ssyncadd.s32 $0xFFFFC180  }
0x6c: {  	[spmem:s3] =	stream.indirect.scatter.add.f32 [tilespmem:s19], [sflag:$0x3], $0x80, s31, s18, $0xb8;
	[tilespmem:$0x1FC00] =	vst v63  }
0x6d: {  	_ =	swait.ge [sflag:s15], $0x3E80  }
0x6e: {  	[sflag:s15] =	ssyncset.done $0x0  }
0x6f: {  	s24 =	simm.s32 $0x380;
	[sflag:s15] =	ssyncadd.s32 $0xFFFFC180  }
0x70: {  	[tilespmem:s19], [sflag:$0x2] =	stream.indirect.gather [hbm4b:s2+s18], $0x80, s24, s18, $0xb8;
	[tilespmem:$0x1FC00] =	vst v63  }
0x71: {  	_ =	swait.ge [sflag:s20], $0x3E80  }
0x72: {  	[sflag:s20] =	ssyncset.done $0x0  }
0x73: {  	s25 =	simm.s32 $0x2B00;
	[sflag:s20] =	ssyncadd.s32 $0xFFFFC180  }
0x74: {  	[spmem:s3] =	stream.indirect.scatter.add.f32 [tilespmem:s16], [sflag:$0x3], $0x80, s25, s18, $0xb8;
	[tilespmem:$0x1FC00] =	vst v63  }
0x75: {  	_ =	swait.ge [sflag:s15], $0x3E80  }
0x76: {  	[sflag:s15] =	ssyncset.done $0x0  }
0x77: {  	s26 =	simm.s32 $0x400;
	[sflag:s15] =	ssyncadd.s32 $0xFFFFC180  }
0x78: {  	[tilespmem:s16], [sflag:$0x1] =	stream.indirect.gather [hbm4b:s2+s18], $0x80, s26, s18, $0xb8;
	[tilespmem:$0x1FC00] =	vst v63  }
0x79: {  	_ =	swait.ge [sflag:s21], $0x3E80  }
0x7a: {  	[sflag:s21] =	ssyncset.done $0x0  }
0x7b: {  	s28 =	simm.s32 $0x2B80;
	[sflag:s21] =	ssyncadd.s32 $0xFFFFC180  }
0x7c: {  	[spmem:s3] =	stream.indirect.scatter.add.f32 [tilespmem:s19], [sflag:$0x3], $0x80, s28, s18, $0xb8;
	[tilespmem:$0x1FC00] =	vst v63  }
0x7d: {  	_ =	swait.ge [sflag:s15], $0x3E80  }
0x7e: {  	[sflag:s15] =	ssyncset.done $0x0  }
0x7f: {  	s29 =	simm.s32 $0x480;
	[sflag:s15] =	ssyncadd.s32 $0xFFFFC180  }
0x80: {  	[tilespmem:s19], [sflag:$0x2] =	stream.indirect.gather [hbm4b:s2+s18], $0x80, s29, s18, $0xb8;
	[tilespmem:$0x1FC00] =	vst v63  }
0x81: {  	_ =	swait.ge [sflag:s20], $0x3E80  }
0x82: {  	[sflag:s20] =	ssyncset.done $0x0  }
0x83: {  	s30 =	simm.s32 $0x2C00;
	[sflag:s20] =	ssyncadd.s32 $0xFFFFC180  }
0x84: {  	[spmem:s3] =	stream.indirect.scatter.add.f32 [tilespmem:s16], [sflag:$0x3], $0x80, s30, s18, $0xb8;
	[tilespmem:$0x1FC00] =	vst v63  }
0x85: {  	_ =	swait.ge [sflag:s15], $0x3E80  }
0x86: {  	[sflag:s15] =	ssyncset.done $0x0  }
0x87: {  	[sflag:s15] =	ssyncadd.s32 $0xFFFFC180  }
0x88: {  	_ =	swait.ge [sflag:s21], $0x3E80  }
0x89: {  	[sflag:s21] =	ssyncset.done $0x0  }
0x8a: {  	s31 =	simm.s32 $0x2C80;
	[sflag:s21] =	ssyncadd.s32 $0xFFFFC180  }
0x8b: {  	[spmem:s3] =	stream.indirect.scatter.add.f32 [tilespmem:s19], [sflag:$0x3], $0x80, s31, s18, $0xb8;
	[tilespmem:$0x1FC00] =	vst v63  }
0x8c: {  	_ =	swait.ge [sflag:s15], $0x3E80  }
0x8d: {  	s23 =	simm.s32 $0x1400;
	s26 =	simm.s32 $0x2800;
	[sflag:s15] =	ssyncset.done $0x0  }
.LBB2_4:
0x8e: {  	s25 =	sshra.s32 s23, $0x2  }
0x8f: {  	[sflag:s15] =	ssyncadd.s32 $0xFFFFC180;
	s23 =	smov.u32 s26;
	s24 =	sadd.s32 $0x1400, s26  }
0x90: {  	[tilespmem:s16], [sflag:$0x1] =	stream.indirect.gather [hbm4b:s2+s18], $0x80, s25, s18, $0xb8;
	[tilespmem:$0x1FC00] =	vst v63  }
0x91: {  	p0 =	sne.s32 s26, $0x3C00;
	s26 =	sadd.s32 $0x80, s25  }
0x92: {  	[tilespmem:s19], [sflag:$0x2] =	stream.indirect.gather [hbm4b:s2+s18], $0x80, s26, s18, $0xb8;
	[tilespmem:$0x1FC00] =	vst v63  }
0x93: {  	_ =	swait.ge [sflag:s20], $0x3E80  }
0x94: {  	[sflag:s20] =	ssyncset.done $0x0  }
0x95: {  	s26 =	sadd.s32 $0x2800, s25;
	[sflag:s20] =	ssyncadd.s32 $0xFFFFC180  }
0x96: {  	[spmem:s3] =	stream.indirect.scatter.add.f32 [tilespmem:s16], [sflag:$0x3], $0x80, s26, s18, $0xb8;
	[tilespmem:$0x1FC00] =	vst v63  }
0x97: {  	_ =	swait.ge [sflag:s15], $0x3E80  }
0x98: {  	[sflag:s15] =	ssyncset.done $0x0  }
0x99: {  	s26 =	sadd.s32 $0x100, s25;
	[sflag:s15] =	ssyncadd.s32 $0xFFFFC180  }
0x9a: {  	[tilespmem:s16], [sflag:$0x1] =	stream.indirect.gather [hbm4b:s2+s18], $0x80, s26, s18, $0xb8;
	[tilespmem:$0x1FC00] =	vst v63  }
0x9b: {  	_ =	swait.ge [sflag:s21], $0x3E80  }
0x9c: {  	[sflag:s21] =	ssyncset.done $0x0  }
0x9d: {  	s26 =	sadd.s32 $0x2880, s25;
	[sflag:s21] =	ssyncadd.s32 $0xFFFFC180  }
0x9e: {  	[spmem:s3] =	stream.indirect.scatter.add.f32 [tilespmem:s19], [sflag:$0x3], $0x80, s26, s18, $0xb8;
	[tilespmem:$0x1FC00] =	vst v63  }
0x9f: {  	_ =	swait.ge [sflag:s15], $0x3E80  }
0xa0: {  	[sflag:s15] =	ssyncset.done $0x0  }
0xa1: {  	s26 =	sadd.s32 $0x180, s25;
	[sflag:s15] =	ssyncadd.s32 $0xFFFFC180  }
0xa2: {  	[tilespmem:s19], [sflag:$0x2] =	stream.indirect.gather [hbm4b:s2+s18], $0x80, s26, s18, $0xb8;
	[tilespmem:$0x1FC00] =	vst v63  }
0xa3: {  	_ =	swait.ge [sflag:s20], $0x3E80  }
0xa4: {  	[sflag:s20] =	ssyncset.done $0x0  }
0xa5: {  	s26 =	sadd.s32 $0x2900, s25;
	[sflag:s20] =	ssyncadd.s32 $0xFFFFC180  }
0xa6: {  	[spmem:s3] =	stream.indirect.scatter.add.f32 [tilespmem:s16], [sflag:$0x3], $0x80, s26, s18, $0xb8;
	[tilespmem:$0x1FC00] =	vst v63  }
0xa7: {  	_ =	swait.ge [sflag:s15], $0x3E80  }
0xa8: {  	[sflag:s15] =	ssyncset.done $0x0  }
0xa9: {  	s26 =	sadd.s32 $0x200, s25;
	[sflag:s15] =	ssyncadd.s32 $0xFFFFC180  }
0xaa: {  	[tilespmem:s16], [sflag:$0x1] =	stream.indirect.gather [hbm4b:s2+s18], $0x80, s26, s18, $0xb8;
	[tilespmem:$0x1FC00] =	vst v63  }
0xab: {  	_ =	swait.ge [sflag:s21], $0x3E80  }
0xac: {  	[sflag:s21] =	ssyncset.done $0x0  }
0xad: {  	s26 =	sadd.s32 $0x2980, s25;
	[sflag:s21] =	ssyncadd.s32 $0xFFFFC180  }
0xae: {  	[spmem:s3] =	stream.indirect.scatter.add.f32 [tilespmem:s19], [sflag:$0x3], $0x80, s26, s18, $0xb8;
	[tilespmem:$0x1FC00] =	vst v63  }
0xaf: {  	_ =	swait.ge [sflag:s15], $0x3E80  }
0xb0: {  	[sflag:s15] =	ssyncset.done $0x0  }
0xb1: {  	s26 =	sadd.s32 $0x280, s25;
	[sflag:s15] =	ssyncadd.s32 $0xFFFFC180  }
0xb2: {  	[tilespmem:s19], [sflag:$0x2] =	stream.indirect.gather [hbm4b:s2+s18], $0x80, s26, s18, $0xb8;
	[tilespmem:$0x1FC00] =	vst v63  }
0xb3: {  	_ =	swait.ge [sflag:s20], $0x3E80  }
0xb4: {  	[sflag:s20] =	ssyncset.done $0x0  }
0xb5: {  	s26 =	sadd.s32 $0x2A00, s25;
	[sflag:s20] =	ssyncadd.s32 $0xFFFFC180  }
0xb6: {  	[spmem:s3] =	stream.indirect.scatter.add.f32 [tilespmem:s16], [sflag:$0x3], $0x80, s26, s18, $0xb8;
	[tilespmem:$0x1FC00] =	vst v63  }
0xb7: {  	_ =	swait.ge [sflag:s15], $0x3E80  }
0xb8: {  	[sflag:s15] =	ssyncset.done $0x0  }
0xb9: {  	s26 =	sadd.s32 $0x300, s25;
	[sflag:s15] =	ssyncadd.s32 $0xFFFFC180  }
0xba: {  	[tilespmem:s16], [sflag:$0x1] =	stream.indirect.gather [hbm4b:s2+s18], $0x80, s26, s18, $0xb8;
	[tilespmem:$0x1FC00] =	vst v63  }
0xbb: {  	_ =	swait.ge [sflag:s21], $0x3E80  }
0xbc: {  	[sflag:s21] =	ssyncset.done $0x0  }
0xbd: {  	s26 =	sadd.s32 $0x2A80, s25;
	[sflag:s21] =	ssyncadd.s32 $0xFFFFC180  }
0xbe: {  	[spmem:s3] =	stream.indirect.scatter.add.f32 [tilespmem:s19], [sflag:$0x3], $0x80, s26, s18, $0xb8;
	[tilespmem:$0x1FC00] =	vst v63  }
0xbf: {  	_ =	swait.ge [sflag:s15], $0x3E80  }
0xc0: {  	[sflag:s15] =	ssyncset.done $0x0  }
0xc1: {  	s26 =	sadd.s32 $0x380, s25;
	[sflag:s15] =	ssyncadd.s32 $0xFFFFC180  }
0xc2: {  	[tilespmem:s19], [sflag:$0x2] =	stream.indirect.gather [hbm4b:s2+s18], $0x80, s26, s18, $0xb8;
	[tilespmem:$0x1FC00] =	vst v63  }
0xc3: {  	_ =	swait.ge [sflag:s20], $0x3E80  }
0xc4: {  	[sflag:s20] =	ssyncset.done $0x0  }
0xc5: {  	s26 =	sadd.s32 $0x2B00, s25;
	[sflag:s20] =	ssyncadd.s32 $0xFFFFC180  }
0xc6: {  	[spmem:s3] =	stream.indirect.scatter.add.f32 [tilespmem:s16], [sflag:$0x3], $0x80, s26, s18, $0xb8;
	[tilespmem:$0x1FC00] =	vst v63  }
0xc7: {  	_ =	swait.ge [sflag:s15], $0x3E80  }
0xc8: {  	[sflag:s15] =	ssyncset.done $0x0  }
0xc9: {  	s26 =	sadd.s32 $0x400, s25;
	[sflag:s15] =	ssyncadd.s32 $0xFFFFC180  }
0xca: {  	[tilespmem:s16], [sflag:$0x1] =	stream.indirect.gather [hbm4b:s2+s18], $0x80, s26, s18, $0xb8;
	[tilespmem:$0x1FC00] =	vst v63  }
0xcb: {  	_ =	swait.ge [sflag:s21], $0x3E80  }
0xcc: {  	[sflag:s21] =	ssyncset.done $0x0  }
0xcd: {  	s26 =	sadd.s32 $0x2B80, s25;
	[sflag:s21] =	ssyncadd.s32 $0xFFFFC180  }
0xce: {  	[spmem:s3] =	stream.indirect.scatter.add.f32 [tilespmem:s19], [sflag:$0x3], $0x80, s26, s18, $0xb8;
	[tilespmem:$0x1FC00] =	vst v63  }
0xcf: {  	_ =	swait.ge [sflag:s15], $0x3E80  }
0xd0: {  	[sflag:s15] =	ssyncset.done $0x0  }
0xd1: {  	s26 =	sadd.s32 $0x480, s25;
	[sflag:s15] =	ssyncadd.s32 $0xFFFFC180  }
0xd2: {  	[tilespmem:s19], [sflag:$0x2] =	stream.indirect.gather [hbm4b:s2+s18], $0x80, s26, s18, $0xb8;
	[tilespmem:$0x1FC00] =	vst v63  }
0xd3: {  	_ =	swait.ge [sflag:s20], $0x3E80  }
0xd4: {  	[sflag:s20] =	ssyncset.done $0x0  }
0xd5: {  	s26 =	sadd.s32 $0x2C00, s25;
	[sflag:s20] =	ssyncadd.s32 $0xFFFFC180  }
0xd6: {  	[spmem:s3] =	stream.indirect.scatter.add.f32 [tilespmem:s16], [sflag:$0x3], $0x80, s26, s18, $0xb8;
	[tilespmem:$0x1FC00] =	vst v63  }
0xd7: {  	_ =	swait.ge [sflag:s15], $0x3E80  }
0xd8: {  	[sflag:s15] =	ssyncset.done $0x0  }
0xd9: {  	[sflag:s15] =	ssyncadd.s32 $0xFFFFC180  }
0xda: {  	_ =	swait.ge [sflag:s21], $0x3E80  }
.Ltmp1:
0xdb: {  	[sflag:s21] =	ssyncset.done $0x0;
	(pc) =	sbr.rel @p0 .LBB2_4-.Ltmp1, $4  }
0xdc: {  	s25 =	sadd.s32 $0x2C80, s25;
	[sflag:s21] =	ssyncadd.s32 $0xFFFFC180  }
0xdd: {  	[spmem:s3] =	stream.indirect.scatter.add.f32 [tilespmem:s19], [sflag:$0x3], $0x80, s25, s18, $0xb8;
	[tilespmem:$0x1FC00] =	vst v63  }
0xde: {  	_ =	swait.ge [sflag:s15], $0x3E80  }
0xdf: {  	s26 =	smov.u32 s24;
	[sflag:s15] =	ssyncset.done $0x0  }
0xe0: {  	s23 =	sshra.s32 s23, $0x2;
	[sflag:s15] =	ssyncadd.s32 $0xFFFFC180  }
0xe1: {  	[tilespmem:s16], [sflag:$0x1] =	stream.indirect.gather [hbm4b:s2+s18], $0x80, s23, s18, $0xb8;
	[tilespmem:$0x1FC00] =	vst v63  }
0xe2: {  	s24 =	sadd.s32 $0x80, s23  }
0xe3: {  	[tilespmem:s19], [sflag:$0x2] =	stream.indirect.gather [hbm4b:s2+s18], $0x80, s24, s18, $0xb8;
	[tilespmem:$0x1FC00] =	vst v63  }
0xe4: {  	_ =	swait.ge [sflag:s20], $0x3E80  }
0xe5: {  	[sflag:s20] =	ssyncset.done $0x0  }
0xe6: {  	s26 =	sadd.s32 $0x2800, s23;
	[sflag:s20] =	ssyncadd.s32 $0xFFFFC180  }
0xe7: {  	[spmem:s3] =	stream.indirect.scatter.add.f32 [tilespmem:s16], [sflag:$0x3], $0x80, s26, s18, $0xb8;
	[tilespmem:$0x1FC00] =	vst v63  }
0xe8: {  	_ =	swait.ge [sflag:s15], $0x3E80  }
0xe9: {  	[sflag:s15] =	ssyncset.done $0x0  }
0xea: {  	s28 =	sadd.s32 $0x100, s23;
	[sflag:s15] =	ssyncadd.s32 $0xFFFFC180  }
0xeb: {  	[tilespmem:s16], [sflag:$0x1] =	stream.indirect.gather [hbm4b:s2+s18], $0x80, s28, s18, $0xb8;
	[tilespmem:$0x1FC00] =	vst v63  }
0xec: {  	_ =	swait.ge [sflag:s21], $0x3E80  }
0xed: {  	[sflag:s21] =	ssyncset.done $0x0  }
0xee: {  	s29 =	sadd.s32 $0x2880, s23;
	[sflag:s21] =	ssyncadd.s32 $0xFFFFC180  }
0xef: {  	[spmem:s3] =	stream.indirect.scatter.add.f32 [tilespmem:s19], [sflag:$0x3], $0x80, s29, s18, $0xb8;
	[tilespmem:$0x1FC00] =	vst v63  }
0xf0: {  	_ =	swait.ge [sflag:s15], $0x3E80  }
0xf1: {  	[sflag:s15] =	ssyncset.done $0x0  }
0xf2: {  	s30 =	sadd.s32 $0x180, s23;
	[sflag:s15] =	ssyncadd.s32 $0xFFFFC180  }
0xf3: {  	[tilespmem:s19], [sflag:$0x2] =	stream.indirect.gather [hbm4b:s2+s18], $0x80, s30, s18, $0xb8;
	[tilespmem:$0x1FC00] =	vst v63  }
0xf4: {  	_ =	swait.ge [sflag:s20], $0x3E80  }
0xf5: {  	[sflag:s20] =	ssyncset.done $0x0  }
0xf6: {  	s31 =	sadd.s32 $0x2900, s23;
	[sflag:s20] =	ssyncadd.s32 $0xFFFFC180  }
0xf7: {  	[spmem:s3] =	stream.indirect.scatter.add.f32 [tilespmem:s16], [sflag:$0x3], $0x80, s31, s18, $0xb8;
	[tilespmem:$0x1FC00] =	vst v63  }
0xf8: {  	_ =	swait.ge [sflag:s15], $0x3E80  }
0xf9: {  	[sflag:s15] =	ssyncset.done $0x0  }
0xfa: {  	s25 =	sadd.s32 $0x200, s23;
	[sflag:s15] =	ssyncadd.s32 $0xFFFFC180  }
0xfb: {  	[tilespmem:s16], [sflag:$0x1] =	stream.indirect.gather [hbm4b:s2+s18], $0x80, s25, s18, $0xb8;
	[tilespmem:$0x1FC00] =	vst v63  }
0xfc: {  	_ =	swait.ge [sflag:s21], $0x3E80  }
0xfd: {  	[sflag:s21] =	ssyncset.done $0x0  }
0xfe: {  	s26 =	sadd.s32 $0x2980, s23;
	[sflag:s21] =	ssyncadd.s32 $0xFFFFC180  }
0xff: {  	[spmem:s3] =	stream.indirect.scatter.add.f32 [tilespmem:s19], [sflag:$0x3], $0x80, s26, s18, $0xb8;
	[tilespmem:$0x1FC00] =	vst v63  }
0x100: {  	_ =	swait.ge [sflag:s15], $0x3E80  }
0x101: {  	[sflag:s15] =	ssyncset.done $0x0  }
0x102: {  	s28 =	sadd.s32 $0x280, s23;
	[sflag:s15] =	ssyncadd.s32 $0xFFFFC180  }
0x103: {  	[tilespmem:s19], [sflag:$0x2] =	stream.indirect.gather [hbm4b:s2+s18], $0x80, s28, s18, $0xb8;
	[tilespmem:$0x1FC00] =	vst v63  }
0x104: {  	_ =	swait.ge [sflag:s20], $0x3E80  }
0x105: {  	[sflag:s20] =	ssyncset.done $0x0  }
0x106: {  	s29 =	sadd.s32 $0x2A00, s23;
	[sflag:s20] =	ssyncadd.s32 $0xFFFFC180  }
0x107: {  	[spmem:s3] =	stream.indirect.scatter.add.f32 [tilespmem:s16], [sflag:$0x3], $0x80, s29, s18, $0xb8;
	[tilespmem:$0x1FC00] =	vst v63  }
0x108: {  	_ =	swait.ge [sflag:s15], $0x3E80  }
0x109: {  	[sflag:s15] =	ssyncset.done $0x0  }
0x10a: {  	s30 =	sadd.s32 $0x300, s23;
	[sflag:s15] =	ssyncadd.s32 $0xFFFFC180  }
0x10b: {  	[tilespmem:s16], [sflag:$0x1] =	stream.indirect.gather [hbm4b:s2+s18], $0x80, s30, s18, $0xb8;
	[tilespmem:$0x1FC00] =	vst v63  }
0x10c: {  	_ =	swait.ge [sflag:s21], $0x3E80  }
0x10d: {  	[sflag:s21] =	ssyncset.done $0x0  }
0x10e: {  	s31 =	sadd.s32 $0x2A80, s23;
	[sflag:s21] =	ssyncadd.s32 $0xFFFFC180  }
0x10f: {  	[spmem:s3] =	stream.indirect.scatter.add.f32 [tilespmem:s19], [sflag:$0x3], $0x80, s31, s18, $0xb8;
	[tilespmem:$0x1FC00] =	vst v63  }
0x110: {  	_ =	swait.ge [sflag:s15], $0x3E80  }
0x111: {  	[sflag:s15] =	ssyncset.done $0x0  }
0x112: {  	s25 =	sadd.s32 $0x380, s23;
	[sflag:s15] =	ssyncadd.s32 $0xFFFFC180  }
0x113: {  	[tilespmem:s19], [sflag:$0x2] =	stream.indirect.gather [hbm4b:s2+s18], $0x80, s25, s18, $0xb8;
	[tilespmem:$0x1FC00] =	vst v63  }
0x114: {  	_ =	swait.ge [sflag:s20], $0x3E80  }
0x115: {  	[sflag:s20] =	ssyncset.done $0x0  }
0x116: {  	s26 =	sadd.s32 $0x2B00, s23;
	[sflag:s20] =	ssyncadd.s32 $0xFFFFC180  }
0x117: {  	[spmem:s3] =	stream.indirect.scatter.add.f32 [tilespmem:s16], [sflag:$0x3], $0x80, s26, s18, $0xb8;
	[tilespmem:$0x1FC00] =	vst v63  }
0x118: {  	_ =	swait.ge [sflag:s15], $0x3E80  }
0x119: {  	[sflag:s15] =	ssyncset.done $0x0  }
0x11a: {  	s28 =	sadd.s32 $0x400, s23;
	[sflag:s15] =	ssyncadd.s32 $0xFFFFC180  }
0x11b: {  	[tilespmem:s16], [sflag:$0x1] =	stream.indirect.gather [hbm4b:s2+s18], $0x80, s28, s18, $0xb8;
	[tilespmem:$0x1FC00] =	vst v63  }
0x11c: {  	_ =	swait.ge [sflag:s21], $0x3E80  }
0x11d: {  	[sflag:s21] =	ssyncset.done $0x0  }
0x11e: {  	s29 =	sadd.s32 $0x2B80, s23;
	[sflag:s21] =	ssyncadd.s32 $0xFFFFC180  }
0x11f: {  	[spmem:s3] =	stream.indirect.scatter.add.f32 [tilespmem:s19], [sflag:$0x3], $0x80, s29, s18, $0xb8;
	[tilespmem:$0x1FC00] =	vst v63  }
0x120: {  	_ =	swait.ge [sflag:s15], $0x3E80  }
0x121: {  	[sflag:s15] =	ssyncset.done $0x0  }
0x122: {  	s30 =	sadd.s32 $0x480, s23;
	[sflag:s15] =	ssyncadd.s32 $0xFFFFC180  }
0x123: {  	[tilespmem:s19], [sflag:$0x2] =	stream.indirect.gather [hbm4b:s2+s18], $0x80, s30, s18, $0xb8;
	[tilespmem:$0x1FC00] =	vst v63  }
0x124: {  	_ =	swait.ge [sflag:s20], $0x3E80  }
0x125: {  	[sflag:s20] =	ssyncset.done $0x0  }
0x126: {  	s31 =	sadd.s32 $0x2C00, s23;
	[sflag:s20] =	ssyncadd.s32 $0xFFFFC180  }
0x127: {  	[spmem:s3] =	stream.indirect.scatter.add.f32 [tilespmem:s16], [sflag:$0x3], $0x80, s31, s18, $0xb8;
	[tilespmem:$0x1FC00] =	vst v63  }
0x128: {  	_ =	swait.ge [sflag:s15], $0x3E80  }
0x129: {  	[sflag:s15] =	ssyncset.done $0x0  }
0x12a: {  	[sflag:s15] =	ssyncadd.s32 $0xFFFFC180  }
0x12b: {  	_ =	swait.ge [sflag:s21], $0x3E80  }
0x12c: {  	[sflag:s21] =	ssyncset.done $0x0  }
0x12d: {  	s23 =	sadd.s32 $0x2C80, s23;
	[sflag:s21] =	ssyncadd.s32 $0xFFFFC180  }
0x12e: {  	[spmem:s3] =	stream.indirect.scatter.add.f32 [tilespmem:s19], [sflag:$0x3], $0x80, s23, s18, $0xb8;
	[tilespmem:$0x1FC00] =	vst v63  }
0x12f: {  	_ =	swait.ge [sflag:s15], $0x3E80  }
0x130: {  	[sflag:s15] =	ssyncset.done $0x0  }
0x131: {  	s24 =	simm.s32 $0x0;
	[sflag:s15] =	ssyncadd.s32 $0xFFFFC180  }
0x132: {  	[tilespmem:s17], [sflag:$0x3] =	stream.linear.gather [hbm4b:s12+s24], $0x1400, $0x38;
	[tilespmem:$0x1FC00] =	vst v63  }
0x133: {  	_ =	swait.ge [sflag:s15], $0x1400  }
0x134: {  	[sflag:s15] =	ssyncset.done $0x0  }
0x135: {  	s25 =	simm.s32 $0x1400;
	[sflag:s15] =	ssyncadd.s32 $0xFFFFEC00  }
0x136: {  	[tilespmem:s16], [sflag:$0x1] =	stream.indirect.gather [hbm4b:s2+s18], $0x80, s25, s18, $0xb8;
	[tilespmem:$0x1FC00] =	vst v63  }
0x137: {  	s26 =	simm.s32 $0x1480  }
0x138: {  	[tilespmem:s19], [sflag:$0x2] =	stream.indirect.gather [hbm4b:s2+s18], $0x80, s26, s18, $0xb8;
	[tilespmem:$0x1FC00] =	vst v63  }
0x139: {  	_ =	swait.ge [sflag:s20], $0x3E80  }
0x13a: {  	[sflag:s20] =	ssyncset.done $0x0  }
0x13b: {  	s28 =	simm.s32 $0x2800;
	[sflag:s20] =	ssyncadd.s32 $0xFFFFC180  }
0x13c: {  	[spmem:s3] =	stream.indirect.scatter.add.f32 [tilespmem:s16], [sflag:$0x3], $0x80, s28, s18, $0xb8;
	[tilespmem:$0x1FC00] =	vst v63  }
0x13d: {  	_ =	swait.ge [sflag:s15], $0x3E80  }
0x13e: {  	[sflag:s15] =	ssyncset.done $0x0  }
0x13f: {  	s29 =	simm.s32 $0x1500;
	[sflag:s15] =	ssyncadd.s32 $0xFFFFC180  }
0x140: {  	[tilespmem:s16], [sflag:$0x1] =	stream.indirect.gather [hbm4b:s2+s18], $0x80, s29, s18, $0xb8;
	[tilespmem:$0x1FC00] =	vst v63  }
0x141: {  	_ =	swait.ge [sflag:s21], $0x3E80  }
0x142: {  	[sflag:s21] =	ssyncset.done $0x0  }
0x143: {  	s30 =	simm.s32 $0x2880;
	[sflag:s21] =	ssyncadd.s32 $0xFFFFC180  }
0x144: {  	[spmem:s3] =	stream.indirect.scatter.add.f32 [tilespmem:s19], [sflag:$0x3], $0x80, s30, s18, $0xb8;
	[tilespmem:$0x1FC00] =	vst v63  }
0x145: {  	_ =	swait.ge [sflag:s15], $0x3E80  }
0x146: {  	[sflag:s15] =	ssyncset.done $0x0  }
0x147: {  	s31 =	simm.s32 $0x1580;
	[sflag:s15] =	ssyncadd.s32 $0xFFFFC180  }
0x148: {  	[tilespmem:s19], [sflag:$0x2] =	stream.indirect.gather [hbm4b:s2+s18], $0x80, s31, s18, $0xb8;
	[tilespmem:$0x1FC00] =	vst v63  }
0x149: {  	_ =	swait.ge [sflag:s20], $0x3E80  }
0x14a: {  	[sflag:s20] =	ssyncset.done $0x0  }
0x14b: {  	s24 =	simm.s32 $0x2900;
	[sflag:s20] =	ssyncadd.s32 $0xFFFFC180  }
0x14c: {  	[spmem:s3] =	stream.indirect.scatter.add.f32 [tilespmem:s16], [sflag:$0x3], $0x80, s24, s18, $0xb8;
	[tilespmem:$0x1FC00] =	vst v63  }
0x14d: {  	_ =	swait.ge [sflag:s15], $0x3E80  }
0x14e: {  	[sflag:s15] =	ssyncset.done $0x0  }
0x14f: {  	s25 =	simm.s32 $0x1600;
	[sflag:s15] =	ssyncadd.s32 $0xFFFFC180  }
0x150: {  	[tilespmem:s16], [sflag:$0x1] =	stream.indirect.gather [hbm4b:s2+s18], $0x80, s25, s18, $0xb8;
	[tilespmem:$0x1FC00] =	vst v63  }
0x151: {  	_ =	swait.ge [sflag:s21], $0x3E80  }
0x152: {  	[sflag:s21] =	ssyncset.done $0x0  }
0x153: {  	s26 =	simm.s32 $0x2980;
	[sflag:s21] =	ssyncadd.s32 $0xFFFFC180  }
0x154: {  	[spmem:s3] =	stream.indirect.scatter.add.f32 [tilespmem:s19], [sflag:$0x3], $0x80, s26, s18, $0xb8;
	[tilespmem:$0x1FC00] =	vst v63  }
0x155: {  	_ =	swait.ge [sflag:s15], $0x3E80  }
0x156: {  	[sflag:s15] =	ssyncset.done $0x0  }
0x157: {  	s28 =	simm.s32 $0x1680;
	[sflag:s15] =	ssyncadd.s32 $0xFFFFC180  }
0x158: {  	[tilespmem:s19], [sflag:$0x2] =	stream.indirect.gather [hbm4b:s2+s18], $0x80, s28, s18, $0xb8;
	[tilespmem:$0x1FC00] =	vst v63  }
0x159: {  	_ =	swait.ge [sflag:s20], $0x3E80  }
0x15a: {  	[sflag:s20] =	ssyncset.done $0x0  }
0x15b: {  	s29 =	simm.s32 $0x2A00;
	[sflag:s20] =	ssyncadd.s32 $0xFFFFC180  }
0x15c: {  	[spmem:s3] =	stream.indirect.scatter.add.f32 [tilespmem:s16], [sflag:$0x3], $0x80, s29, s18, $0xb8;
	[tilespmem:$0x1FC00] =	vst v63  }
0x15d: {  	_ =	swait.ge [sflag:s15], $0x3E80  }
0x15e: {  	[sflag:s15] =	ssyncset.done $0x0  }
0x15f: {  	s30 =	simm.s32 $0x1700;
	[sflag:s15] =	ssyncadd.s32 $0xFFFFC180  }
0x160: {  	[tilespmem:s16], [sflag:$0x1] =	stream.indirect.gather [hbm4b:s2+s18], $0x80, s30, s18, $0xb8;
	[tilespmem:$0x1FC00] =	vst v63  }
0x161: {  	_ =	swait.ge [sflag:s21], $0x3E80  }
0x162: {  	[sflag:s21] =	ssyncset.done $0x0  }
0x163: {  	s31 =	simm.s32 $0x2A80;
	[sflag:s21] =	ssyncadd.s32 $0xFFFFC180  }
0x164: {  	[spmem:s3] =	stream.indirect.scatter.add.f32 [tilespmem:s19], [sflag:$0x3], $0x80, s31, s18, $0xb8;
	[tilespmem:$0x1FC00] =	vst v63  }
0x165: {  	_ =	swait.ge [sflag:s15], $0x3E80  }
0x166: {  	[sflag:s15] =	ssyncset.done $0x0  }
0x167: {  	s24 =	simm.s32 $0x1780;
	[sflag:s15] =	ssyncadd.s32 $0xFFFFC180  }
0x168: {  	[tilespmem:s19], [sflag:$0x2] =	stream.indirect.gather [hbm4b:s2+s18], $0x80, s24, s18, $0xb8;
	[tilespmem:$0x1FC00] =	vst v63  }
0x169: {  	_ =	swait.ge [sflag:s20], $0x3E80  }
0x16a: {  	[sflag:s20] =	ssyncset.done $0x0  }
0x16b: {  	s25 =	simm.s32 $0x2B00;
	[sflag:s20] =	ssyncadd.s32 $0xFFFFC180  }
0x16c: {  	[spmem:s3] =	stream.indirect.scatter.add.f32 [tilespmem:s16], [sflag:$0x3], $0x80, s25, s18, $0xb8;
	[tilespmem:$0x1FC00] =	vst v63  }
0x16d: {  	_ =	swait.ge [sflag:s15], $0x3E80  }
0x16e: {  	[sflag:s15] =	ssyncset.done $0x0  }
0x16f: {  	s26 =	simm.s32 $0x1800;
	[sflag:s15] =	ssyncadd.s32 $0xFFFFC180  }
0x170: {  	[tilespmem:s16], [sflag:$0x1] =	stream.indirect.gather [hbm4b:s2+s18], $0x80, s26, s18, $0xb8;
	[tilespmem:$0x1FC00] =	vst v63  }
0x171: {  	_ =	swait.ge [sflag:s21], $0x3E80  }
0x172: {  	[sflag:s21] =	ssyncset.done $0x0  }
0x173: {  	s28 =	simm.s32 $0x2B80;
	[sflag:s21] =	ssyncadd.s32 $0xFFFFC180  }
0x174: {  	[spmem:s3] =	stream.indirect.scatter.add.f32 [tilespmem:s19], [sflag:$0x3], $0x80, s28, s18, $0xb8;
	[tilespmem:$0x1FC00] =	vst v63  }
0x175: {  	_ =	swait.ge [sflag:s15], $0x3E80  }
0x176: {  	[sflag:s15] =	ssyncset.done $0x0  }
0x177: {  	s29 =	simm.s32 $0x1880;
	[sflag:s15] =	ssyncadd.s32 $0xFFFFC180  }
0x178: {  	[tilespmem:s19], [sflag:$0x2] =	stream.indirect.gather [hbm4b:s2+s18], $0x80, s29, s18, $0xb8;
	[tilespmem:$0x1FC00] =	vst v63  }
0x179: {  	_ =	swait.ge [sflag:s20], $0x3E80  }
0x17a: {  	[sflag:s20] =	ssyncset.done $0x0  }
0x17b: {  	s30 =	simm.s32 $0x2C00;
	[sflag:s20] =	ssyncadd.s32 $0xFFFFC180  }
0x17c: {  	[spmem:s3] =	stream.indirect.scatter.add.f32 [tilespmem:s16], [sflag:$0x3], $0x80, s30, s18, $0xb8;
	[tilespmem:$0x1FC00] =	vst v63  }
0x17d: {  	_ =	swait.ge [sflag:s15], $0x3E80  }
0x17e: {  	[sflag:s15] =	ssyncset.done $0x0  }
0x17f: {  	[sflag:s15] =	ssyncadd.s32 $0xFFFFC180  }
0x180: {  	_ =	swait.ge [sflag:s21], $0x3E80  }
0x181: {  	[sflag:s21] =	ssyncset.done $0x0  }
0x182: {  	s31 =	simm.s32 $0x2C80;
	[sflag:s21] =	ssyncadd.s32 $0xFFFFC180  }
0x183: {  	[spmem:s3] =	stream.indirect.scatter.add.f32 [tilespmem:s19], [sflag:$0x3], $0x80, s31, s18, $0xb8;
	[tilespmem:$0x1FC00] =	vst v63  }
0x184: {  	_ =	swait.ge [sflag:s15], $0x3E80  }
0x185: {  	s23 =	simm.s32 $0x500;
	s26 =	simm.s32 $0x2800;
	[sflag:s15] =	ssyncset.done $0x0  }
.LBB2_6:
0x186: {  	s28 =	sadd.s32 $0x1400, s23  }
0x187: {  	[sflag:s15] =	ssyncadd.s32 $0xFFFFC180;
	s25 =	smov.u32 s26;
	s24 =	sadd.s32 $0x1400, s26  }
0x188: {  	[tilespmem:s16], [sflag:$0x1] =	stream.indirect.gather [hbm4b:s2+s18], $0x80, s28, s18, $0xb8;
	[tilespmem:$0x1FC00] =	vst v63  }
0x189: {  	p0 =	sne.s32 s26, $0x3C00;
	s26 =	sadd.s32 $0x1480, s23  }
0x18a: {  	[tilespmem:s19], [sflag:$0x2] =	stream.indirect.gather [hbm4b:s2+s18], $0x80, s26, s18, $0xb8;
	[tilespmem:$0x1FC00] =	vst v63  }
0x18b: {  	_ =	swait.ge [sflag:s20], $0x3E80  }
0x18c: {  	[sflag:s20] =	ssyncset.done $0x0  }
0x18d: {  	s26 =	sadd.s32 $0x2800, s23;
	[sflag:s20] =	ssyncadd.s32 $0xFFFFC180  }
0x18e: {  	[spmem:s3] =	stream.indirect.scatter.add.f32 [tilespmem:s16], [sflag:$0x3], $0x80, s26, s18, $0xb8;
	[tilespmem:$0x1FC00] =	vst v63  }
0x18f: {  	_ =	swait.ge [sflag:s15], $0x3E80  }
0x190: {  	[sflag:s15] =	ssyncset.done $0x0  }
0x191: {  	s26 =	sadd.s32 $0x1500, s23;
	[sflag:s15] =	ssyncadd.s32 $0xFFFFC180  }
0x192: {  	[tilespmem:s16], [sflag:$0x1] =	stream.indirect.gather [hbm4b:s2+s18], $0x80, s26, s18, $0xb8;
	[tilespmem:$0x1FC00] =	vst v63  }
0x193: {  	_ =	swait.ge [sflag:s21], $0x3E80  }
0x194: {  	[sflag:s21] =	ssyncset.done $0x0  }
0x195: {  	s26 =	sadd.s32 $0x2880, s23;
	[sflag:s21] =	ssyncadd.s32 $0xFFFFC180  }
0x196: {  	[spmem:s3] =	stream.indirect.scatter.add.f32 [tilespmem:s19], [sflag:$0x3], $0x80, s26, s18, $0xb8;
	[tilespmem:$0x1FC00] =	vst v63  }
0x197: {  	_ =	swait.ge [sflag:s15], $0x3E80  }
0x198: {  	[sflag:s15] =	ssyncset.done $0x0  }
0x199: {  	s26 =	sadd.s32 $0x1580, s23;
	[sflag:s15] =	ssyncadd.s32 $0xFFFFC180  }
0x19a: {  	[tilespmem:s19], [sflag:$0x2] =	stream.indirect.gather [hbm4b:s2+s18], $0x80, s26, s18, $0xb8;
	[tilespmem:$0x1FC00] =	vst v63  }
0x19b: {  	_ =	swait.ge [sflag:s20], $0x3E80  }
0x19c: {  	[sflag:s20] =	ssyncset.done $0x0  }
0x19d: {  	s26 =	sadd.s32 $0x2900, s23;
	[sflag:s20] =	ssyncadd.s32 $0xFFFFC180  }
0x19e: {  	[spmem:s3] =	stream.indirect.scatter.add.f32 [tilespmem:s16], [sflag:$0x3], $0x80, s26, s18, $0xb8;
	[tilespmem:$0x1FC00] =	vst v63  }
0x19f: {  	_ =	swait.ge [sflag:s15], $0x3E80  }
0x1a0: {  	[sflag:s15] =	ssyncset.done $0x0  }
0x1a1: {  	s26 =	sadd.s32 $0x1600, s23;
	[sflag:s15] =	ssyncadd.s32 $0xFFFFC180  }
0x1a2: {  	[tilespmem:s16], [sflag:$0x1] =	stream.indirect.gather [hbm4b:s2+s18], $0x80, s26, s18, $0xb8;
	[tilespmem:$0x1FC00] =	vst v63  }
0x1a3: {  	_ =	swait.ge [sflag:s21], $0x3E80  }
0x1a4: {  	[sflag:s21] =	ssyncset.done $0x0  }
0x1a5: {  	s26 =	sadd.s32 $0x2980, s23;
	[sflag:s21] =	ssyncadd.s32 $0xFFFFC180  }
0x1a6: {  	[spmem:s3] =	stream.indirect.scatter.add.f32 [tilespmem:s19], [sflag:$0x3], $0x80, s26, s18, $0xb8;
	[tilespmem:$0x1FC00] =	vst v63  }
0x1a7: {  	_ =	swait.ge [sflag:s15], $0x3E80  }
0x1a8: {  	[sflag:s15] =	ssyncset.done $0x0  }
0x1a9: {  	s26 =	sadd.s32 $0x1680, s23;
	[sflag:s15] =	ssyncadd.s32 $0xFFFFC180  }
0x1aa: {  	[tilespmem:s19], [sflag:$0x2] =	stream.indirect.gather [hbm4b:s2+s18], $0x80, s26, s18, $0xb8;
	[tilespmem:$0x1FC00] =	vst v63  }
0x1ab: {  	_ =	swait.ge [sflag:s20], $0x3E80  }
0x1ac: {  	[sflag:s20] =	ssyncset.done $0x0  }
0x1ad: {  	s26 =	sadd.s32 $0x2A00, s23;
	[sflag:s20] =	ssyncadd.s32 $0xFFFFC180  }
0x1ae: {  	[spmem:s3] =	stream.indirect.scatter.add.f32 [tilespmem:s16], [sflag:$0x3], $0x80, s26, s18, $0xb8;
	[tilespmem:$0x1FC00] =	vst v63  }
0x1af: {  	_ =	swait.ge [sflag:s15], $0x3E80  }
0x1b0: {  	[sflag:s15] =	ssyncset.done $0x0  }
0x1b1: {  	s26 =	sadd.s32 $0x1700, s23;
	[sflag:s15] =	ssyncadd.s32 $0xFFFFC180  }
0x1b2: {  	[tilespmem:s16], [sflag:$0x1] =	stream.indirect.gather [hbm4b:s2+s18], $0x80, s26, s18, $0xb8;
	[tilespmem:$0x1FC00] =	vst v63  }
0x1b3: {  	_ =	swait.ge [sflag:s21], $0x3E80  }
0x1b4: {  	[sflag:s21] =	ssyncset.done $0x0  }
0x1b5: {  	s26 =	sadd.s32 $0x2A80, s23;
	[sflag:s21] =	ssyncadd.s32 $0xFFFFC180  }
0x1b6: {  	[spmem:s3] =	stream.indirect.scatter.add.f32 [tilespmem:s19], [sflag:$0x3], $0x80, s26, s18, $0xb8;
	[tilespmem:$0x1FC00] =	vst v63  }
0x1b7: {  	_ =	swait.ge [sflag:s15], $0x3E80  }
0x1b8: {  	[sflag:s15] =	ssyncset.done $0x0  }
0x1b9: {  	s26 =	sadd.s32 $0x1780, s23;
	[sflag:s15] =	ssyncadd.s32 $0xFFFFC180  }
0x1ba: {  	[tilespmem:s19], [sflag:$0x2] =	stream.indirect.gather [hbm4b:s2+s18], $0x80, s26, s18, $0xb8;
	[tilespmem:$0x1FC00] =	vst v63  }
0x1bb: {  	_ =	swait.ge [sflag:s20], $0x3E80  }
0x1bc: {  	[sflag:s20] =	ssyncset.done $0x0  }
0x1bd: {  	s26 =	sadd.s32 $0x2B00, s23;
	[sflag:s20] =	ssyncadd.s32 $0xFFFFC180  }
0x1be: {  	[spmem:s3] =	stream.indirect.scatter.add.f32 [tilespmem:s16], [sflag:$0x3], $0x80, s26, s18, $0xb8;
	[tilespmem:$0x1FC00] =	vst v63  }
0x1bf: {  	_ =	swait.ge [sflag:s15], $0x3E80  }
0x1c0: {  	[sflag:s15] =	ssyncset.done $0x0  }
0x1c1: {  	s26 =	sadd.s32 $0x1800, s23;
	[sflag:s15] =	ssyncadd.s32 $0xFFFFC180  }
0x1c2: {  	[tilespmem:s16], [sflag:$0x1] =	stream.indirect.gather [hbm4b:s2+s18], $0x80, s26, s18, $0xb8;
	[tilespmem:$0x1FC00] =	vst v63  }
0x1c3: {  	_ =	swait.ge [sflag:s21], $0x3E80  }
0x1c4: {  	[sflag:s21] =	ssyncset.done $0x0  }
0x1c5: {  	s26 =	sadd.s32 $0x2B80, s23;
	[sflag:s21] =	ssyncadd.s32 $0xFFFFC180  }
0x1c6: {  	[spmem:s3] =	stream.indirect.scatter.add.f32 [tilespmem:s19], [sflag:$0x3], $0x80, s26, s18, $0xb8;
	[tilespmem:$0x1FC00] =	vst v63  }
0x1c7: {  	_ =	swait.ge [sflag:s15], $0x3E80  }
0x1c8: {  	[sflag:s15] =	ssyncset.done $0x0  }
0x1c9: {  	s26 =	sadd.s32 $0x1880, s23;
	[sflag:s15] =	ssyncadd.s32 $0xFFFFC180  }
0x1ca: {  	[tilespmem:s19], [sflag:$0x2] =	stream.indirect.gather [hbm4b:s2+s18], $0x80, s26, s18, $0xb8;
	[tilespmem:$0x1FC00] =	vst v63  }
0x1cb: {  	_ =	swait.ge [sflag:s20], $0x3E80  }
0x1cc: {  	[sflag:s20] =	ssyncset.done $0x0  }
0x1cd: {  	s26 =	sadd.s32 $0x2C00, s23;
	[sflag:s20] =	ssyncadd.s32 $0xFFFFC180  }
0x1ce: {  	[spmem:s3] =	stream.indirect.scatter.add.f32 [tilespmem:s16], [sflag:$0x3], $0x80, s26, s18, $0xb8;
	[tilespmem:$0x1FC00] =	vst v63  }
0x1cf: {  	_ =	swait.ge [sflag:s15], $0x3E80  }
0x1d0: {  	[sflag:s15] =	ssyncset.done $0x0  }
0x1d1: {  	[sflag:s15] =	ssyncadd.s32 $0xFFFFC180  }
0x1d2: {  	_ =	swait.ge [sflag:s21], $0x3E80  }
.Ltmp2:
0x1d3: {  	[sflag:s21] =	ssyncset.done $0x0;
	(pc) =	sbr.rel @p0 .LBB2_6-.Ltmp2, $4  }
0x1d4: {  	s23 =	sadd.s32 $0x2C80, s23;
	[sflag:s21] =	ssyncadd.s32 $0xFFFFC180  }
0x1d5: {  	[spmem:s3] =	stream.indirect.scatter.add.f32 [tilespmem:s19], [sflag:$0x3], $0x80, s23, s18, $0xb8;
	[tilespmem:$0x1FC00] =	vst v63  }
0x1d6: {  	_ =	swait.ge [sflag:s15], $0x3E80  }
0x1d7: {  	s26 =	smov.u32 s24;
	s23 =	sshra.s32 s25, $0x2;
	[sflag:s15] =	ssyncset.done $0x0  }
0x1d8: {  	s24 =	sadd.s32 $0x1400, s23;
	[sflag:s15] =	ssyncadd.s32 $0xFFFFC180  }
0x1d9: {  	[tilespmem:s16], [sflag:$0x1] =	stream.indirect.gather [hbm4b:s2+s18], $0x80, s24, s18, $0xb8;
	[tilespmem:$0x1FC00] =	vst v63  }
0x1da: {  	s29 =	sadd.s32 $0x1480, s23  }
0x1db: {  	[tilespmem:s19], [sflag:$0x2] =	stream.indirect.gather [hbm4b:s2+s18], $0x80, s29, s18, $0xb8;
	[tilespmem:$0x1FC00] =	vst v63  }
0x1dc: {  	_ =	swait.ge [sflag:s20], $0x3E80  }
0x1dd: {  	[sflag:s20] =	ssyncset.done $0x0  }
0x1de: {  	s30 =	sadd.s32 $0x2800, s23;
	[sflag:s20] =	ssyncadd.s32 $0xFFFFC180  }
0x1df: {  	[spmem:s3] =	stream.indirect.scatter.add.f32 [tilespmem:s16], [sflag:$0x3], $0x80, s30, s18, $0xb8;
	[tilespmem:$0x1FC00] =	vst v63  }
0x1e0: {  	_ =	swait.ge [sflag:s15], $0x3E80  }
0x1e1: {  	[sflag:s15] =	ssyncset.done $0x0  }
0x1e2: {  	s31 =	sadd.s32 $0x1500, s23;
	[sflag:s15] =	ssyncadd.s32 $0xFFFFC180  }
0x1e3: {  	[tilespmem:s16], [sflag:$0x1] =	stream.indirect.gather [hbm4b:s2+s18], $0x80, s31, s18, $0xb8;
	[tilespmem:$0x1FC00] =	vst v63  }
0x1e4: {  	_ =	swait.ge [sflag:s21], $0x3E80  }
0x1e5: {  	[sflag:s21] =	ssyncset.done $0x0  }
0x1e6: {  	s25 =	sadd.s32 $0x2880, s23;
	[sflag:s21] =	ssyncadd.s32 $0xFFFFC180  }
0x1e7: {  	[spmem:s3] =	stream.indirect.scatter.add.f32 [tilespmem:s19], [sflag:$0x3], $0x80, s25, s18, $0xb8;
	[tilespmem:$0x1FC00] =	vst v63  }
0x1e8: {  	_ =	swait.ge [sflag:s15], $0x3E80  }
0x1e9: {  	[sflag:s15] =	ssyncset.done $0x0  }
0x1ea: {  	s26 =	sadd.s32 $0x1580, s23;
	[sflag:s15] =	ssyncadd.s32 $0xFFFFC180  }
0x1eb: {  	[tilespmem:s19], [sflag:$0x2] =	stream.indirect.gather [hbm4b:s2+s18], $0x80, s26, s18, $0xb8;
	[tilespmem:$0x1FC00] =	vst v63  }
0x1ec: {  	_ =	swait.ge [sflag:s20], $0x3E80  }
0x1ed: {  	[sflag:s20] =	ssyncset.done $0x0  }
0x1ee: {  	s28 =	sadd.s32 $0x2900, s23;
	[sflag:s20] =	ssyncadd.s32 $0xFFFFC180  }
0x1ef: {  	[spmem:s3] =	stream.indirect.scatter.add.f32 [tilespmem:s16], [sflag:$0x3], $0x80, s28, s18, $0xb8;
	[tilespmem:$0x1FC00] =	vst v63  }
0x1f0: {  	_ =	swait.ge [sflag:s15], $0x3E80  }
0x1f1: {  	[sflag:s15] =	ssyncset.done $0x0  }
0x1f2: {  	s29 =	sadd.s32 $0x1600, s23;
	[sflag:s15] =	ssyncadd.s32 $0xFFFFC180  }
0x1f3: {  	[tilespmem:s16], [sflag:$0x1] =	stream.indirect.gather [hbm4b:s2+s18], $0x80, s29, s18, $0xb8;
	[tilespmem:$0x1FC00] =	vst v63  }
0x1f4: {  	_ =	swait.ge [sflag:s21], $0x3E80  }
0x1f5: {  	[sflag:s21] =	ssyncset.done $0x0  }
0x1f6: {  	s30 =	sadd.s32 $0x2980, s23;
	[sflag:s21] =	ssyncadd.s32 $0xFFFFC180  }
0x1f7: {  	[spmem:s3] =	stream.indirect.scatter.add.f32 [tilespmem:s19], [sflag:$0x3], $0x80, s30, s18, $0xb8;
	[tilespmem:$0x1FC00] =	vst v63  }
0x1f8: {  	_ =	swait.ge [sflag:s15], $0x3E80  }
0x1f9: {  	[sflag:s15] =	ssyncset.done $0x0  }
0x1fa: {  	s31 =	sadd.s32 $0x1680, s23;
	[sflag:s15] =	ssyncadd.s32 $0xFFFFC180  }
0x1fb: {  	[tilespmem:s19], [sflag:$0x2] =	stream.indirect.gather [hbm4b:s2+s18], $0x80, s31, s18, $0xb8;
	[tilespmem:$0x1FC00] =	vst v63  }
0x1fc: {  	_ =	swait.ge [sflag:s20], $0x3E80  }
0x1fd: {  	[sflag:s20] =	ssyncset.done $0x0  }
0x1fe: {  	s25 =	sadd.s32 $0x2A00, s23;
	[sflag:s20] =	ssyncadd.s32 $0xFFFFC180  }
0x1ff: {  	[spmem:s3] =	stream.indirect.scatter.add.f32 [tilespmem:s16], [sflag:$0x3], $0x80, s25, s18, $0xb8;
	[tilespmem:$0x1FC00] =	vst v63  }
0x200: {  	_ =	swait.ge [sflag:s15], $0x3E80  }
0x201: {  	[sflag:s15] =	ssyncset.done $0x0  }
0x202: {  	s26 =	sadd.s32 $0x1700, s23;
	[sflag:s15] =	ssyncadd.s32 $0xFFFFC180  }
0x203: {  	[tilespmem:s16], [sflag:$0x1] =	stream.indirect.gather [hbm4b:s2+s18], $0x80, s26, s18, $0xb8;
	[tilespmem:$0x1FC00] =	vst v63  }
0x204: {  	_ =	swait.ge [sflag:s21], $0x3E80  }
0x205: {  	[sflag:s21] =	ssyncset.done $0x0  }
0x206: {  	s28 =	sadd.s32 $0x2A80, s23;
	[sflag:s21] =	ssyncadd.s32 $0xFFFFC180  }
0x207: {  	[spmem:s3] =	stream.indirect.scatter.add.f32 [tilespmem:s19], [sflag:$0x3], $0x80, s28, s18, $0xb8;
	[tilespmem:$0x1FC00] =	vst v63  }
0x208: {  	_ =	swait.ge [sflag:s15], $0x3E80  }
0x209: {  	[sflag:s15] =	ssyncset.done $0x0  }
0x20a: {  	s29 =	sadd.s32 $0x1780, s23;
	[sflag:s15] =	ssyncadd.s32 $0xFFFFC180  }
0x20b: {  	[tilespmem:s19], [sflag:$0x2] =	stream.indirect.gather [hbm4b:s2+s18], $0x80, s29, s18, $0xb8;
	[tilespmem:$0x1FC00] =	vst v63  }
0x20c: {  	_ =	swait.ge [sflag:s20], $0x3E80  }
0x20d: {  	[sflag:s20] =	ssyncset.done $0x0  }
0x20e: {  	s30 =	sadd.s32 $0x2B00, s23;
	[sflag:s20] =	ssyncadd.s32 $0xFFFFC180  }
0x20f: {  	[spmem:s3] =	stream.indirect.scatter.add.f32 [tilespmem:s16], [sflag:$0x3], $0x80, s30, s18, $0xb8;
	[tilespmem:$0x1FC00] =	vst v63  }
0x210: {  	_ =	swait.ge [sflag:s15], $0x3E80  }
0x211: {  	[sflag:s15] =	ssyncset.done $0x0  }
0x212: {  	s31 =	sadd.s32 $0x1800, s23;
	[sflag:s15] =	ssyncadd.s32 $0xFFFFC180  }
0x213: {  	[tilespmem:s16], [sflag:$0x1] =	stream.indirect.gather [hbm4b:s2+s18], $0x80, s31, s18, $0xb8;
	[tilespmem:$0x1FC00] =	vst v63  }
0x214: {  	_ =	swait.ge [sflag:s21], $0x3E80  }
0x215: {  	[sflag:s21] =	ssyncset.done $0x0  }
0x216: {  	s25 =	sadd.s32 $0x2B80, s23;
	[sflag:s21] =	ssyncadd.s32 $0xFFFFC180  }
0x217: {  	[spmem:s3] =	stream.indirect.scatter.add.f32 [tilespmem:s19], [sflag:$0x3], $0x80, s25, s18, $0xb8;
	[tilespmem:$0x1FC00] =	vst v63  }
0x218: {  	_ =	swait.ge [sflag:s15], $0x3E80  }
0x219: {  	[sflag:s15] =	ssyncset.done $0x0  }
0x21a: {  	s26 =	sadd.s32 $0x1880, s23;
	[sflag:s15] =	ssyncadd.s32 $0xFFFFC180  }
0x21b: {  	[tilespmem:s19], [sflag:$0x2] =	stream.indirect.gather [hbm4b:s2+s18], $0x80, s26, s18, $0xb8;
	[tilespmem:$0x1FC00] =	vst v63  }
0x21c: {  	_ =	swait.ge [sflag:s20], $0x3E80  }
0x21d: {  	[sflag:s20] =	ssyncset.done $0x0  }
0x21e: {  	s28 =	sadd.s32 $0x2C00, s23;
	[sflag:s20] =	ssyncadd.s32 $0xFFFFC180  }
0x21f: {  	[spmem:s3] =	stream.indirect.scatter.add.f32 [tilespmem:s16], [sflag:$0x3], $0x80, s28, s18, $0xb8;
	[tilespmem:$0x1FC00] =	vst v63  }
0x220: {  	_ =	swait.ge [sflag:s15], $0x3E80  }
0x221: {  	[sflag:s15] =	ssyncset.done $0x0  }
0x222: {  	[sflag:s15] =	ssyncadd.s32 $0xFFFFC180  }
0x223: {  	_ =	swait.ge [sflag:s21], $0x3E80  }
0x224: {  	[sflag:s21] =	ssyncset.done $0x0  }
0x225: {  	s29 =	sadd.s32 $0x2C80, s23;
	[sflag:s21] =	ssyncadd.s32 $0xFFFFC180  }
0x226: {  	[spmem:s3] =	stream.indirect.scatter.add.f32 [tilespmem:s19], [sflag:$0x3], $0x80, s29, s18, $0xb8;
	[tilespmem:$0x1FC00] =	vst v63  }
0x227: {  	_ =	swait.ge [sflag:s15], $0x3E80  }
0x228: {  	s22 =	sadd.s32 $0x1, s22;
	s30 =	sshll.u32 s0, $0x6;
	[sflag:s15] =	ssyncset.done $0x0  }
0x229: {  	p0 =	sne.s32 s22, s14;
	s23 =	sor.u32 $0x1C03, s30;
	[sflag:s15] =	ssyncadd.s32 $0xFFFFC180  }
.Ltmp3:
0x22a: {  	s31 =	sshrl.u32 s5, $0x3;
	[bflag:$0x0] =	sbarrier.arrive $0xFFFF;
	(pc) =	sbr.rel @p0 .LBB2_1-.Ltmp3, $4  }
0x22b: {  	[hbm:s13], [sflag:s23] =	dma.local [spmem:s31], $0x2800  }
0x22c: {  	_ =	swait.ge [sflag:s15], $0x2800  }
0x22d: {  	[sflag:s15] =	ssyncset.done $0x0  }
0x22e: {  	[sflag:s15] =	ssyncadd.s32 $0xFFFFD800  }
0x22f: {  	_ =	sfence.sel $0x180000  }
0x230: {  	[bflag:$0x0] =	sbarrier.arrive $0xFFFF  }
0x231: {  	p0 =	sne.s32 s0, $0x0;
	_ =	strace $0x9000004A  }
0x232: {  	s0 =	sadd.s32 @!p0 $0x100000, s1;
	[bflag:$0x2] =	sbarrier.arrive $0xFFFF  }
0x233: {  	[sflag:s0] =	ssyncadd.tile.s32 @!p0 $0x1;
	_ =	shalt  }
.Lfunc_end2:
_tile_overlayer_lowered:
.L_overlay_start_2:
0x234: {  	(tag) =	ssettag $0x2  }
0x235: {  	s0 =	rddreg [dreg:$0x0];
	s2 =	stileid.u32  }
0x236: {  	s1 =	rddreg [dreg:$0x1];
	p0 =	sne.s32 s2, $0x0  }
0x237: {  	s3 =	rddreg [dreg:$0x2];
	[bflag:$0x3] =	sbarrier.arrive $0xFFFF;
	s2 =	simm.s32 @!p0 $0x1C03  }
0x238: {  	[timem:s3], [sflag:s2] =	dma.local @!p0 [hbm:s0], s1  }
0x239: {  	s0 =	simm.s32 @!p0 $0x3  }
0x23a: {  	_ =	swait.ge @!p0 [sflag:s0], s1  }
0x23b: {  	s1 =	ssub.s32 @!p0 $0x0, s1;
	[sflag:s0] =	ssyncset.done @!p0 $0x0  }
0x23c: {  	[sflag:s0] =	ssyncadd.s32 @!p0 s1  }
0x23d: {  	[bflag:$0x3] =	sbarrier.arrive $0xFFFF  }
0x23e: {  	_ =	shalt  }

// kernel: kernel.7.cloned.1.call-start
scs
__scs_entry_jumppad:
0x0: {  	(pc) =	sbr.rel $0x88, $3  }
0x1: {  	(tag) =	ssettag $0x0;
	lr =	simm.s32 $0x1  }
0x2: {  	[smem:$0x3F9D] =	sst lr;
	_ =	strace $0xD0000000  }
0x3: {  	_ = 	snop  }
0x4: {  	_ = 	snop  }
0x5: {  	_ = 	snop  }
0x6: {  	_ = 	snop  }
0x7: {  	_ = 	snop  }
__scs_overlays_trampoline_lowered:
0x8: {  	[smem:$0x3FAC] =	sst s0  }
0x9: {  	[smem:$0x3FAD] =	sst s1  }
0xa: {  	[smem:$0x3FAE] =	sst s2  }
0xb: {  	[smem:$0x3FAF] =	sst s3  }
0xc: {  	[smem:$0x3FB0] =	sst s4  }
0xd: {  	[smem:$0x3FB1] =	sst s5  }
0xe: {  	[smem:$0x3FB2] =	sst s6  }
0xf: {  	[smem:$0x3FB3] =	sst s7  }
0x10: {  	[smem:$0x3FB4] =	sst s8  }
0x11: {  	[smem:$0x3FB5] =	sst s9;
	s0 =	simm.s32 @!p0 $0x0  }
0x12: {  	s1 =	sld [smem:$0x3F9B];
	s0 =	simm.s32 @p0 $0x1  }
0x13: {  	[smem:$0x3FB6] =	sst s0;
	s0 =	simm.s32 @!p1 $0x0  }
0x14: {  	s2 =	sld [smem:$0x3F9A];
	s0 =	simm.s32 @p1 $0x1  }
0x15: {  	[smem:$0x3FB7] =	sst s0;
	s0 =	simm.s32 @!p2 $0x0  }
0x16: {  	s3 =	sld [smem:$0x3FDB];
	s0 =	simm.s32 @p2 $0x1  }
0x17: {  	s4 =	simm.s32 $0x1BF5;
	[smem:$0x3FB9] =	sst s0  }
0x18: {  	s0 =	sld [smem:$0x3F9C];
	_ =	swait.ge [sflag:s4], $0x0  }
0x19: {  	s7 =	sld [smem:$0x3F9D]  }
0x1a: {  	s8 =	sadd.s32 $0xFFFFE003, lr  }
0x1b: {  	s9 =	sadd.s32 $0xFFFFFEF7, lr;
	s5 =	simm.s32 $0xFFFFFFFF;
	p2 =	slt.u32 s8, $0xFFFFF086  }
0x1c: {  	p1 =	slt.u32 s9, $0xF7A;
	s5 =	simm.s32 @!p2 $0x0  }
0x1d: {  	s5 =	simm.s32 @p1 $0x1;
	p0 =	seq.s32 s7, s2  }
0x1e: {  	s7 =	smul.u32 @!p0 $0xF7A, s2;
	p2 =	seq.s32 @!p0 s5, $0x0  }
0x1f: {  	s9 =	smul.u32 $0xF7A, s1;
	s8 =	simm.s32 @!p0 $0x1BF5;
	p2 =	por !p2, p0  }
0x20: {  	[sflag:s8] =	ssyncset.s32 @!p0 $0xFFFFF086;
	s6 =	sadd.s32 @!p0 s3, s7;
	s7 =	simm.s32 @!p0 $0x108  }
0x21: {  	s3 =	sadd.s32 s3, s9;
	s6 =	sadd.s32 @!p0 $0x88, s6;
	s7 =	simm.s32 @p2 $0x1082  }
0x22: {  	[simem:s7], [sflag:s8] =	dma.local @!p0 [hbm:s6], $0xF7A  }
0x23: {  	s9 =	sor.u32 $0xD0000000, s2;
	s6 =	simm.s32 $0x108;
	_ =	swait.ge @!p0 [sflag:s8], $0x0  }
0x24: {  	s3 =	sadd.s32 $0x88, s3;
	s6 =	simm.s32 @!p1 $0x1082;
	[sflag:s4] =	ssyncset.s32 $0xFFFFF086  }
0x25: {  	[simem:s6], [sflag:s4] =	dma.local [hbm:s3], $0xF7A  }
0x26: {  	[smem:$0x3F9D] =	sst s1;
	(tag) =	ssettag s2;
	_ =	strace s9  }
0x27: {  	s1 =	sld [smem:$0x3FAD]  }
0x28: {  	s2 =	sld [smem:$0x3FAE]  }
0x29: {  	s4 =	sld [smem:$0x3FB0]  }
0x2a: {  	p0 =	seq.s32 s5, $0x0;
	s5 =	sld [smem:$0x3FB1]  }
0x2b: {  	s6 =	sld [smem:$0x3FB2]  }
0x2c: {  	s7 =	sld [smem:$0x3FB3]  }
0x2d: {  	s3 =	simm.s32 $0x108;
	s8 =	sld [smem:$0x3FB4]  }
0x2e: {  	s3 =	simm.s32 @!p0 $0x1082;
	s9 =	sld [smem:$0x3FB5]  }
0x2f: {  	lr =	sadd.s32 s0, s3;
	s0 =	sld [smem:$0x3FAC]  }
0x30: {  	s3 =	sld [smem:$0x3FAF]  }
0x31: {  	[smem:$0x3FB8] =	sst s10  }
0x32: {  	s10 =	sld [smem:$0x3FB6];
	_ =	sdelay $0x3  }
0x33: {  	p0 =	seq.s32 s10, $0x1;
	s10 =	sld [smem:$0x3FB8];
	_ =	sdelay $0x3  }
0x34: {  	[smem:$0x3FB8] =	sst s10  }
0x35: {  	s10 =	sld [smem:$0x3FB7];
	_ =	sdelay $0x3  }
0x36: {  	p1 =	seq.s32 s10, $0x1;
	s10 =	sld [smem:$0x3FB8];
	_ =	sdelay $0x3  }
0x37: {  	[smem:$0x3FB8] =	sst s10  }
0x38: {  	s10 =	sld [smem:$0x3FB9]  }
0x39: {  	_ = 	snop;
	(pc) =	sbr.ind lr, $3  }
0x3a: {  	_ = 	snop  }
0x3b: {  	_ = 	snop  }
0x3c: {  	p2 =	seq.s32 s10, $0x1;
	s10 =	sld [smem:$0x3FB8]  }
0x3d: {  	_ =	shalt  }
0x3e: {  	_ =	shalt  }
0x3f: {  	_ =	shalt  }
0x40: {  	_ =	shalt  }
0x41: {  	_ =	shalt  }
0x42: {  	_ =	shalt  }
0x43: {  	_ =	shalt  }
0x44: {  	_ =	shalt  }
0x45: {  	_ =	shalt  }
0x46: {  	_ =	shalt  }
0x47: {  	_ =	shalt  }
0x48: {  	_ =	shalt  }
0x49: {  	_ =	shalt  }
0x4a: {  	_ =	shalt  }
0x4b: {  	_ =	shalt  }
0x4c: {  	_ =	shalt  }
0x4d: {  	_ =	shalt  }
0x4e: {  	_ =	shalt  }
0x4f: {  	_ =	shalt  }
0x50: {  	_ =	shalt  }
0x51: {  	_ =	shalt  }
0x52: {  	_ =	shalt  }
0x53: {  	_ =	shalt  }
0x54: {  	_ =	shalt  }
0x55: {  	_ =	shalt  }
0x56: {  	_ =	shalt  }
0x57: {  	_ =	shalt  }
0x58: {  	_ =	shalt  }
0x59: {  	_ =	shalt  }
0x5a: {  	_ =	shalt  }
0x5b: {  	_ =	shalt  }
0x5c: {  	_ =	shalt  }
0x5d: {  	_ =	shalt  }
0x5e: {  	_ =	shalt  }
0x5f: {  	_ =	shalt  }
0x60: {  	_ =	shalt  }
0x61: {  	_ =	shalt  }
0x62: {  	_ =	shalt  }
0x63: {  	_ =	shalt  }
0x64: {  	_ =	shalt  }
0x65: {  	_ =	shalt  }
0x66: {  	_ =	shalt  }
0x67: {  	_ =	shalt  }
0x68: {  	_ =	shalt  }
0x69: {  	_ =	shalt  }
0x6a: {  	_ =	shalt  }
0x6b: {  	_ =	shalt  }
0x6c: {  	_ =	shalt  }
0x6d: {  	_ =	shalt  }
0x6e: {  	_ =	shalt  }
0x6f: {  	_ =	shalt  }
0x70: {  	_ =	shalt  }
0x71: {  	_ =	shalt  }
0x72: {  	_ =	shalt  }
0x73: {  	_ =	shalt  }
0x74: {  	_ =	shalt  }
0x75: {  	_ =	shalt  }
0x76: {  	_ =	shalt  }
0x77: {  	_ =	shalt  }
0x78: {  	_ =	shalt  }
0x79: {  	_ =	shalt  }
0x7a: {  	_ =	shalt  }
0x7b: {  	_ =	shalt  }
0x7c: {  	_ =	shalt  }
0x7d: {  	_ =	shalt  }
0x7e: {  	_ =	shalt  }
0x7f: {  	_ =	shalt  }
0x80: {  	_ =	shalt  }
0x81: {  	_ =	shalt  }
0x82: {  	_ =	shalt  }
0x83: {  	_ =	shalt  }
0x84: {  	_ =	shalt  }
0x85: {  	_ =	shalt  }
0x86: {  	_ =	shalt  }
0x87: {  	_ =	shalt  }
.Lfunc_end0:
.L_simem_size_0:
called_computation_lowered:
.L_overlay_start_0:
0x88: {  	s2 =	sld [smem:$0x3FD9]  }
0x89: {  	s3 =	sld [smem:$0x3FFE];
	_ =	sdelay $0x1  }
0x8a: {  	s1 =	srdreg.scid  }
0x8b: {  	s0 =	sand.u32 $0x1, s1  }
0x8c: {  	s17 =	sshll.u32 s0, $0xA;
	s2 =	sadd.s32 s3, s2  }
0x8d: {  	s2 =	sadd.s32 s2, s17  }
0x8e: {  	[smem:$0x3FC4] =	sst s2  }
0x8f: {  	_ = 	snop  }
0x90: {  	s2 =	sld [smem:$0x3FD0];
	(tm) =	ssettm $0x1  }
0x91: {  	s18 =	sld [smem:$0x3FFB];
	_ =	sdelay $0x3  }
0x92: {  	_ =	strace s18  }
0x93: {  	s3 =	sld [smem:$0x3FFC];
	_ =	sdelay $0x3  }
0x94: {  	_ =	strace s3  }
0x95: {  	s3 =	sld [smem:$0x3FFD];
	_ =	sdelay $0x3  }
0x96: {  	_ =	strace s3  }
0x97: {  	_ =	strace $0x8FFFFFFF  }
0x98: {  	s19 =	sld [smem:$0x3FDB];
	_ =	sdelay $0x1  }
0x99: {  	s4 =	simm.s32 $_scs_section_size  }
0x9a: {  	s5 =	simm.s32 $_size__tile_overlayer_lowered;
	s6 =	simm.s32 $_tile_overlayer_lowered  }
0x9b: {  	s22 =	simm.s32 $0x1BFF;
	s21 =	sshll.u32 s6, $0x1;
	s3 =	sadd.s32 s4, s19  }
0x9c: {  	s7 =	simm.s32 $0x0;
	s20 =	sshll.u32 s5, $0x1;
	s5 =	sadd.s32 s21, s3  }
0x9d: {  	[timem:s7], [sflag:s22] =	dma.local [hbm:s5], s20  }
0x9e: {  	_ =	swait.ge [sflag:s22], s20  }
0x9f: {  	s4 =	ssub.s32 $0x0, s20;
	[sflag:s22] =	ssyncset.done $0x0  }
0xa0: {  	[sflag:s22] =	ssyncadd.s32 s4;
	_ =	sdelay $0x1  }
0xa1: {  	s23 =	simm.s32 $0x1B8B  }
0xa2: {  	_ =	swait.ge [sflag:s23], $0x1  }
0xa3: {  	[sflag:s23] =	ssyncset.done $0x0  }
0xa4: {  	s25 =	simm.s32 $0x1B8E;
	s24 =	sld [smem:$0x3FFE];
	[sflag:s23] =	ssyncadd.s32 $0xFFFFFFFF  }
0xa5: {  	s26 =	simm.s32 $execute0_lowered;
	[smem:$0x3FD2] =	sst s25  }
0xa6: {  	s5 =	sshll.u32 s26, $0x1;
	_ =	strace $0x80000046;
	[dreg:$0x1] =	wrdreg $0xFFFFFFFF  }
0xa7: {  	s28 =	simm.s32 $_size_execute0_lowered;
	s3 =	sadd.s32 s3, s5;
	[dreg:$0x0] =	wrdreg $0x0  }
0xa8: {  	s5 =	sshll.u32 s28, $0x1;
	[dreg:$0x2] =	wrdreg s3  }
0xa9: {  	[dreg:$0x3] =	wrdreg s5  }
0xaa: {  	[dreg:$0x4] =	wrdreg $0xC0  }
0xab: {  	_ =	task [dreg:s7], $0x5FFFF  }
0xac: {  	[dreg:$0x1] =	wrdreg $0xFFFFFFFF  }
0xad: {  	[dreg:$0x0] =	wrdreg $0x60  }
0xae: {  	[dreg:$0x2] =	wrdreg s24  }
0xaf: {  	[dreg:$0x3] =	wrdreg s2  }
0xb0: {  	[dreg:$0x4] =	wrdreg $0x2B000  }
0xb1: {  	[dreg:$0x5] =	wrdreg $0x9  }
0xb2: {  	_ =	task.clear_ibuf [dreg:s7], $0x6FFFF;
	_ =	strace $0x90000046  }
0xb3: {  	s29 =	simm.s32 $0x9;
	_ =	strace $0x80000048  }
0xb4: {  	_ =	swait.ge [sflag:s29], $0x1  }
0xb5: {  	[sflag:s29] =	ssyncadd.s32 $0xFFFFFFFF  }
0xb6: {  	_ =	strace $0x90000048  }
0xb7: {  	_ =	sfence  }
0xb8: {  	s30 =	sld [smem:$0x0];
	_ =	sdelay $0x2  }
0xb9: {  	s31 =	sshll.u32 s1, $0xD;
	s1 =	sshrl.u32 s1, $0x2  }
0xba: {  	s3 =	sand.u32 $0x4000, s31;
	s1 =	sadd.s32 s1, s30  }
0xbb: {  	s0 =	sor.u32 s3, s0;
	s1 =	sshll.u32 s1, $0x11  }
0xbc: {  	s0 =	sor.u32 s1, s0  }
0xbd: {  	s0 =	sadd.s32 $0x8F2B, s0  }
0xbe: {  	[sflag:s0] =	ssyncadd.remote.s32 $0x1  }
0xbf: {  	_ =	sfence.sel $0xFFFF  }
0xc0: {  	[dreg:$0x0] =	wrdreg $0xFFFFFFFF;
	(pc) =	sbr.abs _section_cstart, $3  }
0xc1: {  	[dreg:$0x1] =	wrdreg $0xFFFFFFFF  }
0xc2: {  	_ =	task.clear_ibuf [dreg:s7], $0x2FFFF;
	_ =	strace $0x9FFFFFFF  }
0xc3: {  	(tm) =	ssettm $0x7FFFFFFF  }
tec
execute0_lowered:
.L_overlay_start_1:
0x0: {  	(tag) =	ssettag $0x1  }
0x1: {  	s4 =	rddreg [dreg:$0x0]  }
0x2: {  	s6 =	rddreg [dreg:$0x1]  }
0x3: {  	s0 =	srdreg.scid;
	s2 =	rddreg [dreg:$0x2];
	s3 =	simm.s32 $0x0  }
0x4: {  	s14 =	simm.s32 $0x20;
	s15 =	simm.s32 $0x10;
	s16 =	simm.s32 $0x0  }
0x5: {  	s5 =	sand.u32 $0x1, s0;
	s0 =	stileid.u32;
	[smem:$0x7FF] =	sst s3  }
0x6: {  	s1 =	sshll.u32 s5, $0x4;
	s8 =	ssub.s32 $0x2, s5;
	s9 =	smul.u32 $0xA00, s0  }
0x7: {  	s11 =	smul.u32 $0x500, s0;
	s5 =	sshll.u32 s5, $0x7;
	s12 =	sshll.u32 s0, $0x6  }
0x8: {  	s7 =	sor.u32 s0, s1;
	s1 =	rddreg [dreg:$0x3];
	_ =	strace $0x80000047  }
0x9: {  	s10 =	sshrl.u32 s8, $0x1;
	s12 =	sor.u32 $0x1C01, s12;
	s7 =	smul.u32 $0x2800, s7  }
0xa: {  	s8 =	ssub.s32 s8, s10;
	s29 =	sshrl.u32 s9, $0x2;
	s30 =	sor.u32 s5, s11  }
0xb: {  	s9 =	simm.s32 $0x2880;
	s10 =	simm.s32 $0x7D;
	s11 =	simm.s32 $0x2800  }
0xc: {  	s5 =	sadd.s32 s29, s2;
	s31 =	sshrl.u32 s30, $0x3;
	s7 =	sshrl.u32 s7, $0x3  }
0xd: {  	s6 =	sadd.s32 s6, s31;
	s13 =	sshrl.u32 s5, $0x3;
	s4 =	sadd.s32 s4, s7  }
0xe: {  	v0 =	vimm.f32 $1.000000000e+00;
	v1 =	vimm.f32 $0.0e+00;
	s7 =	smax.u32 s8, $0x1;
	s8 =	simm.s32 $0x1;
	s4 =	sadd.s32 $0xBE00, s4  }
.LBB2_1:
0xf: {  	[tilespmem:s3], [sflag:$0x1] =	stream.linear.gather [hbm4b:s4+s3], $0x2800, $0x38;
	[tilespmem:$0x2D80] =	vst v63  }
0x10: {  	_ =	swait.ge [sflag:s8], $0x2800  }
0x11: {  	[sflag:s8] =	ssyncset.done $0x0  }
0x12: {  	[sflag:s8] =	ssyncadd.s32 $0xFFFFD800  }
0x13: {  	[tilespmem:$0x2800] =	vst v0  }
0x14: {  	[tilespmem:$0x2810] =	vst v0  }
0x15: {  	[tilespmem:$0x2820] =	vst v0  }
0x16: {  	[tilespmem:$0x2830] =	vst v0  }
0x17: {  	[tilespmem:$0x2840] =	vst v0  }
0x18: {  	[tilespmem:$0x2850] =	vst v0  }
0x19: {  	[tilespmem:$0x2860] =	vst v0  }
0x1a: {  	[tilespmem:$0x2870] =	vst v0  }
0x1b: {  	[tilespmem:$0x2880] =	vst v1  }
0x1c: {  	[tilespmem:$0x2890] =	vst v1  }
0x1d: {  	[tilespmem:$0x28A0] =	vst v1  }
0x1e: {  	[tilespmem:$0x28B0] =	vst v1  }
0x1f: {  	[tilespmem:$0x28C0] =	vst v1  }
0x20: {  	[tilespmem:$0x28D0] =	vst v1  }
0x21: {  	[tilespmem:$0x28E0] =	vst v1  }
0x22: {  	[tilespmem:$0x28F0] =	vst v1  }
0x23: {  	[tilespmem:$0x2900] =	vst v1  }
0x24: {  	[tilespmem:$0x2910] =	vst v1  }
0x25: {  	[tilespmem:$0x2920] =	vst v1  }
0x26: {  	[tilespmem:$0x2930] =	vst v1  }
0x27: {  	[tilespmem:$0x2940] =	vst v1  }
0x28: {  	[tilespmem:$0x2950] =	vst v1  }
0x29: {  	[tilespmem:$0x2960] =	vst v1  }
0x2a: {  	[tilespmem:$0x2970] =	vst v1  }
0x2b: {  	[tilespmem:$0x2980] =	vst v1  }
0x2c: {  	[tilespmem:$0x2990] =	vst v1  }
0x2d: {  	[tilespmem:$0x29A0] =	vst v1  }
0x2e: {  	[tilespmem:$0x29B0] =	vst v1  }
0x2f: {  	[tilespmem:$0x29C0] =	vst v1  }
0x30: {  	[tilespmem:$0x29D0] =	vst v1  }
0x31: {  	[tilespmem:$0x29E0] =	vst v1  }
0x32: {  	[tilespmem:$0x29F0] =	vst v1  }
0x33: {  	[tilespmem:$0x2A00] =	vst v1  }
0x34: {  	[tilespmem:$0x2A10] =	vst v1  }
0x35: {  	[tilespmem:$0x2A20] =	vst v1  }
0x36: {  	[tilespmem:$0x2A30] =	vst v1  }
0x37: {  	[tilespmem:$0x2A40] =	vst v1  }
0x38: {  	[tilespmem:$0x2A50] =	vst v1  }
0x39: {  	[tilespmem:$0x2A60] =	vst v1  }
0x3a: {  	[tilespmem:$0x2A70] =	vst v1  }
0x3b: {  	[tilespmem:$0x2A80] =	vst v1  }
0x3c: {  	[tilespmem:$0x2A90] =	vst v1  }
0x3d: {  	[tilespmem:$0x2AA0] =	vst v1  }
0x3e: {  	[tilespmem:$0x2AB0] =	vst v1  }
0x3f: {  	[tilespmem:$0x2AC0] =	vst v1  }
0x40: {  	[tilespmem:$0x2AD0] =	vst v1  }
0x41: {  	[tilespmem:$0x2AE0] =	vst v1  }
0x42: {  	[tilespmem:$0x2AF0] =	vst v1  }
0x43: {  	[spmem:s5] =	stream.linear.scatter [tilespmem:s9], [sflag:$0x1], $0x280, $0x38;
	[tilespmem:$0x2D80] =	vst v63  }
0x44: {  	_ =	swait.ge [sflag:s8], $0x280  }
0x45: {  	[sflag:s8] =	ssyncset.done $0x0  }
0x46: {  	[sflag:s8] =	ssyncadd.s32 $0xFFFFFD80  }
0x47: {  	s17 =	simm.s32 $0x0;
	[bflag:$0x0] =	sbarrier.arrive $0xFFFF  }
0x48: {  	[spmem:s2] =	stream.indirect.scatter.add.f32 [tilespmem:s11], [sflag:$0x1], $0x1, s17, s10, $0xb8;
	[tilespmem:$0x2D80] =	vst v63  }
0x49: {  	_ =	swait.ge [sflag:s8], $0x7D  }
0x4a: {  	s17 =	simm.s32 $0x200;
	[sflag:s8] =	ssyncset.done $0x0  }
.LBB2_2:
0x4b: {  	s18 =	sshra.s32 s17, $0x2;
	[sflag:s8] =	ssyncadd.s32 $0xFFFFFF83;
	p0 =	sne.s32 s17, $0x9E00  }
0x4c: {  	[spmem:s2] =	stream.indirect.scatter.add.f32 [tilespmem:s11], [sflag:$0x1], $0x1, s18, s10, $0xb8;
	[tilespmem:$0x2D80] =	vst v63  }
.Ltmp0:
0x4d: {  	_ = 	snop;
	(pc) =	sbr.rel @p0 .LBB2_2-.Ltmp0, $4  }
0x4e: {  	_ = 	snop  }
0x4f: {  	s17 =	sadd.s32 $0x200, s17  }
0x50: {  	_ =	swait.ge [sflag:s8], $0x7D  }
0x51: {  	[sflag:s8] =	ssyncset.done $0x0  }
0x52: {  	s16 =	sadd.s32 $0x1, s16  }
0x53: {  	[sflag:s8] =	ssyncadd.s32 $0xFFFFFF83;
	p0 =	sne.s32 s16, s7  }
.Ltmp1:
0x54: {  	[bflag:$0x0] =	sbarrier.arrive $0xFFFF;
	(pc) =	sbr.rel @p0 .LBB2_1-.Ltmp1, $4  }
0x55: {  	[hbm:s6@s14], [sflag:s12] =	dma.strided [spmem:s13@s15], $0x50, s8, $0x10   }
0x56: {  	_ =	swait.ge [sflag:s8], $0x50  }
0x57: {  	[sflag:s8] =	ssyncset.done $0x0  }
0x58: {  	[sflag:s8] =	ssyncadd.s32 $0xFFFFFFB0  }
0x59: {  	_ =	sfence.sel $0x180000  }
0x5a: {  	[bflag:$0x0] =	sbarrier.arrive $0xFFFF  }
0x5b: {  	p0 =	sne.s32 s0, $0x0;
	_ =	strace $0x90000047  }
0x5c: {  	s0 =	sadd.s32 @!p0 $0x100000, s1;
	[bflag:$0x2] =	sbarrier.arrive $0xFFFF  }
0x5d: {  	[sflag:s0] =	ssyncadd.tile.s32 @!p0 $0x1;
	_ =	shalt  }
.Lfunc_end2:
_tile_overlayer_lowered:
.L_overlay_start_2:
0x5e: {  	(tag) =	ssettag $0x2  }
0x5f: {  	s0 =	rddreg [dreg:$0x0];
	s2 =	stileid.u32  }
0x60: {  	s1 =	rddreg [dreg:$0x1];
	p0 =	sne.s32 s2, $0x0  }
0x61: {  	s3 =	rddreg [dreg:$0x2];
	[bflag:$0x3] =	sbarrier.arrive $0xFFFF;
	s2 =	simm.s32 @!p0 $0x1C01  }
0x62: {  	[timem:s3], [sflag:s2] =	dma.local @!p0 [hbm:s0], s1  }
0x63: {  	s0 =	simm.s32 @!p0 $0x1  }
0x64: {  	_ =	swait.ge @!p0 [sflag:s0], s1  }
0x65: {  	s1 =	ssub.s32 @!p0 $0x0, s1;
	[sflag:s0] =	ssyncset.done @!p0 $0x0  }
0x66: {  	[sflag:s0] =	ssyncadd.s32 @!p0 s1  }
0x67: {  	[bflag:$0x3] =	sbarrier.arrive $0xFFFF  }
0x68: {  	_ =	shalt  }

</sc_bundles>
